<compile_context>
chip_gen: v7x
topology: tpu7x:2x2x1
jax: 0.10.2.dev20260603
libtpu: 0.0.44.dev20260713+nightly
codegen_flags: <defaults>
</compile_context>

<pallas_src>
import functools

import jax
import jax.numpy as jnp
from jax import lax
from jax.experimental import pallas as pl
from jax.experimental.pallas import tpu as pltpu
from jax.experimental.pallas import tpu_sc as plsc

NC = 2
NS = 16
L = 16
K = 128
NW = NC * NS



DW = 128


def _make_degrees(npad, ch_e, nset):
    rpt = npad // NS
    zr = 8
    mesh = plsc.VectorSubcoreMesh(core_axis_name="c", subcore_axis_name="s")

    def body(idx_hbm, out_hbm, idxv, ones, zbuf, sdeg):
        cid = lax.axis_index("c")
        sid = lax.axis_index("s")

        def fill(r, carry):
            for k in range(DW // L):
                ones[r, pl.ds(k * L, L)] = jnp.full((L,), 1.0, jnp.float32)
            return carry
        lax.fori_loop(0, K, fill, 0)

        def zfill(r, carry):
            for k in range(DW // L):
                zbuf[r, pl.ds(k * L, L)] = jnp.zeros((L,), jnp.float32)
            return carry
        lax.fori_loop(0, zr, zfill, 0)

        def zcopy(t, carry):
            pltpu.sync_copy(zbuf, sdeg.at[pl.ds(sid * rpt + t * zr, zr)])
            return carry
        lax.fori_loop(0, rpt // zr, zcopy, 0)

        for a in range(nset):
            pltpu.sync_copy(idx_hbm.at[a, cid, sid], idxv)
            plsc.subcore_barrier()

            def acc(j, carry):
                pltpu.sync_copy(ones, sdeg.at[idxv.at[j]], add=True)
                return carry
            lax.fori_loop(0, ch_e, acc, 0)

            plsc.subcore_barrier()
            pltpu.sync_copy(sdeg.at[pl.ds(sid * rpt, rpt)],
                            out_hbm.at[cid, pl.ds(a * npad + sid * rpt, rpt)])
            if a < nset - 1:
                lax.fori_loop(0, rpt // zr, zcopy, 0)
                plsc.subcore_barrier()

    return functools.partial(
        pl.kernel,
        out_type=jax.ShapeDtypeStruct((NC, nset * npad, DW), jnp.float32),
        mesh=mesh,
        scratch_types=[
            pltpu.VMEM((ch_e, K), jnp.int32),
            pltpu.VMEM((K, DW), jnp.float32),
            pltpu.VMEM((zr, DW), jnp.float32),
            pltpu.VMEM_SHARED((npad, DW), jnp.float32),
        ],
    )(body)


def _make_propagate(npad, ch_e, d):
    rpt = npad // NS
    zr = 8
    mesh = plsc.VectorSubcoreMesh(core_axis_name="c", subcore_axis_name="s")

    def body(msg_hbm, src_hbm, dst_hbm, out_hbm,
             srcv, dstv, buf, zbuf, sem, aggsp):
        cid = lax.axis_index("c")
        sid = lax.axis_index("s")

        def zero_row(r, carry):
            for k in range(d // L):
                zbuf[r, pl.ds(k * L, L)] = jnp.zeros((L,), jnp.float32)
            return carry
        lax.fori_loop(0, zr, zero_row, 0)

        def zcopy(t, carry):
            pltpu.sync_copy(zbuf, aggsp.at[pl.ds(sid * rpt + t * zr, zr)])
            return carry
        lax.fori_loop(0, rpt // zr, zcopy, 0)

        pltpu.sync_copy(src_hbm.at[cid, sid], srcv)
        pltpu.sync_copy(dst_hbm.at[cid, sid], dstv)
        plsc.subcore_barrier()

        def chunk(j, carry):
            pltpu.async_copy(msg_hbm.at[srcv.at[j]], buf, sem).wait()
            pltpu.sync_copy(buf, aggsp.at[dstv.at[j]], add=True)
            return carry
        lax.fori_loop(0, ch_e, chunk, 0)

        plsc.subcore_barrier()
        pltpu.sync_copy(aggsp.at[pl.ds(sid * rpt, rpt)],
                        out_hbm.at[cid, pl.ds(sid * rpt, rpt)])

    return functools.partial(
        pl.kernel,
        out_type=jax.ShapeDtypeStruct((NC, npad, d), jnp.float32),
        mesh=mesh,
        scratch_types=[
            pltpu.VMEM((ch_e, K), jnp.int32),
            pltpu.VMEM((ch_e, K), jnp.int32),
            pltpu.VMEM((K, d), jnp.float32),
            pltpu.VMEM((zr, d), jnp.float32),
            pltpu.SemaphoreType.DMA,
            pltpu.VMEM_SHARED((npad, d), jnp.float32),
        ],
    )(body)



def _tc_msg1(degp, x_pad, din):
    npad = x_pad.shape[0]

    def body(deg_ref, x_ref, msg_ref):
        deg = deg_ref[0] + deg_ref[1]
        ns1 = lax.rsqrt(jnp.maximum(deg[:, 0:1], 1.0))
        msg_ref[...] = x_ref[...] * ns1

    return pl.pallas_call(
        body,
        grid=(npad // K,),
        in_specs=[
            pl.BlockSpec((NC, K, DW), lambda j: (0, j, 0)),
            pl.BlockSpec((K, din), lambda j: (j, 0)),
        ],
        out_specs=pl.BlockSpec((K, din), lambda j: (j, 0)),
        out_shape=jax.ShapeDtypeStruct((npad, din), jnp.float32),
    )(degp, x_pad)


def _tc_layer1_msg2(aggp, degp1, degp2, w1, b1r, chn):
    npad = aggp.shape[1]
    din = w1.shape[0]
    dh = w1.shape[1]

    def body(aggp_ref, deg1_ref, deg2_ref, w1_ref, b1_ref, msg2_ref):
        agg = aggp_ref[0] + aggp_ref[1]
        deg1 = deg1_ref[0] + deg1_ref[1]
        nd1 = lax.rsqrt(jnp.maximum(deg1[:, 0:1], 1.0))
        h = jnp.dot(agg * nd1, w1_ref[...],
                    preferred_element_type=jnp.float32) + b1_ref[0:1]
        h = jnp.maximum(h, 0.0)
        deg2 = deg2_ref[0] + deg2_ref[1]
        ns2 = lax.rsqrt(jnp.maximum(deg2[:, 0:1], 1.0))
        msg2_ref[...] = h * ns2

    return pl.pallas_call(
        body,
        grid=(npad // K,),
        in_specs=[
            pl.BlockSpec((NC, K, din), lambda j: (0, j, 0)),
            pl.BlockSpec((NC, K, DW), lambda j: (0, chn + j, 0)),
            pl.BlockSpec((NC, K, DW), lambda j: (0, j, 0)),
            pl.BlockSpec((din, dh), lambda j: (0, 0)),
            pl.BlockSpec((8, dh), lambda j: (0, 0)),
        ],
        out_specs=pl.BlockSpec((K, dh), lambda j: (j, 0)),
        out_shape=jax.ShapeDtypeStruct((npad, dh), jnp.float32),
    )(aggp, degp1, degp2, w1, b1r)


def _tc_final(aggp2, degp, w2, b2r, chn):
    npad = aggp2.shape[1]
    dh = w2.shape[0]
    dout = w2.shape[1]

    def body(aggp_ref, deg_ref, w2_ref, b2_ref, out_ref):
        agg = aggp_ref[0] + aggp_ref[1]
        deg = deg_ref[0] + deg_ref[1]
        nd2 = lax.rsqrt(jnp.maximum(deg[:, 0:1], 1.0))
        o = jnp.dot(agg * nd2, w2_ref[...],
                    preferred_element_type=jnp.float32) + b2_ref[0:1]
        o = jnp.maximum(o, 0.0)
        m = jnp.max(o, axis=1, keepdims=True)
        ex = jnp.exp(o - m)
        s = jnp.sum(ex, axis=1, keepdims=True)
        out_ref[...] = (o - m) - jnp.log(s)

    return pl.pallas_call(
        body,
        grid=(npad // K,),
        in_specs=[
            pl.BlockSpec((NC, K, dh), lambda j: (0, j, 0)),
            pl.BlockSpec((NC, K, DW), lambda j: (0, chn + j, 0)),
            pl.BlockSpec((dh, dout), lambda j: (0, 0)),
            pl.BlockSpec((8, dout), lambda j: (0, 0)),
        ],
        out_specs=pl.BlockSpec((K, dout), lambda j: (j, 0)),
        out_shape=jax.ShapeDtypeStruct((npad, dout), jnp.float32),
    )(aggp2, degp, w2, b2r)



def kernel(in_feat, edge_index1, edge_index2, W1, b1, W2, b2):
    n, din = in_feat.shape
    dh = W1.shape[1]
    dout = W2.shape[1]
    e = edge_index1.shape[1]

    chn = -(-(n + 1) // K)
    npad = chn * K
    ept = -(-e // (NW * K)) * K
    ch_e = ept // K
    pad_e = ept * NW - e

    def prep(eidx):
        padv = jnp.full((pad_e,), n, jnp.int32)
        s = jnp.concatenate([eidx[0], padv]).reshape(NC, NS, ch_e, K)
        d = jnp.concatenate([eidx[1], padv]).reshape(NC, NS, ch_e, K)
        return s, d

    s1, d1 = prep(edge_index1)
    s2, d2 = prep(edge_index2)
    x_pad = jnp.pad(in_feat, ((0, npad - n), (0, 0)))

    mkdeg = _make_degrees(npad, ch_e, 2)
    degp1 = mkdeg(jnp.stack([s1, d1]))
    degp2 = mkdeg(jnp.stack([s2, d2]))

    msg1 = _tc_msg1(degp1, x_pad, din)

    aggp1 = _make_propagate(npad, ch_e, din)(msg1, s1, d1)

    b1r = jnp.broadcast_to(b1[None, :], (8, dh))
    msg2 = _tc_layer1_msg2(aggp1, degp1, degp2, W1, b1r, chn)

    aggp2 = _make_propagate(npad, ch_e, dh)(msg2, s2, d2)

    b2r = jnp.broadcast_to(b2[None, :], (8, dout))
    out = _tc_final(aggp2, degp2, W2, b2r, chn)
    return out[:n]

# --- scband reference (transcript-rebuilt; emitter-appended) ---
"""Pipeline reference for scband-gcn-15659450761582 (READ-ONLY COPY).

The authoritative reference and input builder live on the scoring server;
editing this copy changes nothing except your own understanding.
"""

import jax, jax.numpy as jnp
import numpy as np

N = 10000
E = 320000
D_IN = 128
D_H = 128
D_OUT = 64


def setup_inputs(seed: int = 0) -> dict:
    key = jax.random.key(seed)
    k1, k2, k3, k4, k5 = jax.random.split(key, 5)
    in_feat = jax.random.normal(k1, (N, D_IN), dtype=jnp.float32)
    edge_index1 = jax.random.randint(k2, (2, E), 0, N, dtype=jnp.int32)
    edge_index2 = jax.random.randint(k3, (2, E), 0, N, dtype=jnp.int32)
    W1 = jax.random.normal(k4, (D_IN, D_H), dtype=jnp.float32) * 0.05
    b1 = jnp.zeros((D_H,), dtype=jnp.float32)
    W2 = jax.random.normal(k5, (D_H, D_OUT), dtype=jnp.float32) * 0.05
    b2 = jnp.zeros((D_OUT,), dtype=jnp.float32)
    return {"in_feat": in_feat, "edge_index1": edge_index1, "edge_index2": edge_index2,
            "W1": W1, "b1": b1, "W2": W2, "b2": b2}


def _gcn_layer(x, src, dst, W, b):
    # DGL GraphConv with norm='both': out = D_dst^{-1/2} A D_src^{-1/2} X W + b
    ones = jnp.ones((src.shape[0],), dtype=jnp.float32)
    out_deg = jnp.zeros((N,), dtype=jnp.float32).at[src].add(ones)
    in_deg = jnp.zeros((N,), dtype=jnp.float32).at[dst].add(ones)
    norm_src = jax.lax.rsqrt(jnp.maximum(out_deg, 1.0))
    norm_dst = jax.lax.rsqrt(jnp.maximum(in_deg, 1.0))
    msg = x * norm_src[:, None]
    gathered = jnp.take(msg, src, axis=0)
    agg = jnp.zeros((N, x.shape[1]), dtype=x.dtype).at[dst].add(gathered)
    h = agg * norm_dst[:, None]
    return h @ W + b


def reference(in_feat, edge_index1, edge_index2, W1, b1, W2, b2):
    # layer 1 + relu (dropout p=0.0 -> identity)
    h = jax.nn.relu(_gcn_layer(in_feat, edge_index1[0], edge_index1[1], W1, b1))
    # layer 2 + relu
    h = jax.nn.relu(_gcn_layer(h, edge_index2[0], edge_index2[1], W2, b2))
    return jax.nn.log_softmax(h, axis=1)

if __name__ == "__main__":
    import jax
    _d = setup_inputs()
    print(jax.jit(kernel)(*tuple(_d.values())))

</pallas_src>

<mosaic_0001>
#map = affine_map<(d0, d1) -> (0, 0, 0, 0, 0)>
#map1 = affine_map<(d0, d1) -> (0, 0, 0)>
module attributes {stable_mosaic.version = 14 : i64} {
  func.func @body(%arg0: i32, %arg1: i32, %arg2: memref<2x2x16x79x128xi32, #tpu.memory_space<hbm>>, %arg3: memref<2x20224x128xf32, #tpu.memory_space<hbm>>, %arg4: memref<79x128xi32, #tpu.memory_space<vmem>>, %arg5: memref<128x128xf32, #tpu.memory_space<vmem>>, %arg6: memref<8x128xf32, #tpu.memory_space<vmem>>, %arg7: memref<10112x128xf32, #tpu.memory_space<vmem_shared>>) attributes {dimension_semantics = [#tpu.dimension_semantics<core_parallel>, #tpu.dimension_semantics<subcore_parallel>], iteration_bounds = array<i64: 2, 16>, scalar_prefetch = 0 : i64, scratch_operands = 4 : i64, tpu.core_type = #tpu.core_type<sc_vector_subcore>, window_params = [{transform_indices = #map}, {transform_indices = #map1}]} {
    %scan3A = arith.constant 0 : i32
    %scan3A_0 = arith.constant 0 : i32
    %scan3A_1 = arith.constant 128 : i32
    %scan3A_2 = arith.addi %scan3A_0, %scan3A_1 : i32
    %scan3A_3 = arith.constant 1 : i32
    scf.for %scan3A_50 = %scan3A_0 to %scan3A_2 step %scan3A_3  : i32 {
      %broadcast_in_dim3A = arith.constant 1.000000e+00 : f32
      %broadcast_in_dim3A_51 = vector.broadcast %broadcast_in_dim3A : f32 to vector<16xf32>
      %swap3A = arith.index_cast %scan3A_50 : i32 to index
      %swap3A_52 = arith.constant 0 : index
      %swap3A_53 = tpu.vector_load %arg5[%swap3A, %swap3A_52] {strides = array<i32>} : memref<128x128xf32, #tpu.memory_space<vmem>>, vector<1x16xf32>,
      %swap3A_54 = vector.shape_cast %swap3A_53 : vector<1x16xf32> to vector<16xf32>
      %swap3A_55 = vector.shape_cast %broadcast_in_dim3A_51 : vector<16xf32> to vector<1x16xf32>
      tpu.vector_store %arg5[%swap3A, %swap3A_52], %swap3A_55 {strides = array<i32>} : memref<128x128xf32, #tpu.memory_space<vmem>>, vector<1x16xf32>,
      %broadcast_in_dim3A_56 = arith.constant 1.000000e+00 : f32
      %broadcast_in_dim3A_57 = vector.broadcast %broadcast_in_dim3A_56 : f32 to vector<16xf32>
      %swap3A_58 = arith.index_cast %scan3A_50 : i32 to index
      %swap3A_59 = arith.constant 16 : index
      %swap3A_60 = tpu.vector_load %arg5[%swap3A_58, %swap3A_59] {strides = array<i32>} : memref<128x128xf32, #tpu.memory_space<vmem>>, vector<1x16xf32>,
      %swap3A_61 = vector.shape_cast %swap3A_60 : vector<1x16xf32> to vector<16xf32>
      %swap3A_62 = vector.shape_cast %broadcast_in_dim3A_57 : vector<16xf32> to vector<1x16xf32>
      tpu.vector_store %arg5[%swap3A_58, %swap3A_59], %swap3A_62 {strides = array<i32>} : memref<128x128xf32, #tpu.memory_space<vmem>>, vector<1x16xf32>,
      %broadcast_in_dim3A_63 = arith.constant 1.000000e+00 : f32
      %broadcast_in_dim3A_64 = vector.broadcast %broadcast_in_dim3A_63 : f32 to vector<16xf32>
      %swap3A_65 = arith.index_cast %scan3A_50 : i32 to index
      %swap3A_66 = arith.constant 32 : index
      %swap3A_67 = tpu.vector_load %arg5[%swap3A_65, %swap3A_66] {strides = array<i32>} : memref<128x128xf32, #tpu.memory_space<vmem>>, vector<1x16xf32>,
      %swap3A_68 = vector.shape_cast %swap3A_67 : vector<1x16xf32> to vector<16xf32>
      %swap3A_69 = vector.shape_cast %broadcast_in_dim3A_64 : vector<16xf32> to vector<1x16xf32>
      tpu.vector_store %arg5[%swap3A_65, %swap3A_66], %swap3A_69 {strides = array<i32>} : memref<128x128xf32, #tpu.memory_space<vmem>>, vector<1x16xf32>,
      %broadcast_in_dim3A_70 = arith.constant 1.000000e+00 : f32
      %broadcast_in_dim3A_71 = vector.broadcast %broadcast_in_dim3A_70 : f32 to vector<16xf32>
      %swap3A_72 = arith.index_cast %scan3A_50 : i32 to index
      %swap3A_73 = arith.constant 48 : index
      %swap3A_74 = tpu.vector_load %arg5[%swap3A_72, %swap3A_73] {strides = array<i32>} : memref<128x128xf32, #tpu.memory_space<vmem>>, vector<1x16xf32>,
      %swap3A_75 = vector.shape_cast %swap3A_74 : vector<1x16xf32> to vector<16xf32>
      %swap3A_76 = vector.shape_cast %broadcast_in_dim3A_71 : vector<16xf32> to vector<1x16xf32>
      tpu.vector_store %arg5[%swap3A_72, %swap3A_73], %swap3A_76 {strides = array<i32>} : memref<128x128xf32, #tpu.memory_space<vmem>>, vector<1x16xf32>,
      %broadcast_in_dim3A_77 = arith.constant 1.000000e+00 : f32
      %broadcast_in_dim3A_78 = vector.broadcast %broadcast_in_dim3A_77 : f32 to vector<16xf32>
      %swap3A_79 = arith.index_cast %scan3A_50 : i32 to index
      %swap3A_80 = arith.constant 64 : index
      %swap3A_81 = tpu.vector_load %arg5[%swap3A_79, %swap3A_80] {strides = array<i32>} : memref<128x128xf32, #tpu.memory_space<vmem>>, vector<1x16xf32>,
      %swap3A_82 = vector.shape_cast %swap3A_81 : vector<1x16xf32> to vector<16xf32>
      %swap3A_83 = vector.shape_cast %broadcast_in_dim3A_78 : vector<16xf32> to vector<1x16xf32>
      tpu.vector_store %arg5[%swap3A_79, %swap3A_80], %swap3A_83 {strides = array<i32>} : memref<128x128xf32, #tpu.memory_space<vmem>>, vector<1x16xf32>,
      %broadcast_in_dim3A_84 = arith.constant 1.000000e+00 : f32
      %broadcast_in_dim3A_85 = vector.broadcast %broadcast_in_dim3A_84 : f32 to vector<16xf32>
      %swap3A_86 = arith.index_cast %scan3A_50 : i32 to index
      %swap3A_87 = arith.constant 80 : index
      %swap3A_88 = tpu.vector_load %arg5[%swap3A_86, %swap3A_87] {strides = array<i32>} : memref<128x128xf32, #tpu.memory_space<vmem>>, vector<1x16xf32>,
      %swap3A_89 = vector.shape_cast %swap3A_88 : vector<1x16xf32> to vector<16xf32>
      %swap3A_90 = vector.shape_cast %broadcast_in_dim3A_85 : vector<16xf32> to vector<1x16xf32>
      tpu.vector_store %arg5[%swap3A_86, %swap3A_87], %swap3A_90 {strides = array<i32>} : memref<128x128xf32, #tpu.memory_space<vmem>>, vector<1x16xf32>,
      %broadcast_in_dim3A_91 = arith.constant 1.000000e+00 : f32
      %broadcast_in_dim3A_92 = vector.broadcast %broadcast_in_dim3A_91 : f32 to vector<16xf32>
      %swap3A_93 = arith.index_cast %scan3A_50 : i32 to index
      %swap3A_94 = arith.constant 96 : index
      %swap3A_95 = tpu.vector_load %arg5[%swap3A_93, %swap3A_94] {strides = array<i32>} : memref<128x128xf32, #tpu.memory_space<vmem>>, vector<1x16xf32>,
      %swap3A_96 = vector.shape_cast %swap3A_95 : vector<1x16xf32> to vector<16xf32>
      %swap3A_97 = vector.shape_cast %broadcast_in_dim3A_92 : vector<16xf32> to vector<1x16xf32>
      tpu.vector_store %arg5[%swap3A_93, %swap3A_94], %swap3A_97 {strides = array<i32>} : memref<128x128xf32, #tpu.memory_space<vmem>>, vector<1x16xf32>,
      %broadcast_in_dim3A_98 = arith.constant 1.000000e+00 : f32
      %broadcast_in_dim3A_99 = vector.broadcast %broadcast_in_dim3A_98 : f32 to vector<16xf32>
      %swap3A_100 = arith.index_cast %scan3A_50 : i32 to index
      %swap3A_101 = arith.constant 112 : index
      %swap3A_102 = tpu.vector_load %arg5[%swap3A_100, %swap3A_101] {strides = array<i32>} : memref<128x128xf32, #tpu.memory_space<vmem>>, vector<1x16xf32>,
      %swap3A_103 = vector.shape_cast %swap3A_102 : vector<1x16xf32> to vector<16xf32>
      %swap3A_104 = vector.shape_cast %broadcast_in_dim3A_99 : vector<16xf32> to vector<1x16xf32>
      tpu.vector_store %arg5[%swap3A_100, %swap3A_101], %swap3A_104 {strides = array<i32>} : memref<128x128xf32, #tpu.memory_space<vmem>>, vector<1x16xf32>,
    }
    %scan3A_4 = arith.constant 128 : i32
    %scan3A_5 = arith.constant 0 : i32
    %scan3A_6 = arith.constant 0 : i32
    %scan3A_7 = arith.constant 8 : i32
    %scan3A_8 = arith.addi %scan3A_6, %scan3A_7 : i32
    %scan3A_9 = arith.constant 1 : i32
    scf.for %scan3A_50 = %scan3A_6 to %scan3A_8 step %scan3A_9  : i32 {
      %broadcast_in_dim3A = arith.constant 0.000000e+00 : f32
      %broadcast_in_dim3A_51 = vector.broadcast %broadcast_in_dim3A : f32 to vector<16xf32>
      %swap3A = arith.index_cast %scan3A_50 : i32 to index
      %swap3A_52 = arith.constant 0 : index
      %swap3A_53 = tpu.vector_load %arg6[%swap3A, %swap3A_52] {strides = array<i32>} : memref<8x128xf32, #tpu.memory_space<vmem>>, vector<1x16xf32>,
      %swap3A_54 = vector.shape_cast %swap3A_53 : vector<1x16xf32> to vector<16xf32>
      %swap3A_55 = vector.shape_cast %broadcast_in_dim3A_51 : vector<16xf32> to vector<1x16xf32>
      tpu.vector_store %arg6[%swap3A, %swap3A_52], %swap3A_55 {strides = array<i32>} : memref<8x128xf32, #tpu.memory_space<vmem>>, vector<1x16xf32>,
      %broadcast_in_dim3A_56 = arith.constant 0.000000e+00 : f32
      %broadcast_in_dim3A_57 = vector.broadcast %broadcast_in_dim3A_56 : f32 to vector<16xf32>
      %swap3A_58 = arith.index_cast %scan3A_50 : i32 to index
      %swap3A_59 = arith.constant 16 : index
      %swap3A_60 = tpu.vector_load %arg6[%swap3A_58, %swap3A_59] {strides = array<i32>} : memref<8x128xf32, #tpu.memory_space<vmem>>, vector<1x16xf32>,
      %swap3A_61 = vector.shape_cast %swap3A_60 : vector<1x16xf32> to vector<16xf32>
      %swap3A_62 = vector.shape_cast %broadcast_in_dim3A_57 : vector<16xf32> to vector<1x16xf32>
      tpu.vector_store %arg6[%swap3A_58, %swap3A_59], %swap3A_62 {strides = array<i32>} : memref<8x128xf32, #tpu.memory_space<vmem>>, vector<1x16xf32>,
      %broadcast_in_dim3A_63 = arith.constant 0.000000e+00 : f32
      %broadcast_in_dim3A_64 = vector.broadcast %broadcast_in_dim3A_63 : f32 to vector<16xf32>
      %swap3A_65 = arith.index_cast %scan3A_50 : i32 to index
      %swap3A_66 = arith.constant 32 : index
      %swap3A_67 = tpu.vector_load %arg6[%swap3A_65, %swap3A_66] {strides = array<i32>} : memref<8x128xf32, #tpu.memory_space<vmem>>, vector<1x16xf32>,
      %swap3A_68 = vector.shape_cast %swap3A_67 : vector<1x16xf32> to vector<16xf32>
      %swap3A_69 = vector.shape_cast %broadcast_in_dim3A_64 : vector<16xf32> to vector<1x16xf32>
      tpu.vector_store %arg6[%swap3A_65, %swap3A_66], %swap3A_69 {strides = array<i32>} : memref<8x128xf32, #tpu.memory_space<vmem>>, vector<1x16xf32>,
      %broadcast_in_dim3A_70 = arith.constant 0.000000e+00 : f32
      %broadcast_in_dim3A_71 = vector.broadcast %broadcast_in_dim3A_70 : f32 to vector<16xf32>
      %swap3A_72 = arith.index_cast %scan3A_50 : i32 to index
      %swap3A_73 = arith.constant 48 : index
      %swap3A_74 = tpu.vector_load %arg6[%swap3A_72, %swap3A_73] {strides = array<i32>} : memref<8x128xf32, #tpu.memory_space<vmem>>, vector<1x16xf32>,
      %swap3A_75 = vector.shape_cast %swap3A_74 : vector<1x16xf32> to vector<16xf32>
      %swap3A_76 = vector.shape_cast %broadcast_in_dim3A_71 : vector<16xf32> to vector<1x16xf32>
      tpu.vector_store %arg6[%swap3A_72, %swap3A_73], %swap3A_76 {strides = array<i32>} : memref<8x128xf32, #tpu.memory_space<vmem>>, vector<1x16xf32>,
      %broadcast_in_dim3A_77 = arith.constant 0.000000e+00 : f32
      %broadcast_in_dim3A_78 = vector.broadcast %broadcast_in_dim3A_77 : f32 to vector<16xf32>
      %swap3A_79 = arith.index_cast %scan3A_50 : i32 to index
      %swap3A_80 = arith.constant 64 : index
      %swap3A_81 = tpu.vector_load %arg6[%swap3A_79, %swap3A_80] {strides = array<i32>} : memref<8x128xf32, #tpu.memory_space<vmem>>, vector<1x16xf32>,
      %swap3A_82 = vector.shape_cast %swap3A_81 : vector<1x16xf32> to vector<16xf32>
      %swap3A_83 = vector.shape_cast %broadcast_in_dim3A_78 : vector<16xf32> to vector<1x16xf32>
      tpu.vector_store %arg6[%swap3A_79, %swap3A_80], %swap3A_83 {strides = array<i32>} : memref<8x128xf32, #tpu.memory_space<vmem>>, vector<1x16xf32>,
      %broadcast_in_dim3A_84 = arith.constant 0.000000e+00 : f32
      %broadcast_in_dim3A_85 = vector.broadcast %broadcast_in_dim3A_84 : f32 to vector<16xf32>
      %swap3A_86 = arith.index_cast %scan3A_50 : i32 to index
      %swap3A_87 = arith.constant 80 : index
      %swap3A_88 = tpu.vector_load %arg6[%swap3A_86, %swap3A_87] {strides = array<i32>} : memref<8x128xf32, #tpu.memory_space<vmem>>, vector<1x16xf32>,
      %swap3A_89 = vector.shape_cast %swap3A_88 : vector<1x16xf32> to vector<16xf32>
      %swap3A_90 = vector.shape_cast %broadcast_in_dim3A_85 : vector<16xf32> to vector<1x16xf32>
      tpu.vector_store %arg6[%swap3A_86, %swap3A_87], %swap3A_90 {strides = array<i32>} : memref<8x128xf32, #tpu.memory_space<vmem>>, vector<1x16xf32>,
      %broadcast_in_dim3A_91 = arith.constant 0.000000e+00 : f32
      %broadcast_in_dim3A_92 = vector.broadcast %broadcast_in_dim3A_91 : f32 to vector<16xf32>
      %swap3A_93 = arith.index_cast %scan3A_50 : i32 to index
      %swap3A_94 = arith.constant 96 : index
      %swap3A_95 = tpu.vector_load %arg6[%swap3A_93, %swap3A_94] {strides = array<i32>} : memref<8x128xf32, #tpu.memory_space<vmem>>, vector<1x16xf32>,
      %swap3A_96 = vector.shape_cast %swap3A_95 : vector<1x16xf32> to vector<16xf32>
      %swap3A_97 = vector.shape_cast %broadcast_in_dim3A_92 : vector<16xf32> to vector<1x16xf32>
      tpu.vector_store %arg6[%swap3A_93, %swap3A_94], %swap3A_97 {strides = array<i32>} : memref<8x128xf32, #tpu.memory_space<vmem>>, vector<1x16xf32>,
      %broadcast_in_dim3A_98 = arith.constant 0.000000e+00 : f32
      %broadcast_in_dim3A_99 = vector.broadcast %broadcast_in_dim3A_98 : f32 to vector<16xf32>
      %swap3A_100 = arith.index_cast %scan3A_50 : i32 to index
      %swap3A_101 = arith.constant 112 : index
      %swap3A_102 = tpu.vector_load %arg6[%swap3A_100, %swap3A_101] {strides = array<i32>} : memref<8x128xf32, #tpu.memory_space<vmem>>, vector<1x16xf32>,
      %swap3A_103 = vector.shape_cast %swap3A_102 : vector<1x16xf32> to vector<16xf32>
      %swap3A_104 = vector.shape_cast %broadcast_in_dim3A_99 : vector<16xf32> to vector<1x16xf32>
      tpu.vector_store %arg6[%swap3A_100, %swap3A_101], %swap3A_104 {strides = array<i32>} : memref<8x128xf32, #tpu.memory_space<vmem>>, vector<1x16xf32>,
    }
    %scan3A_10 = arith.constant 8 : i32
    %scan3A_11 = arith.constant 0 : i32
    %scan3A_12 = arith.constant 0 : i32
    %scan3A_13 = arith.constant 79 : i32
    %scan3A_14 = arith.addi %scan3A_12, %scan3A_13 : i32
    %scan3A_15 = arith.constant 1 : i32
    scf.for %scan3A_50 = %scan3A_12 to %scan3A_14 step %scan3A_15  : i32 {
      %mul3A_51 = arith.constant 632 : i32
      %mul3A_52 = arith.muli %arg1, %mul3A_51 : i32
      %mul3A_53 = arith.constant 8 : i32
      %mul3A_54 = arith.muli %scan3A_50, %mul3A_53 : i32
      %add3A_55 = arith.addi %mul3A_52, %mul3A_54 : i32
      "tpu.region"() ({
        %run_scoped3A_56 = tpu.sem_alloc : memref<!tpu.dma_semaphore, #tpu.memory_space<semaphore_mem>>
        %dma_start3A = arith.constant 0 : i32
        %dma_start3A_57 = tpu.memref_slice %arg7[%add3A_55, %dma_start3A] : memref<10112x128xf32, #tpu.memory_space<vmem_shared>> -> memref<8x128xf32, #tpu.memory_space<vmem_shared>>
        %dma_start3A_58 = arith.constant 0 : i32
        %dma_start3A_59 = tpu.memref_slice %arg7[%add3A_55, %dma_start3A_58] : memref<10112x128xf32, #tpu.memory_space<vmem_shared>> -> memref<8x128xf32, #tpu.memory_space<vmem_shared>>
        tpu.enqueue_dma source(%arg6 : memref<8x128xf32, #tpu.memory_space<vmem>>) target(%dma_start3A_59 : memref<8x128xf32, #tpu.memory_space<vmem_shared>>) target_semaphore(%run_scoped3A_56 : memref<!tpu.dma_semaphore, #tpu.memory_space<semaphore_mem>>)
        %dma_wait3A = arith.constant 0 : i32
        %dma_wait3A_60 = tpu.memref_slice %arg7[%add3A_55, %dma_wait3A] : memref<10112x128xf32, #tpu.memory_space<vmem_shared>> -> memref<8x128xf32, #tpu.memory_space<vmem_shared>>
        %dma_wait3A_61 = arith.constant 0 : i32
        %dma_wait3A_62 = tpu.memref_slice %arg7[%add3A_55, %dma_wait3A_61] : memref<10112x128xf32, #tpu.memory_space<vmem_shared>> -> memref<8x128xf32, #tpu.memory_space<vmem_shared>>
        tpu.wait_dma2 semaphore(%run_scoped3A_56 : memref<!tpu.dma_semaphore, #tpu.memory_space<semaphore_mem>>) src(%arg6 : memref<8x128xf32, #tpu.memory_space<vmem>>) dst(%dma_wait3A_62 : memref<8x128xf32, #tpu.memory_space<vmem_shared>>)
        tpu.yield
      }) : () -> ()
    }
    %scan3A_16 = arith.constant 79 : i32
    %run_scoped3A = arith.constant 0 : i32
    "tpu.region"() ({
      %run_scoped3A_50 = tpu.sem_alloc : memref<!tpu.dma_semaphore, #tpu.memory_space<semaphore_mem>>
      %dma_start3A = arith.constant 0 : i32
      %dma_start3A_51 = arith.constant 0 : i32
      %dma_start3A_52 = tpu.memref_slice %arg2[%run_scoped3A, %arg0, %arg1, %dma_start3A, %dma_start3A_51] : memref<2x2x16x79x128xi32, #tpu.memory_space<hbm>> -> memref<1x1x1x79x128xi32, #tpu.memory_space<hbm>>
      %dma_start3A_53 = tpu.memref_squeeze %dma_start3A_52 : memref<1x1x1x79x128xi32, #tpu.memory_space<hbm>> -> memref<79x128xi32, #tpu.memory_space<hbm>>
      %dma_start3A_54 = arith.constant 0 : i32
      %dma_start3A_55 = arith.constant 0 : i32
      %dma_start3A_56 = tpu.memref_slice %arg2[%run_scoped3A, %arg0, %arg1, %dma_start3A_54, %dma_start3A_55] : memref<2x2x16x79x128xi32, #tpu.memory_space<hbm>> -> memref<1x1x1x79x128xi32, #tpu.memory_space<hbm>>
      %dma_start3A_57 = tpu.memref_squeeze %dma_start3A_56 : memref<1x1x1x79x128xi32, #tpu.memory_space<hbm>> -> memref<79x128xi32, #tpu.memory_space<hbm>>
      tpu.enqueue_dma source(%dma_start3A_57 : memref<79x128xi32, #tpu.memory_space<hbm>>) target(%arg4 : memref<79x128xi32, #tpu.memory_space<vmem>>) target_semaphore(%run_scoped3A_50 : memref<!tpu.dma_semaphore, #tpu.memory_space<semaphore_mem>>)
      %dma_wait3A = arith.constant 0 : i32
      %dma_wait3A_58 = arith.constant 0 : i32
      %dma_wait3A_59 = tpu.memref_slice %arg2[%run_scoped3A, %arg0, %arg1, %dma_wait3A, %dma_wait3A_58] : memref<2x2x16x79x128xi32, #tpu.memory_space<hbm>> -> memref<1x1x1x79x128xi32, #tpu.memory_space<hbm>>
      %dma_wait3A_60 = tpu.memref_squeeze %dma_wait3A_59 : memref<1x1x1x79x128xi32, #tpu.memory_space<hbm>> -> memref<79x128xi32, #tpu.memory_space<hbm>>
      %dma_wait3A_61 = arith.constant 0 : i32
      %dma_wait3A_62 = arith.constant 0 : i32
      %dma_wait3A_63 = tpu.memref_slice %arg2[%run_scoped3A, %arg0, %arg1, %dma_wait3A_61, %dma_wait3A_62] : memref<2x2x16x79x128xi32, #tpu.memory_space<hbm>> -> memref<1x1x1x79x128xi32, #tpu.memory_space<hbm>>
      %dma_wait3A_64 = tpu.memref_squeeze %dma_wait3A_63 : memref<1x1x1x79x128xi32, #tpu.memory_space<hbm>> -> memref<79x128xi32, #tpu.memory_space<hbm>>
      tpu.wait_dma2 semaphore(%run_scoped3A_50 : memref<!tpu.dma_semaphore, #tpu.memory_space<semaphore_mem>>) src(%dma_wait3A_64 : memref<79x128xi32, #tpu.memory_space<hbm>>) dst(%arg4 : memref<79x128xi32, #tpu.memory_space<vmem>>)
      tpu.yield
    }) : () -> ()
    %barrier3A = arith.constant 0 : index
    tpu.barrier barrier_id(%barrier3A)
    %scan3A_17 = arith.constant 0 : i32
    %scan3A_18 = arith.constant 0 : i32
    %scan3A_19 = arith.constant 79 : i32
    %scan3A_20 = arith.addi %scan3A_18, %scan3A_19 : i32
    %scan3A_21 = arith.constant 1 : i32
    scf.for %scan3A_50 = %scan3A_18 to %scan3A_20 step %scan3A_21  : i32 {
      "tpu.region"() ({
        %run_scoped3A_51 = tpu.sem_alloc : memref<!tpu.dma_semaphore, #tpu.memory_space<semaphore_mem>>
        %dma_start3A = arith.constant 0 : i32
        %dma_start3A_52 = tpu.memref_slice %arg4[%scan3A_50, %dma_start3A] : memref<79x128xi32, #tpu.memory_space<vmem>> -> memref<1x128xi32, #tpu.memory_space<vmem>>
        %dma_start3A_53 = tpu.memref_squeeze %dma_start3A_52 : memref<1x128xi32, #tpu.memory_space<vmem>> -> memref<128xi32, #tpu.memory_space<vmem>>
        %dma_start3A_54 = arith.constant 0 : i32
        %dma_start3A_55 = arith.constant 0 : i32
        %dma_start3A_56 = tpu.memref_slice %arg7[%dma_start3A_54, %dma_start3A_55] : memref<10112x128xf32, #tpu.memory_space<vmem_shared>> -> memref<10112x128xf32, #tpu.memory_space<vmem_shared>>
        tpu.enqueue_indirect_dma source(%arg5 : memref<128x128xf32, #tpu.memory_space<vmem>>) target(%dma_start3A_56 : memref<10112x128xf32, #tpu.memory_space<vmem_shared>>) offsets(%dma_start3A_53 : memref<128xi32, #tpu.memory_space<vmem>>) semaphore(%run_scoped3A_51 : memref<!tpu.dma_semaphore, #tpu.memory_space<semaphore_mem>>) {add = true}
        %dma_wait3A = arith.constant 0 : i32
        %dma_wait3A_57 = tpu.memref_slice %arg4[%scan3A_50, %dma_wait3A] : memref<79x128xi32, #tpu.memory_space<vmem>> -> memref<1x128xi32, #tpu.memory_space<vmem>>
        %dma_wait3A_58 = tpu.memref_squeeze %dma_wait3A_57 : memref<1x128xi32, #tpu.memory_space<vmem>> -> memref<128xi32, #tpu.memory_space<vmem>>
        %dma_wait3A_59 = arith.constant 0 : i32
        %dma_wait3A_60 = arith.constant 0 : i32
        %dma_wait3A_61 = tpu.memref_slice %arg7[%dma_wait3A_59, %dma_wait3A_60] : memref<10112x128xf32, #tpu.memory_space<vmem_shared>> -> memref<10112x128xf32, #tpu.memory_space<vmem_shared>>
        tpu.wait_indirect_dma semaphore(%run_scoped3A_51 : memref<!tpu.dma_semaphore, #tpu.memory_space<semaphore_mem>>) src(%arg5 : memref<128x128xf32, #tpu.memory_space<vmem>>) dst(%dma_wait3A_61 : memref<10112x128xf32, #tpu.memory_space<vmem_shared>>)
        tpu.yield
      }) : () -> ()
    }
    %scan3A_22 = arith.constant 79 : i32
    %barrier3A_23 = arith.constant 0 : index
    tpu.barrier barrier_id(%barrier3A_23)
    %mul3A = arith.constant 632 : i32
    %mul3A_24 = arith.muli %arg1, %mul3A : i32
    %mul3A_25 = arith.constant 632 : i32
    %mul3A_26 = arith.muli %arg1, %mul3A_25 : i32
    %add3A = arith.constant 0 : i32
    %add3A_27 = arith.addi %add3A, %mul3A_26 : i32
    "tpu.region"() ({
      %run_scoped3A_50 = tpu.sem_alloc : memref<!tpu.dma_semaphore, #tpu.memory_space<semaphore_mem>>
      %dma_start3A = arith.constant 0 : i32
      %dma_start3A_51 = tpu.memref_slice %arg3[%arg0, %add3A_27, %dma_start3A] : memref<2x20224x128xf32, #tpu.memory_space<hbm>> -> memref<1x632x128xf32, #tpu.memory_space<hbm>>
      %dma_start3A_52 = tpu.memref_squeeze %dma_start3A_51 : memref<1x632x128xf32, #tpu.memory_space<hbm>> -> memref<632x128xf32, #tpu.memory_space<hbm>>
      %dma_start3A_53 = arith.constant 0 : i32
      %dma_start3A_54 = tpu.memref_slice %arg7[%mul3A_24, %dma_start3A_53] : memref<10112x128xf32, #tpu.memory_space<vmem_shared>> -> memref<632x128xf32, #tpu.memory_space<vmem_shared>>
      tpu.enqueue_dma source(%dma_start3A_54 : memref<632x128xf32, #tpu.memory_space<vmem_shared>>) target(%dma_start3A_52 : memref<632x128xf32, #tpu.memory_space<hbm>>) target_semaphore(%run_scoped3A_50 : memref<!tpu.dma_semaphore, #tpu.memory_space<semaphore_mem>>)
      %dma_wait3A = arith.constant 0 : i32
      %dma_wait3A_55 = tpu.memref_slice %arg3[%arg0, %add3A_27, %dma_wait3A] : memref<2x20224x128xf32, #tpu.memory_space<hbm>> -> memref<1x632x128xf32, #tpu.memory_space<hbm>>
      %dma_wait3A_56 = tpu.memref_squeeze %dma_wait3A_55 : memref<1x632x128xf32, #tpu.memory_space<hbm>> -> memref<632x128xf32, #tpu.memory_space<hbm>>
      %dma_wait3A_57 = arith.constant 0 : i32
      %dma_wait3A_58 = tpu.memref_slice %arg7[%mul3A_24, %dma_wait3A_57] : memref<10112x128xf32, #tpu.memory_space<vmem_shared>> -> memref<632x128xf32, #tpu.memory_space<vmem_shared>>
      tpu.wait_dma2 semaphore(%run_scoped3A_50 : memref<!tpu.dma_semaphore, #tpu.memory_space<semaphore_mem>>) src(%dma_wait3A_58 : memref<632x128xf32, #tpu.memory_space<vmem_shared>>) dst(%dma_wait3A_56 : memref<632x128xf32, #tpu.memory_space<hbm>>)
      tpu.yield
    }) : () -> ()
    %scan3A_28 = arith.constant 0 : i32
    %scan3A_29 = arith.constant 0 : i32
    %scan3A_30 = arith.constant 79 : i32
    %scan3A_31 = arith.addi %scan3A_29, %scan3A_30 : i32
    %scan3A_32 = arith.constant 1 : i32
    scf.for %scan3A_50 = %scan3A_29 to %scan3A_31 step %scan3A_32  : i32 {
      %mul3A_51 = arith.constant 632 : i32
      %mul3A_52 = arith.muli %arg1, %mul3A_51 : i32
      %mul3A_53 = arith.constant 8 : i32
      %mul3A_54 = arith.muli %scan3A_50, %mul3A_53 : i32
      %add3A_55 = arith.addi %mul3A_52, %mul3A_54 : i32
      "tpu.region"() ({
        %run_scoped3A_56 = tpu.sem_alloc : memref<!tpu.dma_semaphore, #tpu.memory_space<semaphore_mem>>
        %dma_start3A = arith.constant 0 : i32
        %dma_start3A_57 = tpu.memref_slice %arg7[%add3A_55, %dma_start3A] : memref<10112x128xf32, #tpu.memory_space<vmem_shared>> -> memref<8x128xf32, #tpu.memory_space<vmem_shared>>
        %dma_start3A_58 = arith.constant 0 : i32
        %dma_start3A_59 = tpu.memref_slice %arg7[%add3A_55, %dma_start3A_58] : memref<10112x128xf32, #tpu.memory_space<vmem_shared>> -> memref<8x128xf32, #tpu.memory_space<vmem_shared>>
        tpu.enqueue_dma source(%arg6 : memref<8x128xf32, #tpu.memory_space<vmem>>) target(%dma_start3A_59 : memref<8x128xf32, #tpu.memory_space<vmem_shared>>) target_semaphore(%run_scoped3A_56 : memref<!tpu.dma_semaphore, #tpu.memory_space<semaphore_mem>>)
        %dma_wait3A = arith.constant 0 : i32
        %dma_wait3A_60 = tpu.memref_slice %arg7[%add3A_55, %dma_wait3A] : memref<10112x128xf32, #tpu.memory_space<vmem_shared>> -> memref<8x128xf32, #tpu.memory_space<vmem_shared>>
        %dma_wait3A_61 = arith.constant 0 : i32
        %dma_wait3A_62 = tpu.memref_slice %arg7[%add3A_55, %dma_wait3A_61] : memref<10112x128xf32, #tpu.memory_space<vmem_shared>> -> memref<8x128xf32, #tpu.memory_space<vmem_shared>>
        tpu.wait_dma2 semaphore(%run_scoped3A_56 : memref<!tpu.dma_semaphore, #tpu.memory_space<semaphore_mem>>) src(%arg6 : memref<8x128xf32, #tpu.memory_space<vmem>>) dst(%dma_wait3A_62 : memref<8x128xf32, #tpu.memory_space<vmem_shared>>)
        tpu.yield
      }) : () -> ()
    }
    %scan3A_33 = arith.constant 79 : i32
    %barrier3A_34 = arith.constant 0 : index
    tpu.barrier barrier_id(%barrier3A_34)
    %run_scoped3A_35 = arith.constant 1 : i32
    "tpu.region"() ({
      %run_scoped3A_50 = tpu.sem_alloc : memref<!tpu.dma_semaphore, #tpu.memory_space<semaphore_mem>>
      %dma_start3A = arith.constant 0 : i32
      %dma_start3A_51 = arith.constant 0 : i32
      %dma_start3A_52 = tpu.memref_slice %arg2[%run_scoped3A_35, %arg0, %arg1, %dma_start3A, %dma_start3A_51] : memref<2x2x16x79x128xi32, #tpu.memory_space<hbm>> -> memref<1x1x1x79x128xi32, #tpu.memory_space<hbm>>
      %dma_start3A_53 = tpu.memref_squeeze %dma_start3A_52 : memref<1x1x1x79x128xi32, #tpu.memory_space<hbm>> -> memref<79x128xi32, #tpu.memory_space<hbm>>
      %dma_start3A_54 = arith.constant 0 : i32
      %dma_start3A_55 = arith.constant 0 : i32
      %dma_start3A_56 = tpu.memref_slice %arg2[%run_scoped3A_35, %arg0, %arg1, %dma_start3A_54, %dma_start3A_55] : memref<2x2x16x79x128xi32, #tpu.memory_space<hbm>> -> memref<1x1x1x79x128xi32, #tpu.memory_space<hbm>>
      %dma_start3A_57 = tpu.memref_squeeze %dma_start3A_56 : memref<1x1x1x79x128xi32, #tpu.memory_space<hbm>> -> memref<79x128xi32, #tpu.memory_space<hbm>>
      tpu.enqueue_dma source(%dma_start3A_57 : memref<79x128xi32, #tpu.memory_space<hbm>>) target(%arg4 : memref<79x128xi32, #tpu.memory_space<vmem>>) target_semaphore(%run_scoped3A_50 : memref<!tpu.dma_semaphore, #tpu.memory_space<semaphore_mem>>)
      %dma_wait3A = arith.constant 0 : i32
      %dma_wait3A_58 = arith.constant 0 : i32
      %dma_wait3A_59 = tpu.memref_slice %arg2[%run_scoped3A_35, %arg0, %arg1, %dma_wait3A, %dma_wait3A_58] : memref<2x2x16x79x128xi32, #tpu.memory_space<hbm>> -> memref<1x1x1x79x128xi32, #tpu.memory_space<hbm>>
      %dma_wait3A_60 = tpu.memref_squeeze %dma_wait3A_59 : memref<1x1x1x79x128xi32, #tpu.memory_space<hbm>> -> memref<79x128xi32, #tpu.memory_space<hbm>>
      %dma_wait3A_61 = arith.constant 0 : i32
      %dma_wait3A_62 = arith.constant 0 : i32
      %dma_wait3A_63 = tpu.memref_slice %arg2[%run_scoped3A_35, %arg0, %arg1, %dma_wait3A_61, %dma_wait3A_62] : memref<2x2x16x79x128xi32, #tpu.memory_space<hbm>> -> memref<1x1x1x79x128xi32, #tpu.memory_space<hbm>>
      %dma_wait3A_64 = tpu.memref_squeeze %dma_wait3A_63 : memref<1x1x1x79x128xi32, #tpu.memory_space<hbm>> -> memref<79x128xi32, #tpu.memory_space<hbm>>
      tpu.wait_dma2 semaphore(%run_scoped3A_50 : memref<!tpu.dma_semaphore, #tpu.memory_space<semaphore_mem>>) src(%dma_wait3A_64 : memref<79x128xi32, #tpu.memory_space<hbm>>) dst(%arg4 : memref<79x128xi32, #tpu.memory_space<vmem>>)
      tpu.yield
    }) : () -> ()
    %barrier3A_36 = arith.constant 0 : index
    tpu.barrier barrier_id(%barrier3A_36)
    %scan3A_37 = arith.constant 0 : i32
    %scan3A_38 = arith.constant 0 : i32
    %scan3A_39 = arith.constant 79 : i32
    %scan3A_40 = arith.addi %scan3A_38, %scan3A_39 : i32
    %scan3A_41 = arith.constant 1 : i32
    scf.for %scan3A_50 = %scan3A_38 to %scan3A_40 step %scan3A_41  : i32 {
      "tpu.region"() ({
        %run_scoped3A_51 = tpu.sem_alloc : memref<!tpu.dma_semaphore, #tpu.memory_space<semaphore_mem>>
        %dma_start3A = arith.constant 0 : i32
        %dma_start3A_52 = tpu.memref_slice %arg4[%scan3A_50, %dma_start3A] : memref<79x128xi32, #tpu.memory_space<vmem>> -> memref<1x128xi32, #tpu.memory_space<vmem>>
        %dma_start3A_53 = tpu.memref_squeeze %dma_start3A_52 : memref<1x128xi32, #tpu.memory_space<vmem>> -> memref<128xi32, #tpu.memory_space<vmem>>
        %dma_start3A_54 = arith.constant 0 : i32
        %dma_start3A_55 = arith.constant 0 : i32
        %dma_start3A_56 = tpu.memref_slice %arg7[%dma_start3A_54, %dma_start3A_55] : memref<10112x128xf32, #tpu.memory_space<vmem_shared>> -> memref<10112x128xf32, #tpu.memory_space<vmem_shared>>
        tpu.enqueue_indirect_dma source(%arg5 : memref<128x128xf32, #tpu.memory_space<vmem>>) target(%dma_start3A_56 : memref<10112x128xf32, #tpu.memory_space<vmem_shared>>) offsets(%dma_start3A_53 : memref<128xi32, #tpu.memory_space<vmem>>) semaphore(%run_scoped3A_51 : memref<!tpu.dma_semaphore, #tpu.memory_space<semaphore_mem>>) {add = true}
        %dma_wait3A = arith.constant 0 : i32
        %dma_wait3A_57 = tpu.memref_slice %arg4[%scan3A_50, %dma_wait3A] : memref<79x128xi32, #tpu.memory_space<vmem>> -> memref<1x128xi32, #tpu.memory_space<vmem>>
        %dma_wait3A_58 = tpu.memref_squeeze %dma_wait3A_57 : memref<1x128xi32, #tpu.memory_space<vmem>> -> memref<128xi32, #tpu.memory_space<vmem>>
        %dma_wait3A_59 = arith.constant 0 : i32
        %dma_wait3A_60 = arith.constant 0 : i32
        %dma_wait3A_61 = tpu.memref_slice %arg7[%dma_wait3A_59, %dma_wait3A_60] : memref<10112x128xf32, #tpu.memory_space<vmem_shared>> -> memref<10112x128xf32, #tpu.memory_space<vmem_shared>>
        tpu.wait_indirect_dma semaphore(%run_scoped3A_51 : memref<!tpu.dma_semaphore, #tpu.memory_space<semaphore_mem>>) src(%arg5 : memref<128x128xf32, #tpu.memory_space<vmem>>) dst(%dma_wait3A_61 : memref<10112x128xf32, #tpu.memory_space<vmem_shared>>)
        tpu.yield
      }) : () -> ()
    }
    %scan3A_42 = arith.constant 79 : i32
    %barrier3A_43 = arith.constant 0 : index
    tpu.barrier barrier_id(%barrier3A_43)
    %mul3A_44 = arith.constant 632 : i32
    %mul3A_45 = arith.muli %arg1, %mul3A_44 : i32
    %mul3A_46 = arith.constant 632 : i32
    %mul3A_47 = arith.muli %arg1, %mul3A_46 : i32
    %add3A_48 = arith.constant 10112 : i32
    %add3A_49 = arith.addi %add3A_48, %mul3A_47 : i32
    "tpu.region"() ({
      %run_scoped3A_50 = tpu.sem_alloc : memref<!tpu.dma_semaphore, #tpu.memory_space<semaphore_mem>>
      %dma_start3A = arith.constant 0 : i32
      %dma_start3A_51 = tpu.memref_slice %arg3[%arg0, %add3A_49, %dma_start3A] : memref<2x20224x128xf32, #tpu.memory_space<hbm>> -> memref<1x632x128xf32, #tpu.memory_space<hbm>>
      %dma_start3A_52 = tpu.memref_squeeze %dma_start3A_51 : memref<1x632x128xf32, #tpu.memory_space<hbm>> -> memref<632x128xf32, #tpu.memory_space<hbm>>
      %dma_start3A_53 = arith.constant 0 : i32
      %dma_start3A_54 = tpu.memref_slice %arg7[%mul3A_45, %dma_start3A_53] : memref<10112x128xf32, #tpu.memory_space<vmem_shared>> -> memref<632x128xf32, #tpu.memory_space<vmem_shared>>
      tpu.enqueue_dma source(%dma_start3A_54 : memref<632x128xf32, #tpu.memory_space<vmem_shared>>) target(%dma_start3A_52 : memref<632x128xf32, #tpu.memory_space<hbm>>) target_semaphore(%run_scoped3A_50 : memref<!tpu.dma_semaphore, #tpu.memory_space<semaphore_mem>>)
      %dma_wait3A = arith.constant 0 : i32
      %dma_wait3A_55 = tpu.memref_slice %arg3[%arg0, %add3A_49, %dma_wait3A] : memref<2x20224x128xf32, #tpu.memory_space<hbm>> -> memref<1x632x128xf32, #tpu.memory_space<hbm>>
      %dma_wait3A_56 = tpu.memref_squeeze %dma_wait3A_55 : memref<1x632x128xf32, #tpu.memory_space<hbm>> -> memref<632x128xf32, #tpu.memory_space<hbm>>
      %dma_wait3A_57 = arith.constant 0 : i32
      %dma_wait3A_58 = tpu.memref_slice %arg7[%mul3A_45, %dma_wait3A_57] : memref<10112x128xf32, #tpu.memory_space<vmem_shared>> -> memref<632x128xf32, #tpu.memory_space<vmem_shared>>
      tpu.wait_dma2 semaphore(%run_scoped3A_50 : memref<!tpu.dma_semaphore, #tpu.memory_space<semaphore_mem>>) src(%dma_wait3A_58 : memref<632x128xf32, #tpu.memory_space<vmem_shared>>) dst(%dma_wait3A_56 : memref<632x128xf32, #tpu.memory_space<hbm>>)
      tpu.yield
    }) : () -> ()
    return
  }
}

#map = affine_map<(d0, d1) -> (0, 0)>
#map1 = affine_map<(d0, d1) -> (0, 0, 0, 0)>
#map2 = affine_map<(d0, d1) -> (0, 0, 0)>
module attributes {stable_mosaic.version = 14 : i64} {
  func.func @body(%arg0: i32, %arg1: i32, %arg2: memref<10112x128xf32, #tpu.memory_space<hbm>>, %arg3: memref<2x16x79x128xi32, #tpu.memory_space<hbm>>, %arg4: memref<2x16x79x128xi32, #tpu.memory_space<hbm>>, %arg5: memref<2x10112x128xf32, #tpu.memory_space<hbm>>, %arg6: memref<79x128xi32, #tpu.memory_space<vmem>>, %arg7: memref<79x128xi32, #tpu.memory_space<vmem>>, %arg8: memref<128x128xf32, #tpu.memory_space<vmem>>, %arg9: memref<8x128xf32, #tpu.memory_space<vmem>>, %arg10: memref<!tpu.dma_semaphore, #tpu.memory_space<semaphore_mem>>, %arg11: memref<10112x128xf32, #tpu.memory_space<vmem_shared>>) attributes {dimension_semantics = [#tpu.dimension_semantics<core_parallel>, #tpu.dimension_semantics<subcore_parallel>], iteration_bounds = array<i64: 2, 16>, scalar_prefetch = 0 : i64, scratch_operands = 6 : i64, tpu.core_type = #tpu.core_type<sc_vector_subcore>, window_params = [{transform_indices = #map}, {transform_indices = #map1}, {transform_indices = #map1}, {transform_indices = #map2}]} {
    %scan3A = arith.constant 0 : i32
    %scan3A_0 = arith.constant 0 : i32
    %scan3A_1 = arith.constant 8 : i32
    %scan3A_2 = arith.addi %scan3A_0, %scan3A_1 : i32
    %scan3A_3 = arith.constant 1 : i32
    scf.for %scan3A_21 = %scan3A_0 to %scan3A_2 step %scan3A_3  : i32 {
      %broadcast_in_dim3A = arith.constant 0.000000e+00 : f32
      %broadcast_in_dim3A_22 = vector.broadcast %broadcast_in_dim3A : f32 to vector<16xf32>
      %swap3A = arith.index_cast %scan3A_21 : i32 to index
      %swap3A_23 = arith.constant 0 : index
      %swap3A_24 = tpu.vector_load %arg9[%swap3A, %swap3A_23] {strides = array<i32>} : memref<8x128xf32, #tpu.memory_space<vmem>>, vector<1x16xf32>,
      %swap3A_25 = vector.shape_cast %swap3A_24 : vector<1x16xf32> to vector<16xf32>
      %swap3A_26 = vector.shape_cast %broadcast_in_dim3A_22 : vector<16xf32> to vector<1x16xf32>
      tpu.vector_store %arg9[%swap3A, %swap3A_23], %swap3A_26 {strides = array<i32>} : memref<8x128xf32, #tpu.memory_space<vmem>>, vector<1x16xf32>,
      %broadcast_in_dim3A_27 = arith.constant 0.000000e+00 : f32
      %broadcast_in_dim3A_28 = vector.broadcast %broadcast_in_dim3A_27 : f32 to vector<16xf32>
      %swap3A_29 = arith.index_cast %scan3A_21 : i32 to index
      %swap3A_30 = arith.constant 16 : index
      %swap3A_31 = tpu.vector_load %arg9[%swap3A_29, %swap3A_30] {strides = array<i32>} : memref<8x128xf32, #tpu.memory_space<vmem>>, vector<1x16xf32>,
      %swap3A_32 = vector.shape_cast %swap3A_31 : vector<1x16xf32> to vector<16xf32>
      %swap3A_33 = vector.shape_cast %broadcast_in_dim3A_28 : vector<16xf32> to vector<1x16xf32>
      tpu.vector_store %arg9[%swap3A_29, %swap3A_30], %swap3A_33 {strides = array<i32>} : memref<8x128xf32, #tpu.memory_space<vmem>>, vector<1x16xf32>,
      %broadcast_in_dim3A_34 = arith.constant 0.000000e+00 : f32
      %broadcast_in_dim3A_35 = vector.broadcast %broadcast_in_dim3A_34 : f32 to vector<16xf32>
      %swap3A_36 = arith.index_cast %scan3A_21 : i32 to index
      %swap3A_37 = arith.constant 32 : index
      %swap3A_38 = tpu.vector_load %arg9[%swap3A_36, %swap3A_37] {strides = array<i32>} : memref<8x128xf32, #tpu.memory_space<vmem>>, vector<1x16xf32>,
      %swap3A_39 = vector.shape_cast %swap3A_38 : vector<1x16xf32> to vector<16xf32>
      %swap3A_40 = vector.shape_cast %broadcast_in_dim3A_35 : vector<16xf32> to vector<1x16xf32>
      tpu.vector_store %arg9[%swap3A_36, %swap3A_37], %swap3A_40 {strides = array<i32>} : memref<8x128xf32, #tpu.memory_space<vmem>>, vector<1x16xf32>,
      %broadcast_in_dim3A_41 = arith.constant 0.000000e+00 : f32
      %broadcast_in_dim3A_42 = vector.broadcast %broadcast_in_dim3A_41 : f32 to vector<16xf32>
      %swap3A_43 = arith.index_cast %scan3A_21 : i32 to index
      %swap3A_44 = arith.constant 48 : index
      %swap3A_45 = tpu.vector_load %arg9[%swap3A_43, %swap3A_44] {strides = array<i32>} : memref<8x128xf32, #tpu.memory_space<vmem>>, vector<1x16xf32>,
      %swap3A_46 = vector.shape_cast %swap3A_45 : vector<1x16xf32> to vector<16xf32>
      %swap3A_47 = vector.shape_cast %broadcast_in_dim3A_42 : vector<16xf32> to vector<1x16xf32>
      tpu.vector_store %arg9[%swap3A_43, %swap3A_44], %swap3A_47 {strides = array<i32>} : memref<8x128xf32, #tpu.memory_space<vmem>>, vector<1x16xf32>,
      %broadcast_in_dim3A_48 = arith.constant 0.000000e+00 : f32
      %broadcast_in_dim3A_49 = vector.broadcast %broadcast_in_dim3A_48 : f32 to vector<16xf32>
      %swap3A_50 = arith.index_cast %scan3A_21 : i32 to index
      %swap3A_51 = arith.constant 64 : index
      %swap3A_52 = tpu.vector_load %arg9[%swap3A_50, %swap3A_51] {strides = array<i32>} : memref<8x128xf32, #tpu.memory_space<vmem>>, vector<1x16xf32>,
      %swap3A_53 = vector.shape_cast %swap3A_52 : vector<1x16xf32> to vector<16xf32>
      %swap3A_54 = vector.shape_cast %broadcast_in_dim3A_49 : vector<16xf32> to vector<1x16xf32>
      tpu.vector_store %arg9[%swap3A_50, %swap3A_51], %swap3A_54 {strides = array<i32>} : memref<8x128xf32, #tpu.memory_space<vmem>>, vector<1x16xf32>,
      %broadcast_in_dim3A_55 = arith.constant 0.000000e+00 : f32
      %broadcast_in_dim3A_56 = vector.broadcast %broadcast_in_dim3A_55 : f32 to vector<16xf32>
      %swap3A_57 = arith.index_cast %scan3A_21 : i32 to index
      %swap3A_58 = arith.constant 80 : index
      %swap3A_59 = tpu.vector_load %arg9[%swap3A_57, %swap3A_58] {strides = array<i32>} : memref<8x128xf32, #tpu.memory_space<vmem>>, vector<1x16xf32>,
      %swap3A_60 = vector.shape_cast %swap3A_59 : vector<1x16xf32> to vector<16xf32>
      %swap3A_61 = vector.shape_cast %broadcast_in_dim3A_56 : vector<16xf32> to vector<1x16xf32>
      tpu.vector_store %arg9[%swap3A_57, %swap3A_58], %swap3A_61 {strides = array<i32>} : memref<8x128xf32, #tpu.memory_space<vmem>>, vector<1x16xf32>,
      %broadcast_in_dim3A_62 = arith.constant 0.000000e+00 : f32
      %broadcast_in_dim3A_63 = vector.broadcast %broadcast_in_dim3A_62 : f32 to vector<16xf32>
      %swap3A_64 = arith.index_cast %scan3A_21 : i32 to index
      %swap3A_65 = arith.constant 96 : index
      %swap3A_66 = tpu.vector_load %arg9[%swap3A_64, %swap3A_65] {strides = array<i32>} : memref<8x128xf32, #tpu.memory_space<vmem>>, vector<1x16xf32>,
      %swap3A_67 = vector.shape_cast %swap3A_66 : vector<1x16xf32> to vector<16xf32>
      %swap3A_68 = vector.shape_cast %broadcast_in_dim3A_63 : vector<16xf32> to vector<1x16xf32>
      tpu.vector_store %arg9[%swap3A_64, %swap3A_65], %swap3A_68 {strides = array<i32>} : memref<8x128xf32, #tpu.memory_space<vmem>>, vector<1x16xf32>,
      %broadcast_in_dim3A_69 = arith.constant 0.000000e+00 : f32
      %broadcast_in_dim3A_70 = vector.broadcast %broadcast_in_dim3A_69 : f32 to vector<16xf32>
      %swap3A_71 = arith.index_cast %scan3A_21 : i32 to index
      %swap3A_72 = arith.constant 112 : index
      %swap3A_73 = tpu.vector_load %arg9[%swap3A_71, %swap3A_72] {strides = array<i32>} : memref<8x128xf32, #tpu.memory_space<vmem>>, vector<1x16xf32>,
      %swap3A_74 = vector.shape_cast %swap3A_73 : vector<1x16xf32> to vector<16xf32>
      %swap3A_75 = vector.shape_cast %broadcast_in_dim3A_70 : vector<16xf32> to vector<1x16xf32>
      tpu.vector_store %arg9[%swap3A_71, %swap3A_72], %swap3A_75 {strides = array<i32>} : memref<8x128xf32, #tpu.memory_space<vmem>>, vector<1x16xf32>,
    }
    %scan3A_4 = arith.constant 8 : i32
    %scan3A_5 = arith.constant 0 : i32
    %scan3A_6 = arith.constant 0 : i32
    %scan3A_7 = arith.constant 79 : i32
    %scan3A_8 = arith.addi %scan3A_6, %scan3A_7 : i32
    %scan3A_9 = arith.constant 1 : i32
    scf.for %scan3A_21 = %scan3A_6 to %scan3A_8 step %scan3A_9  : i32 {
      %mul3A_22 = arith.constant 632 : i32
      %mul3A_23 = arith.muli %arg1, %mul3A_22 : i32
      %mul3A_24 = arith.constant 8 : i32
      %mul3A_25 = arith.muli %scan3A_21, %mul3A_24 : i32
      %add3A = arith.addi %mul3A_23, %mul3A_25 : i32
      "tpu.region"() ({
        %run_scoped3A = tpu.sem_alloc : memref<!tpu.dma_semaphore, #tpu.memory_space<semaphore_mem>>
        %dma_start3A = arith.constant 0 : i32
        %dma_start3A_26 = tpu.memref_slice %arg11[%add3A, %dma_start3A] : memref<10112x128xf32, #tpu.memory_space<vmem_shared>> -> memref<8x128xf32, #tpu.memory_space<vmem_shared>>
        %dma_start3A_27 = arith.constant 0 : i32
        %dma_start3A_28 = tpu.memref_slice %arg11[%add3A, %dma_start3A_27] : memref<10112x128xf32, #tpu.memory_space<vmem_shared>> -> memref<8x128xf32, #tpu.memory_space<vmem_shared>>
        tpu.enqueue_dma source(%arg9 : memref<8x128xf32, #tpu.memory_space<vmem>>) target(%dma_start3A_28 : memref<8x128xf32, #tpu.memory_space<vmem_shared>>) target_semaphore(%run_scoped3A : memref<!tpu.dma_semaphore, #tpu.memory_space<semaphore_mem>>)
        %dma_wait3A = arith.constant 0 : i32
        %dma_wait3A_29 = tpu.memref_slice %arg11[%add3A, %dma_wait3A] : memref<10112x128xf32, #tpu.memory_space<vmem_shared>> -> memref<8x128xf32, #tpu.memory_space<vmem_shared>>
        %dma_wait3A_30 = arith.constant 0 : i32
        %dma_wait3A_31 = tpu.memref_slice %arg11[%add3A, %dma_wait3A_30] : memref<10112x128xf32, #tpu.memory_space<vmem_shared>> -> memref<8x128xf32, #tpu.memory_space<vmem_shared>>
        tpu.wait_dma2 semaphore(%run_scoped3A : memref<!tpu.dma_semaphore, #tpu.memory_space<semaphore_mem>>) src(%arg9 : memref<8x128xf32, #tpu.memory_space<vmem>>) dst(%dma_wait3A_31 : memref<8x128xf32, #tpu.memory_space<vmem_shared>>)
        tpu.yield
      }) : () -> ()
    }
    %scan3A_10 = arith.constant 79 : i32
    "tpu.region"() ({
      %run_scoped3A = tpu.sem_alloc : memref<!tpu.dma_semaphore, #tpu.memory_space<semaphore_mem>>
      %dma_start3A = arith.constant 0 : i32
      %dma_start3A_21 = arith.constant 0 : i32
      %dma_start3A_22 = tpu.memref_slice %arg3[%arg0, %arg1, %dma_start3A, %dma_start3A_21] : memref<2x16x79x128xi32, #tpu.memory_space<hbm>> -> memref<1x1x79x128xi32, #tpu.memory_space<hbm>>
      %dma_start3A_23 = tpu.memref_squeeze %dma_start3A_22 : memref<1x1x79x128xi32, #tpu.memory_space<hbm>> -> memref<79x128xi32, #tpu.memory_space<hbm>>
      %dma_start3A_24 = arith.constant 0 : i32
      %dma_start3A_25 = arith.constant 0 : i32
      %dma_start3A_26 = tpu.memref_slice %arg3[%arg0, %arg1, %dma_start3A_24, %dma_start3A_25] : memref<2x16x79x128xi32, #tpu.memory_space<hbm>> -> memref<1x1x79x128xi32, #tpu.memory_space<hbm>>
      %dma_start3A_27 = tpu.memref_squeeze %dma_start3A_26 : memref<1x1x79x128xi32, #tpu.memory_space<hbm>> -> memref<79x128xi32, #tpu.memory_space<hbm>>
      tpu.enqueue_dma source(%dma_start3A_27 : memref<79x128xi32, #tpu.memory_space<hbm>>) target(%arg6 : memref<79x128xi32, #tpu.memory_space<vmem>>) target_semaphore(%run_scoped3A : memref<!tpu.dma_semaphore, #tpu.memory_space<semaphore_mem>>)
      %dma_wait3A = arith.constant 0 : i32
      %dma_wait3A_28 = arith.constant 0 : i32
      %dma_wait3A_29 = tpu.memref_slice %arg3[%arg0, %arg1, %dma_wait3A, %dma_wait3A_28] : memref<2x16x79x128xi32, #tpu.memory_space<hbm>> -> memref<1x1x79x128xi32, #tpu.memory_space<hbm>>
      %dma_wait3A_30 = tpu.memref_squeeze %dma_wait3A_29 : memref<1x1x79x128xi32, #tpu.memory_space<hbm>> -> memref<79x128xi32, #tpu.memory_space<hbm>>
      %dma_wait3A_31 = arith.constant 0 : i32
      %dma_wait3A_32 = arith.constant 0 : i32
      %dma_wait3A_33 = tpu.memref_slice %arg3[%arg0, %arg1, %dma_wait3A_31, %dma_wait3A_32] : memref<2x16x79x128xi32, #tpu.memory_space<hbm>> -> memref<1x1x79x128xi32, #tpu.memory_space<hbm>>
      %dma_wait3A_34 = tpu.memref_squeeze %dma_wait3A_33 : memref<1x1x79x128xi32, #tpu.memory_space<hbm>> -> memref<79x128xi32, #tpu.memory_space<hbm>>
      tpu.wait_dma2 semaphore(%run_scoped3A : memref<!tpu.dma_semaphore, #tpu.memory_space<semaphore_mem>>) src(%dma_wait3A_34 : memref<79x128xi32, #tpu.memory_space<hbm>>) dst(%arg6 : memref<79x128xi32, #tpu.memory_space<vmem>>)
      tpu.yield
    }) : () -> ()
    "tpu.region"() ({
      %run_scoped3A = tpu.sem_alloc : memref<!tpu.dma_semaphore, #tpu.memory_space<semaphore_mem>>
      %dma_start3A = arith.constant 0 : i32
      %dma_start3A_21 = arith.constant 0 : i32
      %dma_start3A_22 = tpu.memref_slice %arg4[%arg0, %arg1, %dma_start3A, %dma_start3A_21] : memref<2x16x79x128xi32, #tpu.memory_space<hbm>> -> memref<1x1x79x128xi32, #tpu.memory_space<hbm>>
      %dma_start3A_23 = tpu.memref_squeeze %dma_start3A_22 : memref<1x1x79x128xi32, #tpu.memory_space<hbm>> -> memref<79x128xi32, #tpu.memory_space<hbm>>
      %dma_start3A_24 = arith.constant 0 : i32
      %dma_start3A_25 = arith.constant 0 : i32
      %dma_start3A_26 = tpu.memref_slice %arg4[%arg0, %arg1, %dma_start3A_24, %dma_start3A_25] : memref<2x16x79x128xi32, #tpu.memory_space<hbm>> -> memref<1x1x79x128xi32, #tpu.memory_space<hbm>>
      %dma_start3A_27 = tpu.memref_squeeze %dma_start3A_26 : memref<1x1x79x128xi32, #tpu.memory_space<hbm>> -> memref<79x128xi32, #tpu.memory_space<hbm>>
      tpu.enqueue_dma source(%dma_start3A_27 : memref<79x128xi32, #tpu.memory_space<hbm>>) target(%arg7 : memref<79x128xi32, #tpu.memory_space<vmem>>) target_semaphore(%run_scoped3A : memref<!tpu.dma_semaphore, #tpu.memory_space<semaphore_mem>>)
      %dma_wait3A = arith.constant 0 : i32
      %dma_wait3A_28 = arith.constant 0 : i32
      %dma_wait3A_29 = tpu.memref_slice %arg4[%arg0, %arg1, %dma_wait3A, %dma_wait3A_28] : memref<2x16x79x128xi32, #tpu.memory_space<hbm>> -> memref<1x1x79x128xi32, #tpu.memory_space<hbm>>
      %dma_wait3A_30 = tpu.memref_squeeze %dma_wait3A_29 : memref<1x1x79x128xi32, #tpu.memory_space<hbm>> -> memref<79x128xi32, #tpu.memory_space<hbm>>
      %dma_wait3A_31 = arith.constant 0 : i32
      %dma_wait3A_32 = arith.constant 0 : i32
      %dma_wait3A_33 = tpu.memref_slice %arg4[%arg0, %arg1, %dma_wait3A_31, %dma_wait3A_32] : memref<2x16x79x128xi32, #tpu.memory_space<hbm>> -> memref<1x1x79x128xi32, #tpu.memory_space<hbm>>
      %dma_wait3A_34 = tpu.memref_squeeze %dma_wait3A_33 : memref<1x1x79x128xi32, #tpu.memory_space<hbm>> -> memref<79x128xi32, #tpu.memory_space<hbm>>
      tpu.wait_dma2 semaphore(%run_scoped3A : memref<!tpu.dma_semaphore, #tpu.memory_space<semaphore_mem>>) src(%dma_wait3A_34 : memref<79x128xi32, #tpu.memory_space<hbm>>) dst(%arg7 : memref<79x128xi32, #tpu.memory_space<vmem>>)
      tpu.yield
    }) : () -> ()
    %barrier3A = arith.constant 0 : index
    tpu.barrier barrier_id(%barrier3A)
    %scan3A_11 = arith.constant 0 : i32
    %scan3A_12 = arith.constant 0 : i32
    %scan3A_13 = arith.constant 79 : i32
    %scan3A_14 = arith.addi %scan3A_12, %scan3A_13 : i32
    %scan3A_15 = arith.constant 1 : i32
    scf.for %scan3A_21 = %scan3A_12 to %scan3A_14 step %scan3A_15  : i32 {
      %dma_start3A = arith.constant 0 : i32
      %dma_start3A_22 = tpu.memref_slice %arg6[%scan3A_21, %dma_start3A] : memref<79x128xi32, #tpu.memory_space<vmem>> -> memref<1x128xi32, #tpu.memory_space<vmem>>
      %dma_start3A_23 = tpu.memref_squeeze %dma_start3A_22 : memref<1x128xi32, #tpu.memory_space<vmem>> -> memref<128xi32, #tpu.memory_space<vmem>>
      %dma_start3A_24 = arith.constant 0 : i32
      %dma_start3A_25 = arith.constant 0 : i32
      %dma_start3A_26 = tpu.memref_slice %arg2[%dma_start3A_24, %dma_start3A_25] : memref<10112x128xf32, #tpu.memory_space<hbm>> -> memref<10112x128xf32, #tpu.memory_space<hbm>>
      tpu.enqueue_indirect_dma source(%dma_start3A_26 : memref<10112x128xf32, #tpu.memory_space<hbm>>) target(%arg8 : memref<128x128xf32, #tpu.memory_space<vmem>>) offsets(%dma_start3A_23 : memref<128xi32, #tpu.memory_space<vmem>>) semaphore(%arg10 : memref<!tpu.dma_semaphore, #tpu.memory_space<semaphore_mem>>)
      %dma_wait3A = arith.constant 0 : i32
      %dma_wait3A_27 = tpu.memref_slice %arg6[%scan3A_21, %dma_wait3A] : memref<79x128xi32, #tpu.memory_space<vmem>> -> memref<1x128xi32, #tpu.memory_space<vmem>>
      %dma_wait3A_28 = tpu.memref_squeeze %dma_wait3A_27 : memref<1x128xi32, #tpu.memory_space<vmem>> -> memref<128xi32, #tpu.memory_space<vmem>>
      %dma_wait3A_29 = arith.constant 0 : i32
      %dma_wait3A_30 = arith.constant 0 : i32
      %dma_wait3A_31 = tpu.memref_slice %arg2[%dma_wait3A_29, %dma_wait3A_30] : memref<10112x128xf32, #tpu.memory_space<hbm>> -> memref<10112x128xf32, #tpu.memory_space<hbm>>
      tpu.wait_indirect_dma semaphore(%arg10 : memref<!tpu.dma_semaphore, #tpu.memory_space<semaphore_mem>>) src(%dma_wait3A_31 : memref<10112x128xf32, #tpu.memory_space<hbm>>) dst(%arg8 : memref<128x128xf32, #tpu.memory_space<vmem>>)
      "tpu.region"() ({
        %run_scoped3A = tpu.sem_alloc : memref<!tpu.dma_semaphore, #tpu.memory_space<semaphore_mem>>
        %dma_start3A_32 = arith.constant 0 : i32
        %dma_start3A_33 = tpu.memref_slice %arg7[%scan3A_21, %dma_start3A_32] : memref<79x128xi32, #tpu.memory_space<vmem>> -> memref<1x128xi32, #tpu.memory_space<vmem>>
        %dma_start3A_34 = tpu.memref_squeeze %dma_start3A_33 : memref<1x128xi32, #tpu.memory_space<vmem>> -> memref<128xi32, #tpu.memory_space<vmem>>
        %dma_start3A_35 = arith.constant 0 : i32
        %dma_start3A_36 = arith.constant 0 : i32
        %dma_start3A_37 = tpu.memref_slice %arg11[%dma_start3A_35, %dma_start3A_36] : memref<10112x128xf32, #tpu.memory_space<vmem_shared>> -> memref<10112x128xf32, #tpu.memory_space<vmem_shared>>
        tpu.enqueue_indirect_dma source(%arg8 : memref<128x128xf32, #tpu.memory_space<vmem>>) target(%dma_start3A_37 : memref<10112x128xf32, #tpu.memory_space<vmem_shared>>) offsets(%dma_start3A_34 : memref<128xi32, #tpu.memory_space<vmem>>) semaphore(%run_scoped3A : memref<!tpu.dma_semaphore, #tpu.memory_space<semaphore_mem>>) {add = true}
        %dma_wait3A_38 = arith.constant 0 : i32
        %dma_wait3A_39 = tpu.memref_slice %arg7[%scan3A_21, %dma_wait3A_38] : memref<79x128xi32, #tpu.memory_space<vmem>> -> memref<1x128xi32, #tpu.memory_space<vmem>>
        %dma_wait3A_40 = tpu.memref_squeeze %dma_wait3A_39 : memref<1x128xi32, #tpu.memory_space<vmem>> -> memref<128xi32, #tpu.memory_space<vmem>>
        %dma_wait3A_41 = arith.constant 0 : i32
        %dma_wait3A_42 = arith.constant 0 : i32
        %dma_wait3A_43 = tpu.memref_slice %arg11[%dma_wait3A_41, %dma_wait3A_42] : memref<10112x128xf32, #tpu.memory_space<vmem_shared>> -> memref<10112x128xf32, #tpu.memory_space<vmem_shared>>
        tpu.wait_indirect_dma semaphore(%run_scoped3A : memref<!tpu.dma_semaphore, #tpu.memory_space<semaphore_mem>>) src(%arg8 : memref<128x128xf32, #tpu.memory_space<vmem>>) dst(%dma_wait3A_43 : memref<10112x128xf32, #tpu.memory_space<vmem_shared>>)
        tpu.yield
      }) : () -> ()
    }
    %scan3A_16 = arith.constant 79 : i32
    %barrier3A_17 = arith.constant 0 : index
    tpu.barrier barrier_id(%barrier3A_17)
    %mul3A = arith.constant 632 : i32
    %mul3A_18 = arith.muli %arg1, %mul3A : i32
    %mul3A_19 = arith.constant 632 : i32
    %mul3A_20 = arith.muli %arg1, %mul3A_19 : i32
    "tpu.region"() ({
      %run_scoped3A = tpu.sem_alloc : memref<!tpu.dma_semaphore, #tpu.memory_space<semaphore_mem>>
      %dma_start3A = arith.constant 0 : i32
      %dma_start3A_21 = tpu.memref_slice %arg5[%arg0, %mul3A_20, %dma_start3A] : memref<2x10112x128xf32, #tpu.memory_space<hbm>> -> memref<1x632x128xf32, #tpu.memory_space<hbm>>
      %dma_start3A_22 = tpu.memref_squeeze %dma_start3A_21 : memref<1x632x128xf32, #tpu.memory_space<hbm>> -> memref<632x128xf32, #tpu.memory_space<hbm>>
      %dma_start3A_23 = arith.constant 0 : i32
      %dma_start3A_24 = tpu.memref_slice %arg11[%mul3A_18, %dma_start3A_23] : memref<10112x128xf32, #tpu.memory_space<vmem_shared>> -> memref<632x128xf32, #tpu.memory_space<vmem_shared>>
      tpu.enqueue_dma source(%dma_start3A_24 : memref<632x128xf32, #tpu.memory_space<vmem_shared>>) target(%dma_start3A_22 : memref<632x128xf32, #tpu.memory_space<hbm>>) target_semaphore(%run_scoped3A : memref<!tpu.dma_semaphore, #tpu.memory_space<semaphore_mem>>)
      %dma_wait3A = arith.constant 0 : i32
      %dma_wait3A_25 = tpu.memref_slice %arg5[%arg0, %mul3A_20, %dma_wait3A] : memref<2x10112x128xf32, #tpu.memory_space<hbm>> -> memref<1x632x128xf32, #tpu.memory_space<hbm>>
      %dma_wait3A_26 = tpu.memref_squeeze %dma_wait3A_25 : memref<1x632x128xf32, #tpu.memory_space<hbm>> -> memref<632x128xf32, #tpu.memory_space<hbm>>
      %dma_wait3A_27 = arith.constant 0 : i32
      %dma_wait3A_28 = tpu.memref_slice %arg11[%mul3A_18, %dma_wait3A_27] : memref<10112x128xf32, #tpu.memory_space<vmem_shared>> -> memref<632x128xf32, #tpu.memory_space<vmem_shared>>
      tpu.wait_dma2 semaphore(%run_scoped3A : memref<!tpu.dma_semaphore, #tpu.memory_space<semaphore_mem>>) src(%dma_wait3A_28 : memref<632x128xf32, #tpu.memory_space<vmem_shared>>) dst(%dma_wait3A_26 : memref<632x128xf32, #tpu.memory_space<hbm>>)
      tpu.yield
    }) : () -> ()
    return
  }
}

#map = affine_map<(d0, d1) -> (0, 0)>
#map1 = affine_map<(d0, d1) -> (0, 0, 0, 0)>
#map2 = affine_map<(d0, d1) -> (0, 0, 0)>
module attributes {stable_mosaic.version = 14 : i64} {
  func.func @body(%arg0: i32, %arg1: i32, %arg2: memref<10112x128xf32, #tpu.memory_space<hbm>>, %arg3: memref<2x16x79x128xi32, #tpu.memory_space<hbm>>, %arg4: memref<2x16x79x128xi32, #tpu.memory_space<hbm>>, %arg5: memref<2x10112x128xf32, #tpu.memory_space<hbm>>, %arg6: memref<79x128xi32, #tpu.memory_space<vmem>>, %arg7: memref<79x128xi32, #tpu.memory_space<vmem>>, %arg8: memref<128x128xf32, #tpu.memory_space<vmem>>, %arg9: memref<8x128xf32, #tpu.memory_space<vmem>>, %arg10: memref<!tpu.dma_semaphore, #tpu.memory_space<semaphore_mem>>, %arg11: memref<10112x128xf32, #tpu.memory_space<vmem_shared>>) attributes {dimension_semantics = [#tpu.dimension_semantics<core_parallel>, #tpu.dimension_semantics<subcore_parallel>], iteration_bounds = array<i64: 2, 16>, scalar_prefetch = 0 : i64, scratch_operands = 6 : i64, tpu.core_type = #tpu.core_type<sc_vector_subcore>, window_params = [{transform_indices = #map}, {transform_indices = #map1}, {transform_indices = #map1}, {transform_indices = #map2}]} {
    %scan3A = arith.constant 0 : i32
    %scan3A_0 = arith.constant 0 : i32
    %scan3A_1 = arith.constant 8 : i32
    %scan3A_2 = arith.addi %scan3A_0, %scan3A_1 : i32
    %scan3A_3 = arith.constant 1 : i32
    scf.for %scan3A_21 = %scan3A_0 to %scan3A_2 step %scan3A_3  : i32 {
      %broadcast_in_dim3A = arith.constant 0.000000e+00 : f32
      %broadcast_in_dim3A_22 = vector.broadcast %broadcast_in_dim3A : f32 to vector<16xf32>
      %swap3A = arith.index_cast %scan3A_21 : i32 to index
      %swap3A_23 = arith.constant 0 : index
      %swap3A_24 = tpu.vector_load %arg9[%swap3A, %swap3A_23] {strides = array<i32>} : memref<8x128xf32, #tpu.memory_space<vmem>>, vector<1x16xf32>,
      %swap3A_25 = vector.shape_cast %swap3A_24 : vector<1x16xf32> to vector<16xf32>
      %swap3A_26 = vector.shape_cast %broadcast_in_dim3A_22 : vector<16xf32> to vector<1x16xf32>
      tpu.vector_store %arg9[%swap3A, %swap3A_23], %swap3A_26 {strides = array<i32>} : memref<8x128xf32, #tpu.memory_space<vmem>>, vector<1x16xf32>,
      %broadcast_in_dim3A_27 = arith.constant 0.000000e+00 : f32
      %broadcast_in_dim3A_28 = vector.broadcast %broadcast_in_dim3A_27 : f32 to vector<16xf32>
      %swap3A_29 = arith.index_cast %scan3A_21 : i32 to index
      %swap3A_30 = arith.constant 16 : index
      %swap3A_31 = tpu.vector_load %arg9[%swap3A_29, %swap3A_30] {strides = array<i32>} : memref<8x128xf32, #tpu.memory_space<vmem>>, vector<1x16xf32>,
      %swap3A_32 = vector.shape_cast %swap3A_31 : vector<1x16xf32> to vector<16xf32>
      %swap3A_33 = vector.shape_cast %broadcast_in_dim3A_28 : vector<16xf32> to vector<1x16xf32>
      tpu.vector_store %arg9[%swap3A_29, %swap3A_30], %swap3A_33 {strides = array<i32>} : memref<8x128xf32, #tpu.memory_space<vmem>>, vector<1x16xf32>,
      %broadcast_in_dim3A_34 = arith.constant 0.000000e+00 : f32
      %broadcast_in_dim3A_35 = vector.broadcast %broadcast_in_dim3A_34 : f32 to vector<16xf32>
      %swap3A_36 = arith.index_cast %scan3A_21 : i32 to index
      %swap3A_37 = arith.constant 32 : index
      %swap3A_38 = tpu.vector_load %arg9[%swap3A_36, %swap3A_37] {strides = array<i32>} : memref<8x128xf32, #tpu.memory_space<vmem>>, vector<1x16xf32>,
      %swap3A_39 = vector.shape_cast %swap3A_38 : vector<1x16xf32> to vector<16xf32>
      %swap3A_40 = vector.shape_cast %broadcast_in_dim3A_35 : vector<16xf32> to vector<1x16xf32>
      tpu.vector_store %arg9[%swap3A_36, %swap3A_37], %swap3A_40 {strides = array<i32>} : memref<8x128xf32, #tpu.memory_space<vmem>>, vector<1x16xf32>,
      %broadcast_in_dim3A_41 = arith.constant 0.000000e+00 : f32
      %broadcast_in_dim3A_42 = vector.broadcast %broadcast_in_dim3A_41 : f32 to vector<16xf32>
      %swap3A_43 = arith.index_cast %scan3A_21 : i32 to index
      %swap3A_44 = arith.constant 48 : index
      %swap3A_45 = tpu.vector_load %arg9[%swap3A_43, %swap3A_44] {strides = array<i32>} : memref<8x128xf32, #tpu.memory_space<vmem>>, vector<1x16xf32>,
      %swap3A_46 = vector.shape_cast %swap3A_45 : vector<1x16xf32> to vector<16xf32>
      %swap3A_47 = vector.shape_cast %broadcast_in_dim3A_42 : vector<16xf32> to vector<1x16xf32>
      tpu.vector_store %arg9[%swap3A_43, %swap3A_44], %swap3A_47 {strides = array<i32>} : memref<8x128xf32, #tpu.memory_space<vmem>>, vector<1x16xf32>,
      %broadcast_in_dim3A_48 = arith.constant 0.000000e+00 : f32
      %broadcast_in_dim3A_49 = vector.broadcast %broadcast_in_dim3A_48 : f32 to vector<16xf32>
      %swap3A_50 = arith.index_cast %scan3A_21 : i32 to index
      %swap3A_51 = arith.constant 64 : index
      %swap3A_52 = tpu.vector_load %arg9[%swap3A_50, %swap3A_51] {strides = array<i32>} : memref<8x128xf32, #tpu.memory_space<vmem>>, vector<1x16xf32>,
      %swap3A_53 = vector.shape_cast %swap3A_52 : vector<1x16xf32> to vector<16xf32>
      %swap3A_54 = vector.shape_cast %broadcast_in_dim3A_49 : vector<16xf32> to vector<1x16xf32>
      tpu.vector_store %arg9[%swap3A_50, %swap3A_51], %swap3A_54 {strides = array<i32>} : memref<8x128xf32, #tpu.memory_space<vmem>>, vector<1x16xf32>,
      %broadcast_in_dim3A_55 = arith.constant 0.000000e+00 : f32
      %broadcast_in_dim3A_56 = vector.broadcast %broadcast_in_dim3A_55 : f32 to vector<16xf32>
      %swap3A_57 = arith.index_cast %scan3A_21 : i32 to index
      %swap3A_58 = arith.constant 80 : index
      %swap3A_59 = tpu.vector_load %arg9[%swap3A_57, %swap3A_58] {strides = array<i32>} : memref<8x128xf32, #tpu.memory_space<vmem>>, vector<1x16xf32>,
      %swap3A_60 = vector.shape_cast %swap3A_59 : vector<1x16xf32> to vector<16xf32>
      %swap3A_61 = vector.shape_cast %broadcast_in_dim3A_56 : vector<16xf32> to vector<1x16xf32>
      tpu.vector_store %arg9[%swap3A_57, %swap3A_58], %swap3A_61 {strides = array<i32>} : memref<8x128xf32, #tpu.memory_space<vmem>>, vector<1x16xf32>,
      %broadcast_in_dim3A_62 = arith.constant 0.000000e+00 : f32
      %broadcast_in_dim3A_63 = vector.broadcast %broadcast_in_dim3A_62 : f32 to vector<16xf32>
      %swap3A_64 = arith.index_cast %scan3A_21 : i32 to index
      %swap3A_65 = arith.constant 96 : index
      %swap3A_66 = tpu.vector_load %arg9[%swap3A_64, %swap3A_65] {strides = array<i32>} : memref<8x128xf32, #tpu.memory_space<vmem>>, vector<1x16xf32>,
      %swap3A_67 = vector.shape_cast %swap3A_66 : vector<1x16xf32> to vector<16xf32>
      %swap3A_68 = vector.shape_cast %broadcast_in_dim3A_63 : vector<16xf32> to vector<1x16xf32>
      tpu.vector_store %arg9[%swap3A_64, %swap3A_65], %swap3A_68 {strides = array<i32>} : memref<8x128xf32, #tpu.memory_space<vmem>>, vector<1x16xf32>,
      %broadcast_in_dim3A_69 = arith.constant 0.000000e+00 : f32
      %broadcast_in_dim3A_70 = vector.broadcast %broadcast_in_dim3A_69 : f32 to vector<16xf32>
      %swap3A_71 = arith.index_cast %scan3A_21 : i32 to index
      %swap3A_72 = arith.constant 112 : index
      %swap3A_73 = tpu.vector_load %arg9[%swap3A_71, %swap3A_72] {strides = array<i32>} : memref<8x128xf32, #tpu.memory_space<vmem>>, vector<1x16xf32>,
      %swap3A_74 = vector.shape_cast %swap3A_73 : vector<1x16xf32> to vector<16xf32>
      %swap3A_75 = vector.shape_cast %broadcast_in_dim3A_70 : vector<16xf32> to vector<1x16xf32>
      tpu.vector_store %arg9[%swap3A_71, %swap3A_72], %swap3A_75 {strides = array<i32>} : memref<8x128xf32, #tpu.memory_space<vmem>>, vector<1x16xf32>,
    }
    %scan3A_4 = arith.constant 8 : i32
    %scan3A_5 = arith.constant 0 : i32
    %scan3A_6 = arith.constant 0 : i32
    %scan3A_7 = arith.constant 79 : i32
    %scan3A_8 = arith.addi %scan3A_6, %scan3A_7 : i32
    %scan3A_9 = arith.constant 1 : i32
    scf.for %scan3A_21 = %scan3A_6 to %scan3A_8 step %scan3A_9  : i32 {
      %mul3A_22 = arith.constant 632 : i32
      %mul3A_23 = arith.muli %arg1, %mul3A_22 : i32
      %mul3A_24 = arith.constant 8 : i32
      %mul3A_25 = arith.muli %scan3A_21, %mul3A_24 : i32
      %add3A = arith.addi %mul3A_23, %mul3A_25 : i32
      "tpu.region"() ({
        %run_scoped3A = tpu.sem_alloc : memref<!tpu.dma_semaphore, #tpu.memory_space<semaphore_mem>>
        %dma_start3A = arith.constant 0 : i32
        %dma_start3A_26 = tpu.memref_slice %arg11[%add3A, %dma_start3A] : memref<10112x128xf32, #tpu.memory_space<vmem_shared>> -> memref<8x128xf32, #tpu.memory_space<vmem_shared>>
        %dma_start3A_27 = arith.constant 0 : i32
        %dma_start3A_28 = tpu.memref_slice %arg11[%add3A, %dma_start3A_27] : memref<10112x128xf32, #tpu.memory_space<vmem_shared>> -> memref<8x128xf32, #tpu.memory_space<vmem_shared>>
        tpu.enqueue_dma source(%arg9 : memref<8x128xf32, #tpu.memory_space<vmem>>) target(%dma_start3A_28 : memref<8x128xf32, #tpu.memory_space<vmem_shared>>) target_semaphore(%run_scoped3A : memref<!tpu.dma_semaphore, #tpu.memory_space<semaphore_mem>>)
        %dma_wait3A = arith.constant 0 : i32
        %dma_wait3A_29 = tpu.memref_slice %arg11[%add3A, %dma_wait3A] : memref<10112x128xf32, #tpu.memory_space<vmem_shared>> -> memref<8x128xf32, #tpu.memory_space<vmem_shared>>
        %dma_wait3A_30 = arith.constant 0 : i32
        %dma_wait3A_31 = tpu.memref_slice %arg11[%add3A, %dma_wait3A_30] : memref<10112x128xf32, #tpu.memory_space<vmem_shared>> -> memref<8x128xf32, #tpu.memory_space<vmem_shared>>
        tpu.wait_dma2 semaphore(%run_scoped3A : memref<!tpu.dma_semaphore, #tpu.memory_space<semaphore_mem>>) src(%arg9 : memref<8x128xf32, #tpu.memory_space<vmem>>) dst(%dma_wait3A_31 : memref<8x128xf32, #tpu.memory_space<vmem_shared>>)
        tpu.yield
      }) : () -> ()
    }
    %scan3A_10 = arith.constant 79 : i32
    "tpu.region"() ({
      %run_scoped3A = tpu.sem_alloc : memref<!tpu.dma_semaphore, #tpu.memory_space<semaphore_mem>>
      %dma_start3A = arith.constant 0 : i32
      %dma_start3A_21 = arith.constant 0 : i32
      %dma_start3A_22 = tpu.memref_slice %arg3[%arg0, %arg1, %dma_start3A, %dma_start3A_21] : memref<2x16x79x128xi32, #tpu.memory_space<hbm>> -> memref<1x1x79x128xi32, #tpu.memory_space<hbm>>
      %dma_start3A_23 = tpu.memref_squeeze %dma_start3A_22 : memref<1x1x79x128xi32, #tpu.memory_space<hbm>> -> memref<79x128xi32, #tpu.memory_space<hbm>>
      %dma_start3A_24 = arith.constant 0 : i32
      %dma_start3A_25 = arith.constant 0 : i32
      %dma_start3A_26 = tpu.memref_slice %arg3[%arg0, %arg1, %dma_start3A_24, %dma_start3A_25] : memref<2x16x79x128xi32, #tpu.memory_space<hbm>> -> memref<1x1x79x128xi32, #tpu.memory_space<hbm>>
      %dma_start3A_27 = tpu.memref_squeeze %dma_start3A_26 : memref<1x1x79x128xi32, #tpu.memory_space<hbm>> -> memref<79x128xi32, #tpu.memory_space<hbm>>
      tpu.enqueue_dma source(%dma_start3A_27 : memref<79x128xi32, #tpu.memory_space<hbm>>) target(%arg6 : memref<79x128xi32, #tpu.memory_space<vmem>>) target_semaphore(%run_scoped3A : memref<!tpu.dma_semaphore, #tpu.memory_space<semaphore_mem>>)
      %dma_wait3A = arith.constant 0 : i32
      %dma_wait3A_28 = arith.constant 0 : i32
      %dma_wait3A_29 = tpu.memref_slice %arg3[%arg0, %arg1, %dma_wait3A, %dma_wait3A_28] : memref<2x16x79x128xi32, #tpu.memory_space<hbm>> -> memref<1x1x79x128xi32, #tpu.memory_space<hbm>>
      %dma_wait3A_30 = tpu.memref_squeeze %dma_wait3A_29 : memref<1x1x79x128xi32, #tpu.memory_space<hbm>> -> memref<79x128xi32, #tpu.memory_space<hbm>>
      %dma_wait3A_31 = arith.constant 0 : i32
      %dma_wait3A_32 = arith.constant 0 : i32
      %dma_wait3A_33 = tpu.memref_slice %arg3[%arg0, %arg1, %dma_wait3A_31, %dma_wait3A_32] : memref<2x16x79x128xi32, #tpu.memory_space<hbm>> -> memref<1x1x79x128xi32, #tpu.memory_space<hbm>>
      %dma_wait3A_34 = tpu.memref_squeeze %dma_wait3A_33 : memref<1x1x79x128xi32, #tpu.memory_space<hbm>> -> memref<79x128xi32, #tpu.memory_space<hbm>>
      tpu.wait_dma2 semaphore(%run_scoped3A : memref<!tpu.dma_semaphore, #tpu.memory_space<semaphore_mem>>) src(%dma_wait3A_34 : memref<79x128xi32, #tpu.memory_space<hbm>>) dst(%arg6 : memref<79x128xi32, #tpu.memory_space<vmem>>)
      tpu.yield
    }) : () -> ()
    "tpu.region"() ({
      %run_scoped3A = tpu.sem_alloc : memref<!tpu.dma_semaphore, #tpu.memory_space<semaphore_mem>>
      %dma_start3A = arith.constant 0 : i32
      %dma_start3A_21 = arith.constant 0 : i32
      %dma_start3A_22 = tpu.memref_slice %arg4[%arg0, %arg1, %dma_start3A, %dma_start3A_21] : memref<2x16x79x128xi32, #tpu.memory_space<hbm>> -> memref<1x1x79x128xi32, #tpu.memory_space<hbm>>
      %dma_start3A_23 = tpu.memref_squeeze %dma_start3A_22 : memref<1x1x79x128xi32, #tpu.memory_space<hbm>> -> memref<79x128xi32, #tpu.memory_space<hbm>>
      %dma_start3A_24 = arith.constant 0 : i32
      %dma_start3A_25 = arith.constant 0 : i32
      %dma_start3A_26 = tpu.memref_slice %arg4[%arg0, %arg1, %dma_start3A_24, %dma_start3A_25] : memref<2x16x79x128xi32, #tpu.memory_space<hbm>> -> memref<1x1x79x128xi32, #tpu.memory_space<hbm>>
      %dma_start3A_27 = tpu.memref_squeeze %dma_start3A_26 : memref<1x1x79x128xi32, #tpu.memory_space<hbm>> -> memref<79x128xi32, #tpu.memory_space<hbm>>
      tpu.enqueue_dma source(%dma_start3A_27 : memref<79x128xi32, #tpu.memory_space<hbm>>) target(%arg7 : memref<79x128xi32, #tpu.memory_space<vmem>>) target_semaphore(%run_scoped3A : memref<!tpu.dma_semaphore, #tpu.memory_space<semaphore_mem>>)
      %dma_wait3A = arith.constant 0 : i32
      %dma_wait3A_28 = arith.constant 0 : i32
      %dma_wait3A_29 = tpu.memref_slice %arg4[%arg0, %arg1, %dma_wait3A, %dma_wait3A_28] : memref<2x16x79x128xi32, #tpu.memory_space<hbm>> -> memref<1x1x79x128xi32, #tpu.memory_space<hbm>>
      %dma_wait3A_30 = tpu.memref_squeeze %dma_wait3A_29 : memref<1x1x79x128xi32, #tpu.memory_space<hbm>> -> memref<79x128xi32, #tpu.memory_space<hbm>>
      %dma_wait3A_31 = arith.constant 0 : i32
      %dma_wait3A_32 = arith.constant 0 : i32
      %dma_wait3A_33 = tpu.memref_slice %arg4[%arg0, %arg1, %dma_wait3A_31, %dma_wait3A_32] : memref<2x16x79x128xi32, #tpu.memory_space<hbm>> -> memref<1x1x79x128xi32, #tpu.memory_space<hbm>>
      %dma_wait3A_34 = tpu.memref_squeeze %dma_wait3A_33 : memref<1x1x79x128xi32, #tpu.memory_space<hbm>> -> memref<79x128xi32, #tpu.memory_space<hbm>>
      tpu.wait_dma2 semaphore(%run_scoped3A : memref<!tpu.dma_semaphore, #tpu.memory_space<semaphore_mem>>) src(%dma_wait3A_34 : memref<79x128xi32, #tpu.memory_space<hbm>>) dst(%arg7 : memref<79x128xi32, #tpu.memory_space<vmem>>)
      tpu.yield
    }) : () -> ()
    %barrier3A = arith.constant 0 : index
    tpu.barrier barrier_id(%barrier3A)
    %scan3A_11 = arith.constant 0 : i32
    %scan3A_12 = arith.constant 0 : i32
    %scan3A_13 = arith.constant 79 : i32
    %scan3A_14 = arith.addi %scan3A_12, %scan3A_13 : i32
    %scan3A_15 = arith.constant 1 : i32
    scf.for %scan3A_21 = %scan3A_12 to %scan3A_14 step %scan3A_15  : i32 {
      %dma_start3A = arith.constant 0 : i32
      %dma_start3A_22 = tpu.memref_slice %arg6[%scan3A_21, %dma_start3A] : memref<79x128xi32, #tpu.memory_space<vmem>> -> memref<1x128xi32, #tpu.memory_space<vmem>>
      %dma_start3A_23 = tpu.memref_squeeze %dma_start3A_22 : memref<1x128xi32, #tpu.memory_space<vmem>> -> memref<128xi32, #tpu.memory_space<vmem>>
      %dma_start3A_24 = arith.constant 0 : i32
      %dma_start3A_25 = arith.constant 0 : i32
      %dma_start3A_26 = tpu.memref_slice %arg2[%dma_start3A_24, %dma_start3A_25] : memref<10112x128xf32, #tpu.memory_space<hbm>> -> memref<10112x128xf32, #tpu.memory_space<hbm>>
      tpu.enqueue_indirect_dma source(%dma_start3A_26 : memref<10112x128xf32, #tpu.memory_space<hbm>>) target(%arg8 : memref<128x128xf32, #tpu.memory_space<vmem>>) offsets(%dma_start3A_23 : memref<128xi32, #tpu.memory_space<vmem>>) semaphore(%arg10 : memref<!tpu.dma_semaphore, #tpu.memory_space<semaphore_mem>>)
      %dma_wait3A = arith.constant 0 : i32
      %dma_wait3A_27 = tpu.memref_slice %arg6[%scan3A_21, %dma_wait3A] : memref<79x128xi32, #tpu.memory_space<vmem>> -> memref<1x128xi32, #tpu.memory_space<vmem>>
      %dma_wait3A_28 = tpu.memref_squeeze %dma_wait3A_27 : memref<1x128xi32, #tpu.memory_space<vmem>> -> memref<128xi32, #tpu.memory_space<vmem>>
      %dma_wait3A_29 = arith.constant 0 : i32
      %dma_wait3A_30 = arith.constant 0 : i32
      %dma_wait3A_31 = tpu.memref_slice %arg2[%dma_wait3A_29, %dma_wait3A_30] : memref<10112x128xf32, #tpu.memory_space<hbm>> -> memref<10112x128xf32, #tpu.memory_space<hbm>>
      tpu.wait_indirect_dma semaphore(%arg10 : memref<!tpu.dma_semaphore, #tpu.memory_space<semaphore_mem>>) src(%dma_wait3A_31 : memref<10112x128xf32, #tpu.memory_space<hbm>>) dst(%arg8 : memref<128x128xf32, #tpu.memory_space<vmem>>)
      "tpu.region"() ({
        %run_scoped3A = tpu.sem_alloc : memref<!tpu.dma_semaphore, #tpu.memory_space<semaphore_mem>>
        %dma_start3A_32 = arith.constant 0 : i32
        %dma_start3A_33 = tpu.memref_slice %arg7[%scan3A_21, %dma_start3A_32] : memref<79x128xi32, #tpu.memory_space<vmem>> -> memref<1x128xi32, #tpu.memory_space<vmem>>
        %dma_start3A_34 = tpu.memref_squeeze %dma_start3A_33 : memref<1x128xi32, #tpu.memory_space<vmem>> -> memref<128xi32, #tpu.memory_space<vmem>>
        %dma_start3A_35 = arith.constant 0 : i32
        %dma_start3A_36 = arith.constant 0 : i32
        %dma_start3A_37 = tpu.memref_slice %arg11[%dma_start3A_35, %dma_start3A_36] : memref<10112x128xf32, #tpu.memory_space<vmem_shared>> -> memref<10112x128xf32, #tpu.memory_space<vmem_shared>>
        tpu.enqueue_indirect_dma source(%arg8 : memref<128x128xf32, #tpu.memory_space<vmem>>) target(%dma_start3A_37 : memref<10112x128xf32, #tpu.memory_space<vmem_shared>>) offsets(%dma_start3A_34 : memref<128xi32, #tpu.memory_space<vmem>>) semaphore(%run_scoped3A : memref<!tpu.dma_semaphore, #tpu.memory_space<semaphore_mem>>) {add = true}
        %dma_wait3A_38 = arith.constant 0 : i32
        %dma_wait3A_39 = tpu.memref_slice %arg7[%scan3A_21, %dma_wait3A_38] : memref<79x128xi32, #tpu.memory_space<vmem>> -> memref<1x128xi32, #tpu.memory_space<vmem>>
        %dma_wait3A_40 = tpu.memref_squeeze %dma_wait3A_39 : memref<1x128xi32, #tpu.memory_space<vmem>> -> memref<128xi32, #tpu.memory_space<vmem>>
        %dma_wait3A_41 = arith.constant 0 : i32
        %dma_wait3A_42 = arith.constant 0 : i32
        %dma_wait3A_43 = tpu.memref_slice %arg11[%dma_wait3A_41, %dma_wait3A_42] : memref<10112x128xf32, #tpu.memory_space<vmem_shared>> -> memref<10112x128xf32, #tpu.memory_space<vmem_shared>>
        tpu.wait_indirect_dma semaphore(%run_scoped3A : memref<!tpu.dma_semaphore, #tpu.memory_space<semaphore_mem>>) src(%arg8 : memref<128x128xf32, #tpu.memory_space<vmem>>) dst(%dma_wait3A_43 : memref<10112x128xf32, #tpu.memory_space<vmem_shared>>)
        tpu.yield
      }) : () -> ()
    }
    %scan3A_16 = arith.constant 79 : i32
    %barrier3A_17 = arith.constant 0 : index
    tpu.barrier barrier_id(%barrier3A_17)
    %mul3A = arith.constant 632 : i32
    %mul3A_18 = arith.muli %arg1, %mul3A : i32
    %mul3A_19 = arith.constant 632 : i32
    %mul3A_20 = arith.muli %arg1, %mul3A_19 : i32
    "tpu.region"() ({
      %run_scoped3A = tpu.sem_alloc : memref<!tpu.dma_semaphore, #tpu.memory_space<semaphore_mem>>
      %dma_start3A = arith.constant 0 : i32
      %dma_start3A_21 = tpu.memref_slice %arg5[%arg0, %mul3A_20, %dma_start3A] : memref<2x10112x128xf32, #tpu.memory_space<hbm>> -> memref<1x632x128xf32, #tpu.memory_space<hbm>>
      %dma_start3A_22 = tpu.memref_squeeze %dma_start3A_21 : memref<1x632x128xf32, #tpu.memory_space<hbm>> -> memref<632x128xf32, #tpu.memory_space<hbm>>
      %dma_start3A_23 = arith.constant 0 : i32
      %dma_start3A_24 = tpu.memref_slice %arg11[%mul3A_18, %dma_start3A_23] : memref<10112x128xf32, #tpu.memory_space<vmem_shared>> -> memref<632x128xf32, #tpu.memory_space<vmem_shared>>
      tpu.enqueue_dma source(%dma_start3A_24 : memref<632x128xf32, #tpu.memory_space<vmem_shared>>) target(%dma_start3A_22 : memref<632x128xf32, #tpu.memory_space<hbm>>) target_semaphore(%run_scoped3A : memref<!tpu.dma_semaphore, #tpu.memory_space<semaphore_mem>>)
      %dma_wait3A = arith.constant 0 : i32
      %dma_wait3A_25 = tpu.memref_slice %arg5[%arg0, %mul3A_20, %dma_wait3A] : memref<2x10112x128xf32, #tpu.memory_space<hbm>> -> memref<1x632x128xf32, #tpu.memory_space<hbm>>
      %dma_wait3A_26 = tpu.memref_squeeze %dma_wait3A_25 : memref<1x632x128xf32, #tpu.memory_space<hbm>> -> memref<632x128xf32, #tpu.memory_space<hbm>>
      %dma_wait3A_27 = arith.constant 0 : i32
      %dma_wait3A_28 = tpu.memref_slice %arg11[%mul3A_18, %dma_wait3A_27] : memref<10112x128xf32, #tpu.memory_space<vmem_shared>> -> memref<632x128xf32, #tpu.memory_space<vmem_shared>>
      tpu.wait_dma2 semaphore(%run_scoped3A : memref<!tpu.dma_semaphore, #tpu.memory_space<semaphore_mem>>) src(%dma_wait3A_28 : memref<632x128xf32, #tpu.memory_space<vmem_shared>>) dst(%dma_wait3A_26 : memref<632x128xf32, #tpu.memory_space<hbm>>)
      tpu.yield
    }) : () -> ()
    return
  }
}

#map = affine_map<(d0, d1) -> (0, 0, 0, 0, 0)>
#map1 = affine_map<(d0, d1) -> (0, 0, 0)>
module attributes {stable_mosaic.version = 14 : i64} {
  func.func @body(%arg0: i32, %arg1: i32, %arg2: memref<2x2x16x79x128xi32, #tpu.memory_space<hbm>>, %arg3: memref<2x20224x128xf32, #tpu.memory_space<hbm>>, %arg4: memref<79x128xi32, #tpu.memory_space<vmem>>, %arg5: memref<128x128xf32, #tpu.memory_space<vmem>>, %arg6: memref<8x128xf32, #tpu.memory_space<vmem>>, %arg7: memref<10112x128xf32, #tpu.memory_space<vmem_shared>>) attributes {dimension_semantics = [#tpu.dimension_semantics<core_parallel>, #tpu.dimension_semantics<subcore_parallel>], iteration_bounds = array<i64: 2, 16>, scalar_prefetch = 0 : i64, scratch_operands = 4 : i64, tpu.core_type = #tpu.core_type<sc_vector_subcore>, window_params = [{transform_indices = #map}, {transform_indices = #map1}]} {
    %scan3A = arith.constant 0 : i32
    %scan3A_0 = arith.constant 0 : i32
    %scan3A_1 = arith.constant 128 : i32
    %scan3A_2 = arith.addi %scan3A_0, %scan3A_1 : i32
    %scan3A_3 = arith.constant 1 : i32
    scf.for %scan3A_50 = %scan3A_0 to %scan3A_2 step %scan3A_3  : i32 {
      %broadcast_in_dim3A = arith.constant 1.000000e+00 : f32
      %broadcast_in_dim3A_51 = vector.broadcast %broadcast_in_dim3A : f32 to vector<16xf32>
      %swap3A = arith.index_cast %scan3A_50 : i32 to index
      %swap3A_52 = arith.constant 0 : index
      %swap3A_53 = tpu.vector_load %arg5[%swap3A, %swap3A_52] {strides = array<i32>} : memref<128x128xf32, #tpu.memory_space<vmem>>, vector<1x16xf32>,
      %swap3A_54 = vector.shape_cast %swap3A_53 : vector<1x16xf32> to vector<16xf32>
      %swap3A_55 = vector.shape_cast %broadcast_in_dim3A_51 : vector<16xf32> to vector<1x16xf32>
      tpu.vector_store %arg5[%swap3A, %swap3A_52], %swap3A_55 {strides = array<i32>} : memref<128x128xf32, #tpu.memory_space<vmem>>, vector<1x16xf32>,
      %broadcast_in_dim3A_56 = arith.constant 1.000000e+00 : f32
      %broadcast_in_dim3A_57 = vector.broadcast %broadcast_in_dim3A_56 : f32 to vector<16xf32>
      %swap3A_58 = arith.index_cast %scan3A_50 : i32 to index
      %swap3A_59 = arith.constant 16 : index
      %swap3A_60 = tpu.vector_load %arg5[%swap3A_58, %swap3A_59] {strides = array<i32>} : memref<128x128xf32, #tpu.memory_space<vmem>>, vector<1x16xf32>,
      %swap3A_61 = vector.shape_cast %swap3A_60 : vector<1x16xf32> to vector<16xf32>
      %swap3A_62 = vector.shape_cast %broadcast_in_dim3A_57 : vector<16xf32> to vector<1x16xf32>
      tpu.vector_store %arg5[%swap3A_58, %swap3A_59], %swap3A_62 {strides = array<i32>} : memref<128x128xf32, #tpu.memory_space<vmem>>, vector<1x16xf32>,
      %broadcast_in_dim3A_63 = arith.constant 1.000000e+00 : f32
      %broadcast_in_dim3A_64 = vector.broadcast %broadcast_in_dim3A_63 : f32 to vector<16xf32>
      %swap3A_65 = arith.index_cast %scan3A_50 : i32 to index
      %swap3A_66 = arith.constant 32 : index
      %swap3A_67 = tpu.vector_load %arg5[%swap3A_65, %swap3A_66] {strides = array<i32>} : memref<128x128xf32, #tpu.memory_space<vmem>>, vector<1x16xf32>,
      %swap3A_68 = vector.shape_cast %swap3A_67 : vector<1x16xf32> to vector<16xf32>
      %swap3A_69 = vector.shape_cast %broadcast_in_dim3A_64 : vector<16xf32> to vector<1x16xf32>
      tpu.vector_store %arg5[%swap3A_65, %swap3A_66], %swap3A_69 {strides = array<i32>} : memref<128x128xf32, #tpu.memory_space<vmem>>, vector<1x16xf32>,
      %broadcast_in_dim3A_70 = arith.constant 1.000000e+00 : f32
      %broadcast_in_dim3A_71 = vector.broadcast %broadcast_in_dim3A_70 : f32 to vector<16xf32>
      %swap3A_72 = arith.index_cast %scan3A_50 : i32 to index
      %swap3A_73 = arith.constant 48 : index
      %swap3A_74 = tpu.vector_load %arg5[%swap3A_72, %swap3A_73] {strides = array<i32>} : memref<128x128xf32, #tpu.memory_space<vmem>>, vector<1x16xf32>,
      %swap3A_75 = vector.shape_cast %swap3A_74 : vector<1x16xf32> to vector<16xf32>
      %swap3A_76 = vector.shape_cast %broadcast_in_dim3A_71 : vector<16xf32> to vector<1x16xf32>
      tpu.vector_store %arg5[%swap3A_72, %swap3A_73], %swap3A_76 {strides = array<i32>} : memref<128x128xf32, #tpu.memory_space<vmem>>, vector<1x16xf32>,
      %broadcast_in_dim3A_77 = arith.constant 1.000000e+00 : f32
      %broadcast_in_dim3A_78 = vector.broadcast %broadcast_in_dim3A_77 : f32 to vector<16xf32>
      %swap3A_79 = arith.index_cast %scan3A_50 : i32 to index
      %swap3A_80 = arith.constant 64 : index
      %swap3A_81 = tpu.vector_load %arg5[%swap3A_79, %swap3A_80] {strides = array<i32>} : memref<128x128xf32, #tpu.memory_space<vmem>>, vector<1x16xf32>,
      %swap3A_82 = vector.shape_cast %swap3A_81 : vector<1x16xf32> to vector<16xf32>
      %swap3A_83 = vector.shape_cast %broadcast_in_dim3A_78 : vector<16xf32> to vector<1x16xf32>
      tpu.vector_store %arg5[%swap3A_79, %swap3A_80], %swap3A_83 {strides = array<i32>} : memref<128x128xf32, #tpu.memory_space<vmem>>, vector<1x16xf32>,
      %broadcast_in_dim3A_84 = arith.constant 1.000000e+00 : f32
      %broadcast_in_dim3A_85 = vector.broadcast %broadcast_in_dim3A_84 : f32 to vector<16xf32>
      %swap3A_86 = arith.index_cast %scan3A_50 : i32 to index
      %swap3A_87 = arith.constant 80 : index
      %swap3A_88 = tpu.vector_load %arg5[%swap3A_86, %swap3A_87] {strides = array<i32>} : memref<128x128xf32, #tpu.memory_space<vmem>>, vector<1x16xf32>,
      %swap3A_89 = vector.shape_cast %swap3A_88 : vector<1x16xf32> to vector<16xf32>
      %swap3A_90 = vector.shape_cast %broadcast_in_dim3A_85 : vector<16xf32> to vector<1x16xf32>
      tpu.vector_store %arg5[%swap3A_86, %swap3A_87], %swap3A_90 {strides = array<i32>} : memref<128x128xf32, #tpu.memory_space<vmem>>, vector<1x16xf32>,
      %broadcast_in_dim3A_91 = arith.constant 1.000000e+00 : f32
      %broadcast_in_dim3A_92 = vector.broadcast %broadcast_in_dim3A_91 : f32 to vector<16xf32>
      %swap3A_93 = arith.index_cast %scan3A_50 : i32 to index
      %swap3A_94 = arith.constant 96 : index
      %swap3A_95 = tpu.vector_load %arg5[%swap3A_93, %swap3A_94] {strides = array<i32>} : memref<128x128xf32, #tpu.memory_space<vmem>>, vector<1x16xf32>,
      %swap3A_96 = vector.shape_cast %swap3A_95 : vector<1x16xf32> to vector<16xf32>
      %swap3A_97 = vector.shape_cast %broadcast_in_dim3A_92 : vector<16xf32> to vector<1x16xf32>
      tpu.vector_store %arg5[%swap3A_93, %swap3A_94], %swap3A_97 {strides = array<i32>} : memref<128x128xf32, #tpu.memory_space<vmem>>, vector<1x16xf32>,
      %broadcast_in_dim3A_98 = arith.constant 1.000000e+00 : f32
      %broadcast_in_dim3A_99 = vector.broadcast %broadcast_in_dim3A_98 : f32 to vector<16xf32>
      %swap3A_100 = arith.index_cast %scan3A_50 : i32 to index
      %swap3A_101 = arith.constant 112 : index
      %swap3A_102 = tpu.vector_load %arg5[%swap3A_100, %swap3A_101] {strides = array<i32>} : memref<128x128xf32, #tpu.memory_space<vmem>>, vector<1x16xf32>,
      %swap3A_103 = vector.shape_cast %swap3A_102 : vector<1x16xf32> to vector<16xf32>
      %swap3A_104 = vector.shape_cast %broadcast_in_dim3A_99 : vector<16xf32> to vector<1x16xf32>
      tpu.vector_store %arg5[%swap3A_100, %swap3A_101], %swap3A_104 {strides = array<i32>} : memref<128x128xf32, #tpu.memory_space<vmem>>, vector<1x16xf32>,
    }
    %scan3A_4 = arith.constant 128 : i32
    %scan3A_5 = arith.constant 0 : i32
    %scan3A_6 = arith.constant 0 : i32
    %scan3A_7 = arith.constant 8 : i32
    %scan3A_8 = arith.addi %scan3A_6, %scan3A_7 : i32
    %scan3A_9 = arith.constant 1 : i32
    scf.for %scan3A_50 = %scan3A_6 to %scan3A_8 step %scan3A_9  : i32 {
      %broadcast_in_dim3A = arith.constant 0.000000e+00 : f32
      %broadcast_in_dim3A_51 = vector.broadcast %broadcast_in_dim3A : f32 to vector<16xf32>
      %swap3A = arith.index_cast %scan3A_50 : i32 to index
      %swap3A_52 = arith.constant 0 : index
      %swap3A_53 = tpu.vector_load %arg6[%swap3A, %swap3A_52] {strides = array<i32>} : memref<8x128xf32, #tpu.memory_space<vmem>>, vector<1x16xf32>,
      %swap3A_54 = vector.shape_cast %swap3A_53 : vector<1x16xf32> to vector<16xf32>
      %swap3A_55 = vector.shape_cast %broadcast_in_dim3A_51 : vector<16xf32> to vector<1x16xf32>
      tpu.vector_store %arg6[%swap3A, %swap3A_52], %swap3A_55 {strides = array<i32>} : memref<8x128xf32, #tpu.memory_space<vmem>>, vector<1x16xf32>,
      %broadcast_in_dim3A_56 = arith.constant 0.000000e+00 : f32
      %broadcast_in_dim3A_57 = vector.broadcast %broadcast_in_dim3A_56 : f32 to vector<16xf32>
      %swap3A_58 = arith.index_cast %scan3A_50 : i32 to index
      %swap3A_59 = arith.constant 16 : index
      %swap3A_60 = tpu.vector_load %arg6[%swap3A_58, %swap3A_59] {strides = array<i32>} : memref<8x128xf32, #tpu.memory_space<vmem>>, vector<1x16xf32>,
      %swap3A_61 = vector.shape_cast %swap3A_60 : vector<1x16xf32> to vector<16xf32>
      %swap3A_62 = vector.shape_cast %broadcast_in_dim3A_57 : vector<16xf32> to vector<1x16xf32>
      tpu.vector_store %arg6[%swap3A_58, %swap3A_59], %swap3A_62 {strides = array<i32>} : memref<8x128xf32, #tpu.memory_space<vmem>>, vector<1x16xf32>,
      %broadcast_in_dim3A_63 = arith.constant 0.000000e+00 : f32
      %broadcast_in_dim3A_64 = vector.broadcast %broadcast_in_dim3A_63 : f32 to vector<16xf32>
      %swap3A_65 = arith.index_cast %scan3A_50 : i32 to index
      %swap3A_66 = arith.constant 32 : index
      %swap3A_67 = tpu.vector_load %arg6[%swap3A_65, %swap3A_66] {strides = array<i32>} : memref<8x128xf32, #tpu.memory_space<vmem>>, vector<1x16xf32>,
      %swap3A_68 = vector.shape_cast %swap3A_67 : vector<1x16xf32> to vector<16xf32>
      %swap3A_69 = vector.shape_cast %broadcast_in_dim3A_64 : vector<16xf32> to vector<1x16xf32>
      tpu.vector_store %arg6[%swap3A_65, %swap3A_66], %swap3A_69 {strides = array<i32>} : memref<8x128xf32, #tpu.memory_space<vmem>>, vector<1x16xf32>,
      %broadcast_in_dim3A_70 = arith.constant 0.000000e+00 : f32
      %broadcast_in_dim3A_71 = vector.broadcast %broadcast_in_dim3A_70 : f32 to vector<16xf32>
      %swap3A_72 = arith.index_cast %scan3A_50 : i32 to index
      %swap3A_73 = arith.constant 48 : index
      %swap3A_74 = tpu.vector_load %arg6[%swap3A_72, %swap3A_73] {strides = array<i32>} : memref<8x128xf32, #tpu.memory_space<vmem>>, vector<1x16xf32>,
      %swap3A_75 = vector.shape_cast %swap3A_74 : vector<1x16xf32> to vector<16xf32>
      %swap3A_76 = vector.shape_cast %broadcast_in_dim3A_71 : vector<16xf32> to vector<1x16xf32>
      tpu.vector_store %arg6[%swap3A_72, %swap3A_73], %swap3A_76 {strides = array<i32>} : memref<8x128xf32, #tpu.memory_space<vmem>>, vector<1x16xf32>,
      %broadcast_in_dim3A_77 = arith.constant 0.000000e+00 : f32
      %broadcast_in_dim3A_78 = vector.broadcast %broadcast_in_dim3A_77 : f32 to vector<16xf32>
      %swap3A_79 = arith.index_cast %scan3A_50 : i32 to index
      %swap3A_80 = arith.constant 64 : index
      %swap3A_81 = tpu.vector_load %arg6[%swap3A_79, %swap3A_80] {strides = array<i32>} : memref<8x128xf32, #tpu.memory_space<vmem>>, vector<1x16xf32>,
      %swap3A_82 = vector.shape_cast %swap3A_81 : vector<1x16xf32> to vector<16xf32>
      %swap3A_83 = vector.shape_cast %broadcast_in_dim3A_78 : vector<16xf32> to vector<1x16xf32>
      tpu.vector_store %arg6[%swap3A_79, %swap3A_80], %swap3A_83 {strides = array<i32>} : memref<8x128xf32, #tpu.memory_space<vmem>>, vector<1x16xf32>,
      %broadcast_in_dim3A_84 = arith.constant 0.000000e+00 : f32
      %broadcast_in_dim3A_85 = vector.broadcast %broadcast_in_dim3A_84 : f32 to vector<16xf32>
      %swap3A_86 = arith.index_cast %scan3A_50 : i32 to index
      %swap3A_87 = arith.constant 80 : index
      %swap3A_88 = tpu.vector_load %arg6[%swap3A_86, %swap3A_87] {strides = array<i32>} : memref<8x128xf32, #tpu.memory_space<vmem>>, vector<1x16xf32>,
      %swap3A_89 = vector.shape_cast %swap3A_88 : vector<1x16xf32> to vector<16xf32>
      %swap3A_90 = vector.shape_cast %broadcast_in_dim3A_85 : vector<16xf32> to vector<1x16xf32>
      tpu.vector_store %arg6[%swap3A_86, %swap3A_87], %swap3A_90 {strides = array<i32>} : memref<8x128xf32, #tpu.memory_space<vmem>>, vector<1x16xf32>,
      %broadcast_in_dim3A_91 = arith.constant 0.000000e+00 : f32
      %broadcast_in_dim3A_92 = vector.broadcast %broadcast_in_dim3A_91 : f32 to vector<16xf32>
      %swap3A_93 = arith.index_cast %scan3A_50 : i32 to index
      %swap3A_94 = arith.constant 96 : index
      %swap3A_95 = tpu.vector_load %arg6[%swap3A_93, %swap3A_94] {strides = array<i32>} : memref<8x128xf32, #tpu.memory_space<vmem>>, vector<1x16xf32>,
      %swap3A_96 = vector.shape_cast %swap3A_95 : vector<1x16xf32> to vector<16xf32>
      %swap3A_97 = vector.shape_cast %broadcast_in_dim3A_92 : vector<16xf32> to vector<1x16xf32>
      tpu.vector_store %arg6[%swap3A_93, %swap3A_94], %swap3A_97 {strides = array<i32>} : memref<8x128xf32, #tpu.memory_space<vmem>>, vector<1x16xf32>,
      %broadcast_in_dim3A_98 = arith.constant 0.000000e+00 : f32
      %broadcast_in_dim3A_99 = vector.broadcast %broadcast_in_dim3A_98 : f32 to vector<16xf32>
      %swap3A_100 = arith.index_cast %scan3A_50 : i32 to index
      %swap3A_101 = arith.constant 112 : index
      %swap3A_102 = tpu.vector_load %arg6[%swap3A_100, %swap3A_101] {strides = array<i32>} : memref<8x128xf32, #tpu.memory_space<vmem>>, vector<1x16xf32>,
      %swap3A_103 = vector.shape_cast %swap3A_102 : vector<1x16xf32> to vector<16xf32>
      %swap3A_104 = vector.shape_cast %broadcast_in_dim3A_99 : vector<16xf32> to vector<1x16xf32>
      tpu.vector_store %arg6[%swap3A_100, %swap3A_101], %swap3A_104 {strides = array<i32>} : memref<8x128xf32, #tpu.memory_space<vmem>>, vector<1x16xf32>,
    }
    %scan3A_10 = arith.constant 8 : i32
    %scan3A_11 = arith.constant 0 : i32
    %scan3A_12 = arith.constant 0 : i32
    %scan3A_13 = arith.constant 79 : i32
    %scan3A_14 = arith.addi %scan3A_12, %scan3A_13 : i32
    %scan3A_15 = arith.constant 1 : i32
    scf.for %scan3A_50 = %scan3A_12 to %scan3A_14 step %scan3A_15  : i32 {
      %mul3A_51 = arith.constant 632 : i32
      %mul3A_52 = arith.muli %arg1, %mul3A_51 : i32
      %mul3A_53 = arith.constant 8 : i32
      %mul3A_54 = arith.muli %scan3A_50, %mul3A_53 : i32
      %add3A_55 = arith.addi %mul3A_52, %mul3A_54 : i32
      "tpu.region"() ({
        %run_scoped3A_56 = tpu.sem_alloc : memref<!tpu.dma_semaphore, #tpu.memory_space<semaphore_mem>>
        %dma_start3A = arith.constant 0 : i32
        %dma_start3A_57 = tpu.memref_slice %arg7[%add3A_55, %dma_start3A] : memref<10112x128xf32, #tpu.memory_space<vmem_shared>> -> memref<8x128xf32, #tpu.memory_space<vmem_shared>>
        %dma_start3A_58 = arith.constant 0 : i32
        %dma_start3A_59 = tpu.memref_slice %arg7[%add3A_55, %dma_start3A_58] : memref<10112x128xf32, #tpu.memory_space<vmem_shared>> -> memref<8x128xf32, #tpu.memory_space<vmem_shared>>
        tpu.enqueue_dma source(%arg6 : memref<8x128xf32, #tpu.memory_space<vmem>>) target(%dma_start3A_59 : memref<8x128xf32, #tpu.memory_space<vmem_shared>>) target_semaphore(%run_scoped3A_56 : memref<!tpu.dma_semaphore, #tpu.memory_space<semaphore_mem>>)
        %dma_wait3A = arith.constant 0 : i32
        %dma_wait3A_60 = tpu.memref_slice %arg7[%add3A_55, %dma_wait3A] : memref<10112x128xf32, #tpu.memory_space<vmem_shared>> -> memref<8x128xf32, #tpu.memory_space<vmem_shared>>
        %dma_wait3A_61 = arith.constant 0 : i32
        %dma_wait3A_62 = tpu.memref_slice %arg7[%add3A_55, %dma_wait3A_61] : memref<10112x128xf32, #tpu.memory_space<vmem_shared>> -> memref<8x128xf32, #tpu.memory_space<vmem_shared>>
        tpu.wait_dma2 semaphore(%run_scoped3A_56 : memref<!tpu.dma_semaphore, #tpu.memory_space<semaphore_mem>>) src(%arg6 : memref<8x128xf32, #tpu.memory_space<vmem>>) dst(%dma_wait3A_62 : memref<8x128xf32, #tpu.memory_space<vmem_shared>>)
        tpu.yield
      }) : () -> ()
    }
    %scan3A_16 = arith.constant 79 : i32
    %run_scoped3A = arith.constant 0 : i32
    "tpu.region"() ({
      %run_scoped3A_50 = tpu.sem_alloc : memref<!tpu.dma_semaphore, #tpu.memory_space<semaphore_mem>>
      %dma_start3A = arith.constant 0 : i32
      %dma_start3A_51 = arith.constant 0 : i32
      %dma_start3A_52 = tpu.memref_slice %arg2[%run_scoped3A, %arg0, %arg1, %dma_start3A, %dma_start3A_51] : memref<2x2x16x79x128xi32, #tpu.memory_space<hbm>> -> memref<1x1x1x79x128xi32, #tpu.memory_space<hbm>>
      %dma_start3A_53 = tpu.memref_squeeze %dma_start3A_52 : memref<1x1x1x79x128xi32, #tpu.memory_space<hbm>> -> memref<79x128xi32, #tpu.memory_space<hbm>>
      %dma_start3A_54 = arith.constant 0 : i32
      %dma_start3A_55 = arith.constant 0 : i32
      %dma_start3A_56 = tpu.memref_slice %arg2[%run_scoped3A, %arg0, %arg1, %dma_start3A_54, %dma_start3A_55] : memref<2x2x16x79x128xi32, #tpu.memory_space<hbm>> -> memref<1x1x1x79x128xi32, #tpu.memory_space<hbm>>
      %dma_start3A_57 = tpu.memref_squeeze %dma_start3A_56 : memref<1x1x1x79x128xi32, #tpu.memory_space<hbm>> -> memref<79x128xi32, #tpu.memory_space<hbm>>
      tpu.enqueue_dma source(%dma_start3A_57 : memref<79x128xi32, #tpu.memory_space<hbm>>) target(%arg4 : memref<79x128xi32, #tpu.memory_space<vmem>>) target_semaphore(%run_scoped3A_50 : memref<!tpu.dma_semaphore, #tpu.memory_space<semaphore_mem>>)
      %dma_wait3A = arith.constant 0 : i32
      %dma_wait3A_58 = arith.constant 0 : i32
      %dma_wait3A_59 = tpu.memref_slice %arg2[%run_scoped3A, %arg0, %arg1, %dma_wait3A, %dma_wait3A_58] : memref<2x2x16x79x128xi32, #tpu.memory_space<hbm>> -> memref<1x1x1x79x128xi32, #tpu.memory_space<hbm>>
      %dma_wait3A_60 = tpu.memref_squeeze %dma_wait3A_59 : memref<1x1x1x79x128xi32, #tpu.memory_space<hbm>> -> memref<79x128xi32, #tpu.memory_space<hbm>>
      %dma_wait3A_61 = arith.constant 0 : i32
      %dma_wait3A_62 = arith.constant 0 : i32
      %dma_wait3A_63 = tpu.memref_slice %arg2[%run_scoped3A, %arg0, %arg1, %dma_wait3A_61, %dma_wait3A_62] : memref<2x2x16x79x128xi32, #tpu.memory_space<hbm>> -> memref<1x1x1x79x128xi32, #tpu.memory_space<hbm>>
      %dma_wait3A_64 = tpu.memref_squeeze %dma_wait3A_63 : memref<1x1x1x79x128xi32, #tpu.memory_space<hbm>> -> memref<79x128xi32, #tpu.memory_space<hbm>>
      tpu.wait_dma2 semaphore(%run_scoped3A_50 : memref<!tpu.dma_semaphore, #tpu.memory_space<semaphore_mem>>) src(%dma_wait3A_64 : memref<79x128xi32, #tpu.memory_space<hbm>>) dst(%arg4 : memref<79x128xi32, #tpu.memory_space<vmem>>)
      tpu.yield
    }) : () -> ()
    %barrier3A = arith.constant 0 : index
    tpu.barrier barrier_id(%barrier3A)
    %scan3A_17 = arith.constant 0 : i32
    %scan3A_18 = arith.constant 0 : i32
    %scan3A_19 = arith.constant 79 : i32
    %scan3A_20 = arith.addi %scan3A_18, %scan3A_19 : i32
    %scan3A_21 = arith.constant 1 : i32
    scf.for %scan3A_50 = %scan3A_18 to %scan3A_20 step %scan3A_21  : i32 {
      "tpu.region"() ({
        %run_scoped3A_51 = tpu.sem_alloc : memref<!tpu.dma_semaphore, #tpu.memory_space<semaphore_mem>>
        %dma_start3A = arith.constant 0 : i32
        %dma_start3A_52 = tpu.memref_slice %arg4[%scan3A_50, %dma_start3A] : memref<79x128xi32, #tpu.memory_space<vmem>> -> memref<1x128xi32, #tpu.memory_space<vmem>>
        %dma_start3A_53 = tpu.memref_squeeze %dma_start3A_52 : memref<1x128xi32, #tpu.memory_space<vmem>> -> memref<128xi32, #tpu.memory_space<vmem>>
        %dma_start3A_54 = arith.constant 0 : i32
        %dma_start3A_55 = arith.constant 0 : i32
        %dma_start3A_56 = tpu.memref_slice %arg7[%dma_start3A_54, %dma_start3A_55] : memref<10112x128xf32, #tpu.memory_space<vmem_shared>> -> memref<10112x128xf32, #tpu.memory_space<vmem_shared>>
        tpu.enqueue_indirect_dma source(%arg5 : memref<128x128xf32, #tpu.memory_space<vmem>>) target(%dma_start3A_56 : memref<10112x128xf32, #tpu.memory_space<vmem_shared>>) offsets(%dma_start3A_53 : memref<128xi32, #tpu.memory_space<vmem>>) semaphore(%run_scoped3A_51 : memref<!tpu.dma_semaphore, #tpu.memory_space<semaphore_mem>>) {add = true}
        %dma_wait3A = arith.constant 0 : i32
        %dma_wait3A_57 = tpu.memref_slice %arg4[%scan3A_50, %dma_wait3A] : memref<79x128xi32, #tpu.memory_space<vmem>> -> memref<1x128xi32, #tpu.memory_space<vmem>>
        %dma_wait3A_58 = tpu.memref_squeeze %dma_wait3A_57 : memref<1x128xi32, #tpu.memory_space<vmem>> -> memref<128xi32, #tpu.memory_space<vmem>>
        %dma_wait3A_59 = arith.constant 0 : i32
        %dma_wait3A_60 = arith.constant 0 : i32
        %dma_wait3A_61 = tpu.memref_slice %arg7[%dma_wait3A_59, %dma_wait3A_60] : memref<10112x128xf32, #tpu.memory_space<vmem_shared>> -> memref<10112x128xf32, #tpu.memory_space<vmem_shared>>
        tpu.wait_indirect_dma semaphore(%run_scoped3A_51 : memref<!tpu.dma_semaphore, #tpu.memory_space<semaphore_mem>>) src(%arg5 : memref<128x128xf32, #tpu.memory_space<vmem>>) dst(%dma_wait3A_61 : memref<10112x128xf32, #tpu.memory_space<vmem_shared>>)
        tpu.yield
      }) : () -> ()
    }
    %scan3A_22 = arith.constant 79 : i32
    %barrier3A_23 = arith.constant 0 : index
    tpu.barrier barrier_id(%barrier3A_23)
    %mul3A = arith.constant 632 : i32
    %mul3A_24 = arith.muli %arg1, %mul3A : i32
    %mul3A_25 = arith.constant 632 : i32
    %mul3A_26 = arith.muli %arg1, %mul3A_25 : i32
    %add3A = arith.constant 0 : i32
    %add3A_27 = arith.addi %add3A, %mul3A_26 : i32
    "tpu.region"() ({
      %run_scoped3A_50 = tpu.sem_alloc : memref<!tpu.dma_semaphore, #tpu.memory_space<semaphore_mem>>
      %dma_start3A = arith.constant 0 : i32
      %dma_start3A_51 = tpu.memref_slice %arg3[%arg0, %add3A_27, %dma_start3A] : memref<2x20224x128xf32, #tpu.memory_space<hbm>> -> memref<1x632x128xf32, #tpu.memory_space<hbm>>
      %dma_start3A_52 = tpu.memref_squeeze %dma_start3A_51 : memref<1x632x128xf32, #tpu.memory_space<hbm>> -> memref<632x128xf32, #tpu.memory_space<hbm>>
      %dma_start3A_53 = arith.constant 0 : i32
      %dma_start3A_54 = tpu.memref_slice %arg7[%mul3A_24, %dma_start3A_53] : memref<10112x128xf32, #tpu.memory_space<vmem_shared>> -> memref<632x128xf32, #tpu.memory_space<vmem_shared>>
      tpu.enqueue_dma source(%dma_start3A_54 : memref<632x128xf32, #tpu.memory_space<vmem_shared>>) target(%dma_start3A_52 : memref<632x128xf32, #tpu.memory_space<hbm>>) target_semaphore(%run_scoped3A_50 : memref<!tpu.dma_semaphore, #tpu.memory_space<semaphore_mem>>)
      %dma_wait3A = arith.constant 0 : i32
      %dma_wait3A_55 = tpu.memref_slice %arg3[%arg0, %add3A_27, %dma_wait3A] : memref<2x20224x128xf32, #tpu.memory_space<hbm>> -> memref<1x632x128xf32, #tpu.memory_space<hbm>>
      %dma_wait3A_56 = tpu.memref_squeeze %dma_wait3A_55 : memref<1x632x128xf32, #tpu.memory_space<hbm>> -> memref<632x128xf32, #tpu.memory_space<hbm>>
      %dma_wait3A_57 = arith.constant 0 : i32
      %dma_wait3A_58 = tpu.memref_slice %arg7[%mul3A_24, %dma_wait3A_57] : memref<10112x128xf32, #tpu.memory_space<vmem_shared>> -> memref<632x128xf32, #tpu.memory_space<vmem_shared>>
      tpu.wait_dma2 semaphore(%run_scoped3A_50 : memref<!tpu.dma_semaphore, #tpu.memory_space<semaphore_mem>>) src(%dma_wait3A_58 : memref<632x128xf32, #tpu.memory_space<vmem_shared>>) dst(%dma_wait3A_56 : memref<632x128xf32, #tpu.memory_space<hbm>>)
      tpu.yield
    }) : () -> ()
    %scan3A_28 = arith.constant 0 : i32
    %scan3A_29 = arith.constant 0 : i32
    %scan3A_30 = arith.constant 79 : i32
    %scan3A_31 = arith.addi %scan3A_29, %scan3A_30 : i32
    %scan3A_32 = arith.constant 1 : i32
    scf.for %scan3A_50 = %scan3A_29 to %scan3A_31 step %scan3A_32  : i32 {
      %mul3A_51 = arith.constant 632 : i32
      %mul3A_52 = arith.muli %arg1, %mul3A_51 : i32
      %mul3A_53 = arith.constant 8 : i32
      %mul3A_54 = arith.muli %scan3A_50, %mul3A_53 : i32
      %add3A_55 = arith.addi %mul3A_52, %mul3A_54 : i32
      "tpu.region"() ({
        %run_scoped3A_56 = tpu.sem_alloc : memref<!tpu.dma_semaphore, #tpu.memory_space<semaphore_mem>>
        %dma_start3A = arith.constant 0 : i32
        %dma_start3A_57 = tpu.memref_slice %arg7[%add3A_55, %dma_start3A] : memref<10112x128xf32, #tpu.memory_space<vmem_shared>> -> memref<8x128xf32, #tpu.memory_space<vmem_shared>>
        %dma_start3A_58 = arith.constant 0 : i32
        %dma_start3A_59 = tpu.memref_slice %arg7[%add3A_55, %dma_start3A_58] : memref<10112x128xf32, #tpu.memory_space<vmem_shared>> -> memref<8x128xf32, #tpu.memory_space<vmem_shared>>
        tpu.enqueue_dma source(%arg6 : memref<8x128xf32, #tpu.memory_space<vmem>>) target(%dma_start3A_59 : memref<8x128xf32, #tpu.memory_space<vmem_shared>>) target_semaphore(%run_scoped3A_56 : memref<!tpu.dma_semaphore, #tpu.memory_space<semaphore_mem>>)
        %dma_wait3A = arith.constant 0 : i32
        %dma_wait3A_60 = tpu.memref_slice %arg7[%add3A_55, %dma_wait3A] : memref<10112x128xf32, #tpu.memory_space<vmem_shared>> -> memref<8x128xf32, #tpu.memory_space<vmem_shared>>
        %dma_wait3A_61 = arith.constant 0 : i32
        %dma_wait3A_62 = tpu.memref_slice %arg7[%add3A_55, %dma_wait3A_61] : memref<10112x128xf32, #tpu.memory_space<vmem_shared>> -> memref<8x128xf32, #tpu.memory_space<vmem_shared>>
        tpu.wait_dma2 semaphore(%run_scoped3A_56 : memref<!tpu.dma_semaphore, #tpu.memory_space<semaphore_mem>>) src(%arg6 : memref<8x128xf32, #tpu.memory_space<vmem>>) dst(%dma_wait3A_62 : memref<8x128xf32, #tpu.memory_space<vmem_shared>>)
        tpu.yield
      }) : () -> ()
    }
    %scan3A_33 = arith.constant 79 : i32
    %barrier3A_34 = arith.constant 0 : index
    tpu.barrier barrier_id(%barrier3A_34)
    %run_scoped3A_35 = arith.constant 1 : i32
    "tpu.region"() ({
      %run_scoped3A_50 = tpu.sem_alloc : memref<!tpu.dma_semaphore, #tpu.memory_space<semaphore_mem>>
      %dma_start3A = arith.constant 0 : i32
      %dma_start3A_51 = arith.constant 0 : i32
      %dma_start3A_52 = tpu.memref_slice %arg2[%run_scoped3A_35, %arg0, %arg1, %dma_start3A, %dma_start3A_51] : memref<2x2x16x79x128xi32, #tpu.memory_space<hbm>> -> memref<1x1x1x79x128xi32, #tpu.memory_space<hbm>>
      %dma_start3A_53 = tpu.memref_squeeze %dma_start3A_52 : memref<1x1x1x79x128xi32, #tpu.memory_space<hbm>> -> memref<79x128xi32, #tpu.memory_space<hbm>>
      %dma_start3A_54 = arith.constant 0 : i32
      %dma_start3A_55 = arith.constant 0 : i32
      %dma_start3A_56 = tpu.memref_slice %arg2[%run_scoped3A_35, %arg0, %arg1, %dma_start3A_54, %dma_start3A_55] : memref<2x2x16x79x128xi32, #tpu.memory_space<hbm>> -> memref<1x1x1x79x128xi32, #tpu.memory_space<hbm>>
      %dma_start3A_57 = tpu.memref_squeeze %dma_start3A_56 : memref<1x1x1x79x128xi32, #tpu.memory_space<hbm>> -> memref<79x128xi32, #tpu.memory_space<hbm>>
      tpu.enqueue_dma source(%dma_start3A_57 : memref<79x128xi32, #tpu.memory_space<hbm>>) target(%arg4 : memref<79x128xi32, #tpu.memory_space<vmem>>) target_semaphore(%run_scoped3A_50 : memref<!tpu.dma_semaphore, #tpu.memory_space<semaphore_mem>>)
      %dma_wait3A = arith.constant 0 : i32
      %dma_wait3A_58 = arith.constant 0 : i32
      %dma_wait3A_59 = tpu.memref_slice %arg2[%run_scoped3A_35, %arg0, %arg1, %dma_wait3A, %dma_wait3A_58] : memref<2x2x16x79x128xi32, #tpu.memory_space<hbm>> -> memref<1x1x1x79x128xi32, #tpu.memory_space<hbm>>
      %dma_wait3A_60 = tpu.memref_squeeze %dma_wait3A_59 : memref<1x1x1x79x128xi32, #tpu.memory_space<hbm>> -> memref<79x128xi32, #tpu.memory_space<hbm>>
      %dma_wait3A_61 = arith.constant 0 : i32
      %dma_wait3A_62 = arith.constant 0 : i32
      %dma_wait3A_63 = tpu.memref_slice %arg2[%run_scoped3A_35, %arg0, %arg1, %dma_wait3A_61, %dma_wait3A_62] : memref<2x2x16x79x128xi32, #tpu.memory_space<hbm>> -> memref<1x1x1x79x128xi32, #tpu.memory_space<hbm>>
      %dma_wait3A_64 = tpu.memref_squeeze %dma_wait3A_63 : memref<1x1x1x79x128xi32, #tpu.memory_space<hbm>> -> memref<79x128xi32, #tpu.memory_space<hbm>>
      tpu.wait_dma2 semaphore(%run_scoped3A_50 : memref<!tpu.dma_semaphore, #tpu.memory_space<semaphore_mem>>) src(%dma_wait3A_64 : memref<79x128xi32, #tpu.memory_space<hbm>>) dst(%arg4 : memref<79x128xi32, #tpu.memory_space<vmem>>)
      tpu.yield
    }) : () -> ()
    %barrier3A_36 = arith.constant 0 : index
    tpu.barrier barrier_id(%barrier3A_36)
    %scan3A_37 = arith.constant 0 : i32
    %scan3A_38 = arith.constant 0 : i32
    %scan3A_39 = arith.constant 79 : i32
    %scan3A_40 = arith.addi %scan3A_38, %scan3A_39 : i32
    %scan3A_41 = arith.constant 1 : i32
    scf.for %scan3A_50 = %scan3A_38 to %scan3A_40 step %scan3A_41  : i32 {
      "tpu.region"() ({
        %run_scoped3A_51 = tpu.sem_alloc : memref<!tpu.dma_semaphore, #tpu.memory_space<semaphore_mem>>
        %dma_start3A = arith.constant 0 : i32
        %dma_start3A_52 = tpu.memref_slice %arg4[%scan3A_50, %dma_start3A] : memref<79x128xi32, #tpu.memory_space<vmem>> -> memref<1x128xi32, #tpu.memory_space<vmem>>
        %dma_start3A_53 = tpu.memref_squeeze %dma_start3A_52 : memref<1x128xi32, #tpu.memory_space<vmem>> -> memref<128xi32, #tpu.memory_space<vmem>>
        %dma_start3A_54 = arith.constant 0 : i32
        %dma_start3A_55 = arith.constant 0 : i32
        %dma_start3A_56 = tpu.memref_slice %arg7[%dma_start3A_54, %dma_start3A_55] : memref<10112x128xf32, #tpu.memory_space<vmem_shared>> -> memref<10112x128xf32, #tpu.memory_space<vmem_shared>>
        tpu.enqueue_indirect_dma source(%arg5 : memref<128x128xf32, #tpu.memory_space<vmem>>) target(%dma_start3A_56 : memref<10112x128xf32, #tpu.memory_space<vmem_shared>>) offsets(%dma_start3A_53 : memref<128xi32, #tpu.memory_space<vmem>>) semaphore(%run_scoped3A_51 : memref<!tpu.dma_semaphore, #tpu.memory_space<semaphore_mem>>) {add = true}
        %dma_wait3A = arith.constant 0 : i32
        %dma_wait3A_57 = tpu.memref_slice %arg4[%scan3A_50, %dma_wait3A] : memref<79x128xi32, #tpu.memory_space<vmem>> -> memref<1x128xi32, #tpu.memory_space<vmem>>
        %dma_wait3A_58 = tpu.memref_squeeze %dma_wait3A_57 : memref<1x128xi32, #tpu.memory_space<vmem>> -> memref<128xi32, #tpu.memory_space<vmem>>
        %dma_wait3A_59 = arith.constant 0 : i32
        %dma_wait3A_60 = arith.constant 0 : i32
        %dma_wait3A_61 = tpu.memref_slice %arg7[%dma_wait3A_59, %dma_wait3A_60] : memref<10112x128xf32, #tpu.memory_space<vmem_shared>> -> memref<10112x128xf32, #tpu.memory_space<vmem_shared>>
        tpu.wait_indirect_dma semaphore(%run_scoped3A_51 : memref<!tpu.dma_semaphore, #tpu.memory_space<semaphore_mem>>) src(%arg5 : memref<128x128xf32, #tpu.memory_space<vmem>>) dst(%dma_wait3A_61 : memref<10112x128xf32, #tpu.memory_space<vmem_shared>>)
        tpu.yield
      }) : () -> ()
    }
    %scan3A_42 = arith.constant 79 : i32
    %barrier3A_43 = arith.constant 0 : index
    tpu.barrier barrier_id(%barrier3A_43)
    %mul3A_44 = arith.constant 632 : i32
    %mul3A_45 = arith.muli %arg1, %mul3A_44 : i32
    %mul3A_46 = arith.constant 632 : i32
    %mul3A_47 = arith.muli %arg1, %mul3A_46 : i32
    %add3A_48 = arith.constant 10112 : i32
    %add3A_49 = arith.addi %add3A_48, %mul3A_47 : i32
    "tpu.region"() ({
      %run_scoped3A_50 = tpu.sem_alloc : memref<!tpu.dma_semaphore, #tpu.memory_space<semaphore_mem>>
      %dma_start3A = arith.constant 0 : i32
      %dma_start3A_51 = tpu.memref_slice %arg3[%arg0, %add3A_49, %dma_start3A] : memref<2x20224x128xf32, #tpu.memory_space<hbm>> -> memref<1x632x128xf32, #tpu.memory_space<hbm>>
      %dma_start3A_52 = tpu.memref_squeeze %dma_start3A_51 : memref<1x632x128xf32, #tpu.memory_space<hbm>> -> memref<632x128xf32, #tpu.memory_space<hbm>>
      %dma_start3A_53 = arith.constant 0 : i32
      %dma_start3A_54 = tpu.memref_slice %arg7[%mul3A_45, %dma_start3A_53] : memref<10112x128xf32, #tpu.memory_space<vmem_shared>> -> memref<632x128xf32, #tpu.memory_space<vmem_shared>>
      tpu.enqueue_dma source(%dma_start3A_54 : memref<632x128xf32, #tpu.memory_space<vmem_shared>>) target(%dma_start3A_52 : memref<632x128xf32, #tpu.memory_space<hbm>>) target_semaphore(%run_scoped3A_50 : memref<!tpu.dma_semaphore, #tpu.memory_space<semaphore_mem>>)
      %dma_wait3A = arith.constant 0 : i32
      %dma_wait3A_55 = tpu.memref_slice %arg3[%arg0, %add3A_49, %dma_wait3A] : memref<2x20224x128xf32, #tpu.memory_space<hbm>> -> memref<1x632x128xf32, #tpu.memory_space<hbm>>
      %dma_wait3A_56 = tpu.memref_squeeze %dma_wait3A_55 : memref<1x632x128xf32, #tpu.memory_space<hbm>> -> memref<632x128xf32, #tpu.memory_space<hbm>>
      %dma_wait3A_57 = arith.constant 0 : i32
      %dma_wait3A_58 = tpu.memref_slice %arg7[%mul3A_45, %dma_wait3A_57] : memref<10112x128xf32, #tpu.memory_space<vmem_shared>> -> memref<632x128xf32, #tpu.memory_space<vmem_shared>>
      tpu.wait_dma2 semaphore(%run_scoped3A_50 : memref<!tpu.dma_semaphore, #tpu.memory_space<semaphore_mem>>) src(%dma_wait3A_58 : memref<632x128xf32, #tpu.memory_space<vmem_shared>>) dst(%dma_wait3A_56 : memref<632x128xf32, #tpu.memory_space<hbm>>)
      tpu.yield
    }) : () -> ()
    return
  }
}

module attributes {stable_mosaic.version = 14 : i64} {
  func.func @body(%arg0: i32, %arg1: memref<2x128x128xf32, #tpu.memory_space<vmem>>, %arg2: memref<128x128xf32, #tpu.memory_space<vmem>>, %arg3: memref<128x128xf32, #tpu.memory_space<vmem>>) attributes {dimension_semantics = [#tpu.dimension_semantics<arbitrary>], iteration_bounds = array<i64: 79>, scalar_prefetch = 0 : i64, scratch_operands = 0 : i64, tpu.core_type = #tpu.core_type<tc>, window_params = [{transform_indices = @transform_0, window_bounds = array<i64: 2, 128, 128>}, {transform_indices = @transform_1, window_bounds = array<i64: 128, 128>}, {transform_indices = @transform_2, window_bounds = array<i64: 128, 128>}]} {
    %get3A = arith.constant 0 : index
    %get3A_0 = arith.constant 0 : index
    %get3A_1 = arith.constant 0 : index
    %get3A_2 = vector.load %arg1[%get3A, %get3A_0, %get3A_1] : memref<2x128x128xf32, #tpu.memory_space<vmem>>, vector<1x128x128xf32>
    %get3A_3 = vector.shape_cast %get3A_2 : vector<1x128x128xf32> to vector<128x128xf32>
    %get3A_4 = arith.constant 1 : index
    %get3A_5 = arith.constant 0 : index
    %get3A_6 = arith.constant 0 : index
    %get3A_7 = vector.load %arg1[%get3A_4, %get3A_5, %get3A_6] : memref<2x128x128xf32, #tpu.memory_space<vmem>>, vector<1x128x128xf32>
    %get3A_8 = vector.shape_cast %get3A_7 : vector<1x128x128xf32> to vector<128x128xf32>
    %add3A = arith.addf %get3A_3, %get3A_8 : vector<128x128xf32>
    %slice3A = vector.extract_strided_slice %add3A {offsets = [0, 0], sizes = [128, 1], strides = [1, 1]} : vector<128x128xf32> to vector<128x1xf32>
    %max3A = arith.constant 1.000000e+00 : f32
    %max3A_9 = vector.broadcast %max3A : f32 to vector<128x1xf32>
    %max3A_10 = arith.maximumf %slice3A, %max3A_9 : vector<128x1xf32>
    %rsqrt3A = math.rsqrt %max3A_10 : vector<128x1xf32>
    %get3A_11 = arith.constant 0 : index
    %get3A_12 = arith.constant 0 : index
    %get3A_13 = vector.load %arg2[%get3A_11, %get3A_12] : memref<128x128xf32, #tpu.memory_space<vmem>>, vector<128x128xf32>
    %mul3A = vector.broadcast %rsqrt3A : vector<128x1xf32> to vector<128x128xf32>
    %mul3A_14 = arith.mulf %get3A_13, %mul3A : vector<128x128xf32>
    %swap3A = arith.constant 0 : index
    %swap3A_15 = arith.constant 0 : index
    %swap3A_16 = vector.load %arg3[%swap3A, %swap3A_15] : memref<128x128xf32, #tpu.memory_space<vmem>>, vector<128x128xf32>
    tpu.vector_store %arg3[%swap3A, %swap3A_15], %mul3A_14 {strides = array<i32>} : memref<128x128xf32, #tpu.memory_space<vmem>>, vector<128x128xf32>,
    return
  }
  func.func @transform_0(%arg0: i32) -> (i32, i32, i32) {
    %c0_i32 = arith.constant 0 : i32
    %c0_i32_0 = arith.constant 0 : i32
    %c0_i32_1 = arith.constant 0 : i32
    return %c0_i32, %arg0, %c0_i32_0 : i32, i32, i32
  }
  func.func @transform_1(%arg0: i32) -> (i32, i32) {
    %c0_i32 = arith.constant 0 : i32
    %c0_i32_0 = arith.constant 0 : i32
    return %arg0, %c0_i32 : i32, i32
  }
  func.func @transform_2(%arg0: i32) -> (i32, i32) {
    %c0_i32 = arith.constant 0 : i32
    %c0_i32_0 = arith.constant 0 : i32
    return %arg0, %c0_i32 : i32, i32
  }
}

module attributes {stable_mosaic.version = 14 : i64} {
  func.func @body(%arg0: i32, %arg1: memref<2x128x128xf32, #tpu.memory_space<vmem>>, %arg2: memref<2x128x128xf32, #tpu.memory_space<vmem>>, %arg3: memref<128x64xf32, #tpu.memory_space<vmem>>, %arg4: memref<8x64xf32, #tpu.memory_space<vmem>>, %arg5: memref<128x64xf32, #tpu.memory_space<vmem>>) attributes {dimension_semantics = [#tpu.dimension_semantics<arbitrary>], iteration_bounds = array<i64: 79>, scalar_prefetch = 0 : i64, scratch_operands = 0 : i64, tpu.core_type = #tpu.core_type<tc>, window_params = [{transform_indices = @transform_0, window_bounds = array<i64: 2, 128, 128>}, {transform_indices = @transform_1, window_bounds = array<i64: 2, 128, 128>}, {pipeline_mode = #tpu.pipeline_mode<synchronous>, transform_indices = @transform_2, window_bounds = array<i64: 128, 64>}, {pipeline_mode = #tpu.pipeline_mode<synchronous>, transform_indices = @transform_3, window_bounds = array<i64: 8, 64>}, {transform_indices = @transform_4, window_bounds = array<i64: 128, 64>}]} {
    %get3A = arith.constant 0 : index
    %get3A_0 = arith.constant 0 : index
    %get3A_1 = arith.constant 0 : index
    %get3A_2 = vector.load %arg1[%get3A, %get3A_0, %get3A_1] : memref<2x128x128xf32, #tpu.memory_space<vmem>>, vector<1x128x128xf32>
    %get3A_3 = vector.shape_cast %get3A_2 : vector<1x128x128xf32> to vector<128x128xf32>
    %get3A_4 = arith.constant 1 : index
    %get3A_5 = arith.constant 0 : index
    %get3A_6 = arith.constant 0 : index
    %get3A_7 = vector.load %arg1[%get3A_4, %get3A_5, %get3A_6] : memref<2x128x128xf32, #tpu.memory_space<vmem>>, vector<1x128x128xf32>
    %get3A_8 = vector.shape_cast %get3A_7 : vector<1x128x128xf32> to vector<128x128xf32>
    %add3A = arith.addf %get3A_3, %get3A_8 : vector<128x128xf32>
    %get3A_9 = arith.constant 0 : index
    %get3A_10 = arith.constant 0 : index
    %get3A_11 = arith.constant 0 : index
    %get3A_12 = vector.load %arg2[%get3A_9, %get3A_10, %get3A_11] : memref<2x128x128xf32, #tpu.memory_space<vmem>>, vector<1x128x128xf32>
    %get3A_13 = vector.shape_cast %get3A_12 : vector<1x128x128xf32> to vector<128x128xf32>
    %get3A_14 = arith.constant 1 : index
    %get3A_15 = arith.constant 0 : index
    %get3A_16 = arith.constant 0 : index
    %get3A_17 = vector.load %arg2[%get3A_14, %get3A_15, %get3A_16] : memref<2x128x128xf32, #tpu.memory_space<vmem>>, vector<1x128x128xf32>
    %get3A_18 = vector.shape_cast %get3A_17 : vector<1x128x128xf32> to vector<128x128xf32>
    %add3A_19 = arith.addf %get3A_13, %get3A_18 : vector<128x128xf32>
    %slice3A = vector.extract_strided_slice %add3A_19 {offsets = [0, 0], sizes = [128, 1], strides = [1, 1]} : vector<128x128xf32> to vector<128x1xf32>
    %max3A = arith.constant 1.000000e+00 : f32
    %max3A_20 = vector.broadcast %max3A : f32 to vector<128x1xf32>
    %max3A_21 = arith.maximumf %slice3A, %max3A_20 : vector<128x1xf32>
    %rsqrt3A = math.rsqrt %max3A_21 : vector<128x1xf32>
    %mul3A = vector.broadcast %rsqrt3A : vector<128x1xf32> to vector<128x128xf32>
    %mul3A_22 = arith.mulf %add3A, %mul3A : vector<128x128xf32>
    %get3A_23 = arith.constant 0 : index
    %get3A_24 = arith.constant 0 : index
    %get3A_25 = vector.load %arg3[%get3A_23, %get3A_24] : memref<128x64xf32, #tpu.memory_space<vmem>>, vector<128x64xf32>
    %dot_general3A = arith.constant dense<0.000000e+00> : vector<128x64xf32>
    %dot_general3A_26 = tpu.matmul %mul3A_22, %get3A_25, %dot_general3A {dimension_numbers = #tpu.dot_dimension_numbers<[1], [0], [0], [1], [0, 0, 1, 1], [], []>, transpose_lhs_hint = false} : vector<128x128xf32>, vector<128x64xf32>, vector<128x64xf32> -> vector<128x64xf32>
    %get3A_27 = arith.constant 0 : index
    %get3A_28 = arith.constant 0 : index
    %get3A_29 = vector.load %arg4[%get3A_27, %get3A_28] : memref<8x64xf32, #tpu.memory_space<vmem>>, vector<1x64xf32>
    %add3A_30 = vector.broadcast %get3A_29 : vector<1x64xf32> to vector<128x64xf32>
    %add3A_31 = arith.addf %dot_general3A_26, %add3A_30 : vector<128x64xf32>
    %max3A_32 = arith.constant 0.000000e+00 : f32
    %max3A_33 = vector.broadcast %max3A_32 : f32 to vector<128x64xf32>
    %max3A_34 = arith.maximumf %add3A_31, %max3A_33 : vector<128x64xf32>
    %reduce_max3A = arith.constant dense<0xFF800000> : vector<128xf32>
    %reduce_max3A_35 = vector.multi_reduction <maximumf>, %max3A_34, %reduce_max3A [1] : vector<128x64xf32> to vector<128xf32>
    %broadcast_in_dim3A = vector.shape_cast %reduce_max3A_35 : vector<128xf32> to vector<128x1xf32>
    %sub3A = vector.broadcast %broadcast_in_dim3A : vector<128x1xf32> to vector<128x64xf32>
    %sub3A_36 = arith.subf %max3A_34, %sub3A : vector<128x64xf32>
    %exp3A = math.exp %sub3A_36 : vector<128x64xf32>
    %reduce_sum3A = arith.constant dense<0.000000e+00> : vector<128xf32>
    %reduce_sum3A_37 = vector.multi_reduction <add>, %exp3A, %reduce_sum3A [1] : vector<128x64xf32> to vector<128xf32>
    %broadcast_in_dim3A_38 = vector.shape_cast %reduce_sum3A_37 : vector<128xf32> to vector<128x1xf32>
    %sub3A_39 = vector.broadcast %broadcast_in_dim3A : vector<128x1xf32> to vector<128x64xf32>
    %sub3A_40 = arith.subf %max3A_34, %sub3A_39 : vector<128x64xf32>
    %log3A = math.log %broadcast_in_dim3A_38 : vector<128x1xf32>
    %sub3A_41 = vector.broadcast %log3A : vector<128x1xf32> to vector<128x64xf32>
    %sub3A_42 = arith.subf %sub3A_40, %sub3A_41 : vector<128x64xf32>
    %swap3A = arith.constant 0 : index
    %swap3A_43 = arith.constant 0 : index
    %swap3A_44 = vector.load %arg5[%swap3A, %swap3A_43] : memref<128x64xf32, #tpu.memory_space<vmem>>, vector<128x64xf32>
    tpu.vector_store %arg5[%swap3A, %swap3A_43], %sub3A_42 {strides = array<i32>} : memref<128x64xf32, #tpu.memory_space<vmem>>, vector<128x64xf32>,
    return
  }
  func.func @transform_0(%arg0: i32) -> (i32, i32, i32) {
    %c0_i32 = arith.constant 0 : i32
    %c0_i32_0 = arith.constant 0 : i32
    %c0_i32_1 = arith.constant 0 : i32
    return %c0_i32, %arg0, %c0_i32_0 : i32, i32, i32
  }
  func.func @transform_1(%arg0: i32) -> (i32, i32, i32) {
    %add3A = arith.constant 79 : i32
    %add3A_0 = arith.addi %add3A, %arg0 : i32
    %c0_i32 = arith.constant 0 : i32
    %c0_i32_1 = arith.constant 0 : i32
    %c0_i32_2 = arith.constant 0 : i32
    return %c0_i32, %add3A_0, %c0_i32_1 : i32, i32, i32
  }
  func.func @transform_2(%arg0: i32) -> (i32, i32) {
    %c0_i32 = arith.constant 0 : i32
    %c0_i32_0 = arith.constant 0 : i32
    %c0_i32_1 = arith.constant 0 : i32
    return %c0_i32, %c0_i32_0 : i32, i32
  }
  func.func @transform_3(%arg0: i32) -> (i32, i32) {
    %c0_i32 = arith.constant 0 : i32
    %c0_i32_0 = arith.constant 0 : i32
    %c0_i32_1 = arith.constant 0 : i32
    return %c0_i32, %c0_i32_0 : i32, i32
  }
  func.func @transform_4(%arg0: i32) -> (i32, i32) {
    %c0_i32 = arith.constant 0 : i32
    %c0_i32_0 = arith.constant 0 : i32
    return %arg0, %c0_i32 : i32, i32
  }
}

module attributes {stable_mosaic.version = 14 : i64} {
  func.func @body(%arg0: i32, %arg1: memref<2x128x128xf32, #tpu.memory_space<vmem>>, %arg2: memref<2x128x128xf32, #tpu.memory_space<vmem>>, %arg3: memref<2x128x128xf32, #tpu.memory_space<vmem>>, %arg4: memref<128x128xf32, #tpu.memory_space<vmem>>, %arg5: memref<8x128xf32, #tpu.memory_space<vmem>>, %arg6: memref<128x128xf32, #tpu.memory_space<vmem>>) attributes {dimension_semantics = [#tpu.dimension_semantics<arbitrary>], iteration_bounds = array<i64: 79>, scalar_prefetch = 0 : i64, scratch_operands = 0 : i64, tpu.core_type = #tpu.core_type<tc>, window_params = [{transform_indices = @transform_0, window_bounds = array<i64: 2, 128, 128>}, {transform_indices = @transform_1, window_bounds = array<i64: 2, 128, 128>}, {transform_indices = @transform_2, window_bounds = array<i64: 2, 128, 128>}, {pipeline_mode = #tpu.pipeline_mode<synchronous>, transform_indices = @transform_3, window_bounds = array<i64: 128, 128>}, {pipeline_mode = #tpu.pipeline_mode<synchronous>, transform_indices = @transform_4, window_bounds = array<i64: 8, 128>}, {transform_indices = @transform_5, window_bounds = array<i64: 128, 128>}]} {
    %get3A = arith.constant 0 : index
    %get3A_0 = arith.constant 0 : index
    %get3A_1 = arith.constant 0 : index
    %get3A_2 = vector.load %arg1[%get3A, %get3A_0, %get3A_1] : memref<2x128x128xf32, #tpu.memory_space<vmem>>, vector<1x128x128xf32>
    %get3A_3 = vector.shape_cast %get3A_2 : vector<1x128x128xf32> to vector<128x128xf32>
    %get3A_4 = arith.constant 1 : index
    %get3A_5 = arith.constant 0 : index
    %get3A_6 = arith.constant 0 : index
    %get3A_7 = vector.load %arg1[%get3A_4, %get3A_5, %get3A_6] : memref<2x128x128xf32, #tpu.memory_space<vmem>>, vector<1x128x128xf32>
    %get3A_8 = vector.shape_cast %get3A_7 : vector<1x128x128xf32> to vector<128x128xf32>
    %add3A = arith.addf %get3A_3, %get3A_8 : vector<128x128xf32>
    %get3A_9 = arith.constant 0 : index
    %get3A_10 = arith.constant 0 : index
    %get3A_11 = arith.constant 0 : index
    %get3A_12 = vector.load %arg2[%get3A_9, %get3A_10, %get3A_11] : memref<2x128x128xf32, #tpu.memory_space<vmem>>, vector<1x128x128xf32>
    %get3A_13 = vector.shape_cast %get3A_12 : vector<1x128x128xf32> to vector<128x128xf32>
    %get3A_14 = arith.constant 1 : index
    %get3A_15 = arith.constant 0 : index
    %get3A_16 = arith.constant 0 : index
    %get3A_17 = vector.load %arg2[%get3A_14, %get3A_15, %get3A_16] : memref<2x128x128xf32, #tpu.memory_space<vmem>>, vector<1x128x128xf32>
    %get3A_18 = vector.shape_cast %get3A_17 : vector<1x128x128xf32> to vector<128x128xf32>
    %add3A_19 = arith.addf %get3A_13, %get3A_18 : vector<128x128xf32>
    %slice3A = vector.extract_strided_slice %add3A_19 {offsets = [0, 0], sizes = [128, 1], strides = [1, 1]} : vector<128x128xf32> to vector<128x1xf32>
    %max3A = arith.constant 1.000000e+00 : f32
    %max3A_20 = vector.broadcast %max3A : f32 to vector<128x1xf32>
    %max3A_21 = arith.maximumf %slice3A, %max3A_20 : vector<128x1xf32>
    %rsqrt3A = math.rsqrt %max3A_21 : vector<128x1xf32>
    %mul3A = vector.broadcast %rsqrt3A : vector<128x1xf32> to vector<128x128xf32>
    %mul3A_22 = arith.mulf %add3A, %mul3A : vector<128x128xf32>
    %get3A_23 = arith.constant 0 : index
    %get3A_24 = arith.constant 0 : index
    %get3A_25 = vector.load %arg4[%get3A_23, %get3A_24] : memref<128x128xf32, #tpu.memory_space<vmem>>, vector<128x128xf32>
    %dot_general3A = arith.constant dense<0.000000e+00> : vector<128x128xf32>
    %dot_general3A_26 = tpu.matmul %mul3A_22, %get3A_25, %dot_general3A {dimension_numbers = #tpu.dot_dimension_numbers<[1], [0], [0], [1], [0, 0, 1, 1], [], []>, transpose_lhs_hint = false} : vector<128x128xf32>, vector<128x128xf32>, vector<128x128xf32> -> vector<128x128xf32>
    %get3A_27 = arith.constant 0 : index
    %get3A_28 = arith.constant 0 : index
    %get3A_29 = vector.load %arg5[%get3A_27, %get3A_28] : memref<8x128xf32, #tpu.memory_space<vmem>>, vector<1x128xf32>
    %add3A_30 = vector.broadcast %get3A_29 : vector<1x128xf32> to vector<128x128xf32>
    %add3A_31 = arith.addf %dot_general3A_26, %add3A_30 : vector<128x128xf32>
    %max3A_32 = arith.constant 0.000000e+00 : f32
    %max3A_33 = vector.broadcast %max3A_32 : f32 to vector<128x128xf32>
    %max3A_34 = arith.maximumf %add3A_31, %max3A_33 : vector<128x128xf32>
    %get3A_35 = arith.constant 0 : index
    %get3A_36 = arith.constant 0 : index
    %get3A_37 = arith.constant 0 : index
    %get3A_38 = vector.load %arg3[%get3A_35, %get3A_36, %get3A_37] : memref<2x128x128xf32, #tpu.memory_space<vmem>>, vector<1x128x128xf32>
    %get3A_39 = vector.shape_cast %get3A_38 : vector<1x128x128xf32> to vector<128x128xf32>
    %get3A_40 = arith.constant 1 : index
    %get3A_41 = arith.constant 0 : index
    %get3A_42 = arith.constant 0 : index
    %get3A_43 = vector.load %arg3[%get3A_40, %get3A_41, %get3A_42] : memref<2x128x128xf32, #tpu.memory_space<vmem>>, vector<1x128x128xf32>
    %get3A_44 = vector.shape_cast %get3A_43 : vector<1x128x128xf32> to vector<128x128xf32>
    %add3A_45 = arith.addf %get3A_39, %get3A_44 : vector<128x128xf32>
    %slice3A_46 = vector.extract_strided_slice %add3A_45 {offsets = [0, 0], sizes = [128, 1], strides = [1, 1]} : vector<128x128xf32> to vector<128x1xf32>
    %max3A_47 = arith.constant 1.000000e+00 : f32
    %max3A_48 = vector.broadcast %max3A_47 : f32 to vector<128x1xf32>
    %max3A_49 = arith.maximumf %slice3A_46, %max3A_48 : vector<128x1xf32>
    %rsqrt3A_50 = math.rsqrt %max3A_49 : vector<128x1xf32>
    %mul3A_51 = vector.broadcast %rsqrt3A_50 : vector<128x1xf32> to vector<128x128xf32>
    %mul3A_52 = arith.mulf %max3A_34, %mul3A_51 : vector<128x128xf32>
    %swap3A = arith.constant 0 : index
    %swap3A_53 = arith.constant 0 : index
    %swap3A_54 = vector.load %arg6[%swap3A, %swap3A_53] : memref<128x128xf32, #tpu.memory_space<vmem>>, vector<128x128xf32>
    tpu.vector_store %arg6[%swap3A, %swap3A_53], %mul3A_52 {strides = array<i32>} : memref<128x128xf32, #tpu.memory_space<vmem>>, vector<128x128xf32>,
    return
  }
  func.func @transform_0(%arg0: i32) -> (i32, i32, i32) {
    %c0_i32 = arith.constant 0 : i32
    %c0_i32_0 = arith.constant 0 : i32
    %c0_i32_1 = arith.constant 0 : i32
    return %c0_i32, %arg0, %c0_i32_0 : i32, i32, i32
  }
  func.func @transform_1(%arg0: i32) -> (i32, i32, i32) {
    %add3A = arith.constant 79 : i32
    %add3A_0 = arith.addi %add3A, %arg0 : i32
    %c0_i32 = arith.constant 0 : i32
    %c0_i32_1 = arith.constant 0 : i32
    %c0_i32_2 = arith.constant 0 : i32
    return %c0_i32, %add3A_0, %c0_i32_1 : i32, i32, i32
  }
  func.func @transform_2(%arg0: i32) -> (i32, i32, i32) {
    %c0_i32 = arith.constant 0 : i32
    %c0_i32_0 = arith.constant 0 : i32
    %c0_i32_1 = arith.constant 0 : i32
    return %c0_i32, %arg0, %c0_i32_0 : i32, i32, i32
  }
  func.func @transform_3(%arg0: i32) -> (i32, i32) {
    %c0_i32 = arith.constant 0 : i32
    %c0_i32_0 = arith.constant 0 : i32
    %c0_i32_1 = arith.constant 0 : i32
    return %c0_i32, %c0_i32_0 : i32, i32
  }
  func.func @transform_4(%arg0: i32) -> (i32, i32) {
    %c0_i32 = arith.constant 0 : i32
    %c0_i32_0 = arith.constant 0 : i32
    %c0_i32_1 = arith.constant 0 : i32
    return %c0_i32, %c0_i32_0 : i32, i32
  }
  func.func @transform_5(%arg0: i32) -> (i32, i32) {
    %c0_i32 = arith.constant 0 : i32
    %c0_i32_0 = arith.constant 0 : i32
    return %arg0, %c0_i32 : i32, i32
  }
}

</mosaic_0001>

<sc_bundles>
// kernel: kernel.12.cloned.1.call-start
scs
__scs_entry_jumppad:
0x0: {  	(pc) =	sbr.rel $0x88, $3  }
0x1: {  	(tag) =	ssettag $0x0;
	lr =	simm.s32 $0x1  }
0x2: {  	[smem:$0x3F9A] =	sst lr;
	_ =	strace $0xD0000000  }
0x3: {  	_ = 	snop  }
0x4: {  	_ = 	snop  }
0x5: {  	_ = 	snop  }
0x6: {  	_ = 	snop  }
0x7: {  	_ = 	snop  }
__scs_overlays_trampoline_lowered:
0x8: {  	[smem:$0x3FA9] =	sst s0  }
0x9: {  	[smem:$0x3FAA] =	sst s1  }
0xa: {  	[smem:$0x3FAB] =	sst s2  }
0xb: {  	[smem:$0x3FAC] =	sst s3  }
0xc: {  	[smem:$0x3FAD] =	sst s4  }
0xd: {  	[smem:$0x3FAE] =	sst s5  }
0xe: {  	[smem:$0x3FAF] =	sst s6  }
0xf: {  	[smem:$0x3FB0] =	sst s7  }
0x10: {  	[smem:$0x3FB1] =	sst s8  }
0x11: {  	[smem:$0x3FB2] =	sst s9;
	s0 =	simm.s32 @!p0 $0x0  }
0x12: {  	s1 =	sld [smem:$0x3F98];
	s0 =	simm.s32 @p0 $0x1  }
0x13: {  	[smem:$0x3FB3] =	sst s0;
	s0 =	simm.s32 @!p1 $0x0  }
0x14: {  	s2 =	sld [smem:$0x3F97];
	s0 =	simm.s32 @p1 $0x1  }
0x15: {  	[smem:$0x3FB4] =	sst s0;
	s0 =	simm.s32 @!p2 $0x0  }
0x16: {  	s3 =	sld [smem:$0x3FDB];
	s0 =	simm.s32 @p2 $0x1  }
0x17: {  	s4 =	simm.s32 $0x1BF5;
	[smem:$0x3FB6] =	sst s0  }
0x18: {  	s0 =	sld [smem:$0x3F99];
	_ =	swait.ge [sflag:s4], $0x0  }
0x19: {  	s7 =	sld [smem:$0x3F9A]  }
0x1a: {  	s8 =	sadd.s32 $0xFFFFE003, lr  }
0x1b: {  	s9 =	sadd.s32 $0xFFFFFEF7, lr;
	s5 =	simm.s32 $0xFFFFFFFF;
	p2 =	slt.u32 s8, $0xFFFFF086  }
0x1c: {  	p1 =	slt.u32 s9, $0xF7A;
	s5 =	simm.s32 @!p2 $0x0  }
0x1d: {  	s5 =	simm.s32 @p1 $0x1;
	p0 =	seq.s32 s7, s2  }
0x1e: {  	s7 =	smul.u32 @!p0 $0xF7A, s2;
	p2 =	seq.s32 @!p0 s5, $0x0  }
0x1f: {  	s9 =	smul.u32 $0xF7A, s1;
	s8 =	simm.s32 @!p0 $0x1BF5;
	p2 =	por !p2, p0  }
0x20: {  	[sflag:s8] =	ssyncset.s32 @!p0 $0xFFFFF086;
	s6 =	sadd.s32 @!p0 s3, s7;
	s7 =	simm.s32 @!p0 $0x108  }
0x21: {  	s3 =	sadd.s32 s3, s9;
	s6 =	sadd.s32 @!p0 $0x88, s6;
	s7 =	simm.s32 @p2 $0x1082  }
0x22: {  	[simem:s7], [sflag:s8] =	dma.local @!p0 [hbm:s6], $0xF7A  }
0x23: {  	s9 =	sor.u32 $0xD0000000, s2;
	s6 =	simm.s32 $0x108;
	_ =	swait.ge @!p0 [sflag:s8], $0x0  }
0x24: {  	s3 =	sadd.s32 $0x88, s3;
	s6 =	simm.s32 @!p1 $0x1082;
	[sflag:s4] =	ssyncset.s32 $0xFFFFF086  }
0x25: {  	[simem:s6], [sflag:s4] =	dma.local [hbm:s3], $0xF7A  }
0x26: {  	[smem:$0x3F9A] =	sst s1;
	(tag) =	ssettag s2;
	_ =	strace s9  }
0x27: {  	s1 =	sld [smem:$0x3FAA]  }
0x28: {  	s2 =	sld [smem:$0x3FAB]  }
0x29: {  	s4 =	sld [smem:$0x3FAD]  }
0x2a: {  	p0 =	seq.s32 s5, $0x0;
	s5 =	sld [smem:$0x3FAE]  }
0x2b: {  	s6 =	sld [smem:$0x3FAF]  }
0x2c: {  	s7 =	sld [smem:$0x3FB0]  }
0x2d: {  	s3 =	simm.s32 $0x108;
	s8 =	sld [smem:$0x3FB1]  }
0x2e: {  	s3 =	simm.s32 @!p0 $0x1082;
	s9 =	sld [smem:$0x3FB2]  }
0x2f: {  	lr =	sadd.s32 s0, s3;
	s0 =	sld [smem:$0x3FA9]  }
0x30: {  	s3 =	sld [smem:$0x3FAC]  }
0x31: {  	[smem:$0x3FB5] =	sst s10  }
0x32: {  	s10 =	sld [smem:$0x3FB3];
	_ =	sdelay $0x3  }
0x33: {  	p0 =	seq.s32 s10, $0x1;
	s10 =	sld [smem:$0x3FB5];
	_ =	sdelay $0x3  }
0x34: {  	[smem:$0x3FB5] =	sst s10  }
0x35: {  	s10 =	sld [smem:$0x3FB4];
	_ =	sdelay $0x3  }
0x36: {  	p1 =	seq.s32 s10, $0x1;
	s10 =	sld [smem:$0x3FB5];
	_ =	sdelay $0x3  }
0x37: {  	[smem:$0x3FB5] =	sst s10  }
0x38: {  	s10 =	sld [smem:$0x3FB6]  }
0x39: {  	_ = 	snop;
	(pc) =	sbr.ind lr, $3  }
0x3a: {  	_ = 	snop  }
0x3b: {  	_ = 	snop  }
0x3c: {  	p2 =	seq.s32 s10, $0x1;
	s10 =	sld [smem:$0x3FB5]  }
0x3d: {  	_ =	shalt  }
0x3e: {  	_ =	shalt  }
0x3f: {  	_ =	shalt  }
0x40: {  	_ =	shalt  }
0x41: {  	_ =	shalt  }
0x42: {  	_ =	shalt  }
0x43: {  	_ =	shalt  }
0x44: {  	_ =	shalt  }
0x45: {  	_ =	shalt  }
0x46: {  	_ =	shalt  }
0x47: {  	_ =	shalt  }
0x48: {  	_ =	shalt  }
0x49: {  	_ =	shalt  }
0x4a: {  	_ =	shalt  }
0x4b: {  	_ =	shalt  }
0x4c: {  	_ =	shalt  }
0x4d: {  	_ =	shalt  }
0x4e: {  	_ =	shalt  }
0x4f: {  	_ =	shalt  }
0x50: {  	_ =	shalt  }
0x51: {  	_ =	shalt  }
0x52: {  	_ =	shalt  }
0x53: {  	_ =	shalt  }
0x54: {  	_ =	shalt  }
0x55: {  	_ =	shalt  }
0x56: {  	_ =	shalt  }
0x57: {  	_ =	shalt  }
0x58: {  	_ =	shalt  }
0x59: {  	_ =	shalt  }
0x5a: {  	_ =	shalt  }
0x5b: {  	_ =	shalt  }
0x5c: {  	_ =	shalt  }
0x5d: {  	_ =	shalt  }
0x5e: {  	_ =	shalt  }
0x5f: {  	_ =	shalt  }
0x60: {  	_ =	shalt  }
0x61: {  	_ =	shalt  }
0x62: {  	_ =	shalt  }
0x63: {  	_ =	shalt  }
0x64: {  	_ =	shalt  }
0x65: {  	_ =	shalt  }
0x66: {  	_ =	shalt  }
0x67: {  	_ =	shalt  }
0x68: {  	_ =	shalt  }
0x69: {  	_ =	shalt  }
0x6a: {  	_ =	shalt  }
0x6b: {  	_ =	shalt  }
0x6c: {  	_ =	shalt  }
0x6d: {  	_ =	shalt  }
0x6e: {  	_ =	shalt  }
0x6f: {  	_ =	shalt  }
0x70: {  	_ =	shalt  }
0x71: {  	_ =	shalt  }
0x72: {  	_ =	shalt  }
0x73: {  	_ =	shalt  }
0x74: {  	_ =	shalt  }
0x75: {  	_ =	shalt  }
0x76: {  	_ =	shalt  }
0x77: {  	_ =	shalt  }
0x78: {  	_ =	shalt  }
0x79: {  	_ =	shalt  }
0x7a: {  	_ =	shalt  }
0x7b: {  	_ =	shalt  }
0x7c: {  	_ =	shalt  }
0x7d: {  	_ =	shalt  }
0x7e: {  	_ =	shalt  }
0x7f: {  	_ =	shalt  }
0x80: {  	_ =	shalt  }
0x81: {  	_ =	shalt  }
0x82: {  	_ =	shalt  }
0x83: {  	_ =	shalt  }
0x84: {  	_ =	shalt  }
0x85: {  	_ =	shalt  }
0x86: {  	_ =	shalt  }
0x87: {  	_ =	shalt  }
.Lfunc_end0:
.L_simem_size_0:
called_computation.1_lowered:
.L_overlay_start_0:
0x88: {  	s2 =	sld [smem:$0x3FD9]  }
0x89: {  	s3 =	sld [smem:$0x3FFE];
	_ =	sdelay $0x1  }
0x8a: {  	s1 =	srdreg.scid  }
0x8b: {  	s0 =	sand.u32 $0x1, s1  }
0x8c: {  	s17 =	sshll.u32 s0, $0xA;
	s2 =	sadd.s32 s3, s2  }
0x8d: {  	s2 =	sadd.s32 s2, s17  }
0x8e: {  	[smem:$0x3FC1] =	sst s2  }
0x8f: {  	_ = 	snop  }
0x90: {  	(tm) =	ssettm $0x1  }
0x91: {  	s18 =	sld [smem:$0x3FFB];
	_ =	sdelay $0x3  }
0x92: {  	_ =	strace s18  }
0x93: {  	s2 =	sld [smem:$0x3FFC];
	_ =	sdelay $0x3  }
0x94: {  	_ =	strace s2  }
0x95: {  	s2 =	sld [smem:$0x3FFD];
	_ =	sdelay $0x3  }
0x96: {  	_ =	strace s2  }
0x97: {  	_ =	strace $0x8FFFFFFF  }
0x98: {  	s19 =	sld [smem:$0x3FDB];
	_ =	sdelay $0x1  }
0x99: {  	s20 =	simm.s32 $_scs_section_size  }
0x9a: {  	s4 =	simm.s32 $_size__tile_overlayer_lowered;
	s5 =	simm.s32 $_tile_overlayer_lowered  }
0x9b: {  	s6 =	simm.s32 $0x1BFF;
	s21 =	sshll.u32 s5, $0x1;
	s3 =	sadd.s32 s20, s19  }
0x9c: {  	s22 =	simm.s32 $0x0;
	s4 =	sshll.u32 s4, $0x1;
	s5 =	sadd.s32 s21, s3  }
0x9d: {  	[timem:s22], [sflag:s6] =	dma.local [hbm:s5], s4  }
0x9e: {  	_ =	swait.ge [sflag:s6], s4  }
0x9f: {  	s4 =	ssub.s32 $0x0, s4;
	[sflag:s6] =	ssyncset.done $0x0  }
0xa0: {  	[sflag:s6] =	ssyncadd.s32 s4;
	_ =	sdelay $0x1  }
0xa1: {  	s23 =	simm.s32 $0x1B8B  }
0xa2: {  	_ =	swait.ge [sflag:s23], $0x1  }
0xa3: {  	[sflag:s23] =	ssyncset.done $0x0  }
0xa4: {  	[sflag:s23] =	ssyncadd.s32 $0xFFFFFFFF  }
0xa5: {  	s4 =	sld [smem:$0x0]  }
0xa6: {  	s5 =	sand.u32 $0xFFFFFFFE, s1  }
0xa7: {  	p0 =	sne.s32 s1, s5  }
0xa8: {  	s5 =	sshll.u32 @p0 s5, $0xE  }
0xa9: {  	s5 =	sadd.s32 @p0 $0x11B8D, s5;
	s6 =	sshll.u32 @p0 s4, $0x11  }
0xaa: {  	s5 =	sor.u32 @p0 s6, s5  }
0xab: {  	[sflag:s5] =	ssyncadd.remote.s32 @p0 $0x1;
	_ =	sdelay $0x1  }
0xac: {  	s5 =	simm.s32 @p0 $0x1B8D  }
0xad: {  	_ =	swait.eq @p0 [sflag:s5], $0x1  }
0xae: {  	[sflag:s5] =	ssyncadd.s32 @p0 $0xFFFFFFFF  }
0xaf: {  	s6 =	sshll.u32 @!p0 s1, $0xE  }
0xb0: {  	s6 =	sor.u32 @!p0 $0x4000, s6;
	s5 =	simm.s32 @!p0 $0x1B8D  }
0xb1: {  	s4 =	sshll.u32 @!p0 s4, $0x11;
	s6 =	sadd.s32 @!p0 $0x11B8D, s6;
	_ =	swait.eq @!p0 [sflag:s5], $0x1  }
0xb2: {  	s4 =	sor.u32 @!p0 s4, s6;
	[sflag:s5] =	ssyncadd.s32 @!p0 $0xFFFFFFFF  }
0xb3: {  	s25 =	simm.s32 $0x1B8E;
	s24 =	sld [smem:$0x3FFE];
	[sflag:s4] =	ssyncadd.remote.s32 @!p0 $0x1  }
0xb4: {  	s26 =	simm.s32 $execute0_lowered;
	[smem:$0x3FD2] =	sst s25  }
0xb5: {  	s5 =	sshll.u32 s26, $0x1;
	_ =	strace $0x80000049;
	[dreg:$0x1] =	wrdreg $0xFFFFFFFF  }
0xb6: {  	s28 =	simm.s32 $_size_execute0_lowered;
	s3 =	sadd.s32 s3, s5;
	[dreg:$0x0] =	wrdreg $0x0  }
0xb7: {  	s5 =	sshll.u32 s28, $0x1;
	[dreg:$0x2] =	wrdreg s3  }
0xb8: {  	[dreg:$0x3] =	wrdreg s5  }
0xb9: {  	[dreg:$0x4] =	wrdreg $0xC0  }
0xba: {  	_ =	task [dreg:s22], $0x5FFFF  }
0xbb: {  	[dreg:$0x1] =	wrdreg $0xFFFFFFFF  }
0xbc: {  	[dreg:$0x0] =	wrdreg $0x60  }
0xbd: {  	[dreg:$0x2] =	wrdreg s24  }
0xbe: {  	[dreg:$0x3] =	wrdreg $0x6C000  }
0xbf: {  	[dreg:$0x4] =	wrdreg $0x9  }
0xc0: {  	_ =	task.clear_ibuf [dreg:s22], $0x5FFFF;
	_ =	strace $0x90000049  }
0xc1: {  	s29 =	simm.s32 $0x9;
	_ =	strace $0x8000004B  }
0xc2: {  	_ =	swait.ge [sflag:s29], $0x1  }
0xc3: {  	[sflag:s29] =	ssyncadd.s32 $0xFFFFFFFF  }
0xc4: {  	_ =	strace $0x9000004B  }
0xc5: {  	_ =	sfence  }
0xc6: {  	s30 =	sld [smem:$0x0];
	_ =	sdelay $0x2  }
0xc7: {  	s31 =	sshll.u32 s1, $0xD;
	s1 =	sshrl.u32 s1, $0x2  }
0xc8: {  	s4 =	sand.u32 $0x4000, s31;
	s1 =	sadd.s32 s1, s30  }
0xc9: {  	s0 =	sor.u32 s4, s0;
	s1 =	sshll.u32 s1, $0x11  }
0xca: {  	s0 =	sor.u32 s1, s0  }
0xcb: {  	s0 =	sadd.s32 $0x8F2B, s0  }
0xcc: {  	[sflag:s0] =	ssyncadd.remote.s32 $0x1  }
0xcd: {  	_ =	sfence.sel $0xFFFF  }
0xce: {  	[dreg:$0x0] =	wrdreg $0xFFFFFFFF;
	(pc) =	sbr.abs _section_cstart, $3  }
0xcf: {  	[dreg:$0x1] =	wrdreg $0xFFFFFFFF  }
0xd0: {  	_ =	task.clear_ibuf [dreg:s22], $0x2FFFF;
	_ =	strace $0x9FFFFFFF  }
0xd1: {  	(tm) =	ssettm $0x7FFFFFFF  }
tec
execute0_lowered:
.L_overlay_start_1:
0x0: {  	(tag) =	ssettag $0x1  }
0x1: {  	s4 =	rddreg [dreg:$0x0]  }
0x2: {  	s0 =	srdreg.scid;
	s2 =	rddreg [dreg:$0x1]  }
0x3: {  	s1 =	rddreg [dreg:$0x2];
	s5 =	sand.u32 $0x1, s0  }
0x4: {  	s0 =	stileid.u32;
	s6 =	smul.u32 $0x28000, s5  }
0x5: {  	s3 =	simm.s32 $0x0;
	s12 =	simm.s32 $0x80;
	s7 =	smul.u32 $0x2800, s0  }
0x6: {  	s13 =	simm.s32 $0x2800;
	[smem:$0x7FF] =	sst s3;
	s8 =	smul.u32 $0x278000, s5  }
0x7: {  	s26 =	smul.u32 $0x13C00, s0;
	_ =	strace $0x8000004A;
	s5 =	ssub.s32 $0x2, s5  }
0x8: {  	s9 =	smul.u32 $0x4F000, s0;
	s14 =	sshll.u32 s0, $0x6;
	s29 =	sshrl.u32 s5, $0x1  }
0x9: {  	s14 =	sor.u32 $0x1C01, s14;
	s6 =	sadd.s32 s7, s6;
	s28 =	sadd.s32 s26, s8  }
0xa: {  	s30 =	sshrl.u32 s9, $0x2;
	s11 =	ssub.s32 s5, s29;
	s6 =	sshrl.u32 s6, $0x3  }
0xb: {  	s9 =	smax.u32 s11, $0x1;
	s10 =	sadd.s32 s6, s4;
	s6 =	sshrl.u32 s28, $0x3  }
0xc: {  	s11 =	simm.s32 $0x1;
	s31 =	sadd.s32 s6, s4;
	s4 =	sadd.s32 s30, s2  }
0xd: {  	s5 =	sadd.s32 $0xB3800, s10;
	s7 =	sadd.s32 $0xBD800, s10;
	s10 =	simm.s32 $0x6800  }
0xe: {  	v0 =	vimm.f32 $1.000000000e+00;
	v1 =	vimm.f32 $0.0e+00;
	s6 =	sadd.s32 $0xC7800, s31;
	s8 =	sadd.s32 $0xEF000, s31;
	s15 =	sshrl.u32 s4, $0x3  }
.LBB2_1:
0xf: {  	s16 =	simm.s32 $0x0;
	s17 =	simm.s32 $0x200  }
.LBB2_2:
0x10: {  	p0 =	sne.s32 s17, $0xFE00;
	[tilespmem:s16+$0x2870] =	vst v0  }
0x11: {  	[tilespmem:s16+$0x2800] =	vst v0  }
0x12: {  	[tilespmem:s16+$0x2810] =	vst v0  }
.Ltmp0:
0x13: {  	[tilespmem:s16+$0x2820] =	vst v0;
	(pc) =	sbr.rel @p0 .LBB2_2-.Ltmp0, $4  }
0x14: {  	[tilespmem:s16+$0x2830] =	vst v0  }
0x15: {  	[tilespmem:s16+$0x2840] =	vst v0  }
0x16: {  	[tilespmem:s16+$0x2850] =	vst v0  }
0x17: {  	[tilespmem:s16+$0x2860] =	vst v0;
	s16 =	sshra.s32 s17, $0x2;
	s17 =	sadd.s32 $0x200, s17  }
0x18: {  	[tilespmem:s16+$0x2870] =	vst v0  }
0x19: {  	[tilespmem:s16+$0x2800] =	vst v0  }
0x1a: {  	[tilespmem:s16+$0x2810] =	vst v0  }
0x1b: {  	[tilespmem:s16+$0x2820] =	vst v0  }
0x1c: {  	[tilespmem:s16+$0x2830] =	vst v0  }
0x1d: {  	[tilespmem:s16+$0x2840] =	vst v0  }
0x1e: {  	[tilespmem:s16+$0x2850] =	vst v0  }
0x1f: {  	[tilespmem:s16+$0x2860] =	vst v0  }
0x20: {  	[tilespmem:$0x6800] =	vst v1  }
0x21: {  	[tilespmem:$0x6810] =	vst v1  }
0x22: {  	[tilespmem:$0x6820] =	vst v1  }
0x23: {  	[tilespmem:$0x6830] =	vst v1  }
0x24: {  	[tilespmem:$0x6840] =	vst v1  }
0x25: {  	[tilespmem:$0x6850] =	vst v1  }
0x26: {  	[tilespmem:$0x6860] =	vst v1  }
0x27: {  	[tilespmem:$0x6870] =	vst v1  }
0x28: {  	[tilespmem:$0x6880] =	vst v1  }
0x29: {  	[tilespmem:$0x6890] =	vst v1  }
0x2a: {  	[tilespmem:$0x68A0] =	vst v1  }
0x2b: {  	[tilespmem:$0x68B0] =	vst v1  }
0x2c: {  	[tilespmem:$0x68C0] =	vst v1  }
0x2d: {  	[tilespmem:$0x68D0] =	vst v1  }
0x2e: {  	[tilespmem:$0x68E0] =	vst v1  }
0x2f: {  	[tilespmem:$0x68F0] =	vst v1  }
0x30: {  	[tilespmem:$0x6900] =	vst v1  }
0x31: {  	[tilespmem:$0x6910] =	vst v1  }
0x32: {  	[tilespmem:$0x6920] =	vst v1  }
0x33: {  	[tilespmem:$0x6930] =	vst v1  }
0x34: {  	[tilespmem:$0x6940] =	vst v1  }
0x35: {  	[tilespmem:$0x6950] =	vst v1  }
0x36: {  	[tilespmem:$0x6960] =	vst v1  }
0x37: {  	[tilespmem:$0x6970] =	vst v1  }
0x38: {  	[tilespmem:$0x6980] =	vst v1  }
0x39: {  	[tilespmem:$0x6990] =	vst v1  }
0x3a: {  	[tilespmem:$0x69A0] =	vst v1  }
0x3b: {  	[tilespmem:$0x69B0] =	vst v1  }
0x3c: {  	[tilespmem:$0x69C0] =	vst v1  }
0x3d: {  	[tilespmem:$0x69D0] =	vst v1  }
0x3e: {  	[tilespmem:$0x69E0] =	vst v1  }
0x3f: {  	[tilespmem:$0x69F0] =	vst v1  }
0x40: {  	[tilespmem:$0x6A00] =	vst v1  }
0x41: {  	[tilespmem:$0x6A10] =	vst v1  }
0x42: {  	[tilespmem:$0x6A20] =	vst v1  }
0x43: {  	[tilespmem:$0x6A30] =	vst v1  }
0x44: {  	[tilespmem:$0x6A40] =	vst v1  }
0x45: {  	[tilespmem:$0x6A50] =	vst v1  }
0x46: {  	[tilespmem:$0x6A60] =	vst v1  }
0x47: {  	[tilespmem:$0x6A70] =	vst v1  }
0x48: {  	[tilespmem:$0x6A80] =	vst v1  }
0x49: {  	[tilespmem:$0x6A90] =	vst v1  }
0x4a: {  	[tilespmem:$0x6AA0] =	vst v1  }
0x4b: {  	[tilespmem:$0x6AB0] =	vst v1  }
0x4c: {  	[tilespmem:$0x6AC0] =	vst v1  }
0x4d: {  	[tilespmem:$0x6AD0] =	vst v1  }
0x4e: {  	[tilespmem:$0x6AE0] =	vst v1  }
0x4f: {  	[tilespmem:$0x6AF0] =	vst v1  }
0x50: {  	[tilespmem:$0x6B00] =	vst v1  }
0x51: {  	[tilespmem:$0x6B10] =	vst v1  }
0x52: {  	[tilespmem:$0x6B20] =	vst v1  }
0x53: {  	[tilespmem:$0x6B30] =	vst v1  }
0x54: {  	[tilespmem:$0x6B40] =	vst v1  }
0x55: {  	[tilespmem:$0x6B50] =	vst v1  }
0x56: {  	[tilespmem:$0x6B60] =	vst v1  }
0x57: {  	[tilespmem:$0x6B70] =	vst v1  }
0x58: {  	[tilespmem:$0x6B80] =	vst v1  }
0x59: {  	[tilespmem:$0x6B90] =	vst v1  }
0x5a: {  	[tilespmem:$0x6BA0] =	vst v1  }
0x5b: {  	[tilespmem:$0x6BB0] =	vst v1  }
0x5c: {  	[tilespmem:$0x6BC0] =	vst v1  }
0x5d: {  	[tilespmem:$0x6BD0] =	vst v1  }
0x5e: {  	[tilespmem:$0x6BE0] =	vst v1  }
0x5f: {  	s31 =	sadd.s32 $0x0, s4;
	[tilespmem:$0x6BF0] =	vst v1  }
0x60: {  	[spmem:s31] =	stream.linear.scatter [tilespmem:s10], [sflag:$0x1], $0x400, $0x38;
	[tilespmem:$0x1A800] =	vst v63  }
0x61: {  	s16 =	simm.s32 $0x1000;
	_ =	swait.ge [sflag:s11], $0x400  }
.LBB2_4:
0x62: {  	s17 =	sshra.s32 s16, $0x2;
	[sflag:s11] =	ssyncset.done $0x0;
	p0 =	sne.s32 s16, $0x4E000  }
.Ltmp1:
0x63: {  	s17 =	sadd.s32 s17, s4;
	[sflag:s11] =	ssyncadd.s32 $0xFFFFFC00;
	(pc) =	sbr.rel @p0 .LBB2_4-.Ltmp1, $3  }
0x64: {  	[spmem:s17] =	stream.linear.scatter [tilespmem:s10], [sflag:$0x1], $0x400, $0x38;
	[tilespmem:$0x1A800] =	vst v63  }
0x65: {  	s16 =	sadd.s32 $0x1000, s16;
	_ =	sdelay $0x1  }
0x66: {  	_ =	swait.ge [sflag:s11], $0x400  }
0x67: {  	[sflag:s11] =	ssyncset.done $0x0  }
0x68: {  	s16 =	simm.s32 $0x0;
	[sflag:s11] =	ssyncadd.s32 $0xFFFFFC00  }
0x69: {  	[tilespmem:s16], [sflag:$0x1] =	stream.linear.gather [hbm4b:s5+s16], $0x2780, $0x38;
	[tilespmem:$0x1A800] =	vst v63  }
0x6a: {  	_ =	swait.ge [sflag:s11], $0x2780  }
0x6b: {  	[sflag:s11] =	ssyncset.done $0x0  }
0x6c: {  	[sflag:s11] =	ssyncadd.s32 $0xFFFFD880  }
0x6d: {  	s31 =	simm.s32 $0x0;
	[bflag:$0x0] =	sbarrier.arrive $0xFFFF  }
0x6e: {  	[spmem:s2] =	stream.indirect.scatter.add.f32 [tilespmem:s13], [sflag:$0x1], $0x80, s31, s12, $0xb8;
	[tilespmem:$0x1A800] =	vst v63  }
0x6f: {  	_ =	swait.ge [sflag:s11], $0x4000  }
0x70: {  	s16 =	simm.s32 $0x200;
	[sflag:s11] =	ssyncset.done $0x0  }
.LBB2_6:
0x71: {  	s17 =	sshra.s32 s16, $0x2;
	[sflag:s11] =	ssyncadd.s32 $0xFFFFC000;
	p0 =	sne.s32 s16, $0x9C00  }
0x72: {  	[spmem:s2] =	stream.indirect.scatter.add.f32 [tilespmem:s13], [sflag:$0x1], $0x80, s17, s12, $0xb8;
	[tilespmem:$0x1A800] =	vst v63  }
.Ltmp2:
0x73: {  	_ = 	snop;
	(pc) =	sbr.rel @p0 .LBB2_6-.Ltmp2, $4  }
0x74: {  	_ = 	snop  }
0x75: {  	s16 =	sadd.s32 $0x200, s16  }
0x76: {  	_ =	swait.ge [sflag:s11], $0x4000  }
0x77: {  	[sflag:s11] =	ssyncset.done $0x0  }
0x78: {  	[sflag:s11] =	ssyncadd.s32 $0xFFFFC000  }
0x79: {  	[bflag:$0x0] =	sbarrier.arrive $0xFFFF  }
0x7a: {  	[hbm:s6], [sflag:s14] =	dma.local [spmem:s15], $0x2780  }
0x7b: {  	_ =	swait.ge [sflag:s11], $0x2780  }
0x7c: {  	[sflag:s11] =	ssyncset.done $0x0  }
0x7d: {  	s16 =	sadd.s32 $0x0, s4;
	[sflag:s11] =	ssyncadd.s32 $0xFFFFD880  }
0x7e: {  	[spmem:s16] =	stream.linear.scatter [tilespmem:s10], [sflag:$0x1], $0x400, $0x38;
	[tilespmem:$0x1A800] =	vst v63  }
0x7f: {  	s16 =	simm.s32 $0x1000;
	_ =	swait.ge [sflag:s11], $0x400  }
.LBB2_8:
0x80: {  	s17 =	sshra.s32 s16, $0x2;
	[sflag:s11] =	ssyncset.done $0x0;
	p0 =	sne.s32 s16, $0x4E000  }
.Ltmp3:
0x81: {  	s17 =	sadd.s32 s17, s4;
	[sflag:s11] =	ssyncadd.s32 $0xFFFFFC00;
	(pc) =	sbr.rel @p0 .LBB2_8-.Ltmp3, $3  }
0x82: {  	[spmem:s17] =	stream.linear.scatter [tilespmem:s10], [sflag:$0x1], $0x400, $0x38;
	[tilespmem:$0x1A800] =	vst v63  }
0x83: {  	s16 =	sadd.s32 $0x1000, s16;
	_ =	sdelay $0x1  }
0x84: {  	_ =	swait.ge [sflag:s11], $0x400  }
0x85: {  	[sflag:s11] =	ssyncset.done $0x0  }
0x86: {  	[sflag:s11] =	ssyncadd.s32 $0xFFFFFC00  }
0x87: {  	s16 =	simm.s32 $0x0;
	[bflag:$0x0] =	sbarrier.arrive $0xFFFF  }
0x88: {  	[tilespmem:s16], [sflag:$0x1] =	stream.linear.gather [hbm4b:s7+s16], $0x2780, $0x38;
	[tilespmem:$0x1A800] =	vst v63  }
0x89: {  	_ =	swait.ge [sflag:s11], $0x2780  }
0x8a: {  	[sflag:s11] =	ssyncset.done $0x0  }
0x8b: {  	[sflag:s11] =	ssyncadd.s32 $0xFFFFD880  }
0x8c: {  	s31 =	simm.s32 $0x0;
	[bflag:$0x0] =	sbarrier.arrive $0xFFFF  }
0x8d: {  	[spmem:s2] =	stream.indirect.scatter.add.f32 [tilespmem:s13], [sflag:$0x1], $0x80, s31, s12, $0xb8;
	[tilespmem:$0x1A800] =	vst v63  }
0x8e: {  	_ =	swait.ge [sflag:s11], $0x4000  }
0x8f: {  	s16 =	simm.s32 $0x200;
	[sflag:s11] =	ssyncset.done $0x0  }
.LBB2_10:
0x90: {  	s17 =	sshra.s32 s16, $0x2;
	[sflag:s11] =	ssyncadd.s32 $0xFFFFC000;
	p0 =	sne.s32 s16, $0x9C00  }
0x91: {  	[spmem:s2] =	stream.indirect.scatter.add.f32 [tilespmem:s13], [sflag:$0x1], $0x80, s17, s12, $0xb8;
	[tilespmem:$0x1A800] =	vst v63  }
.Ltmp4:
0x92: {  	_ = 	snop;
	(pc) =	sbr.rel @p0 .LBB2_10-.Ltmp4, $4  }
0x93: {  	_ = 	snop  }
0x94: {  	s16 =	sadd.s32 $0x200, s16  }
0x95: {  	_ =	swait.ge [sflag:s11], $0x4000  }
0x96: {  	[sflag:s11] =	ssyncset.done $0x0  }
0x97: {  	s3 =	sadd.s32 $0x1, s3  }
0x98: {  	[sflag:s11] =	ssyncadd.s32 $0xFFFFC000;
	p0 =	sne.s32 s3, s9  }
.Ltmp5:
0x99: {  	[bflag:$0x0] =	sbarrier.arrive $0xFFFF;
	(pc) =	sbr.rel @p0 .LBB2_1-.Ltmp5, $4  }
0x9a: {  	[hbm:s8], [sflag:s14] =	dma.local [spmem:s15], $0x2780  }
0x9b: {  	_ =	swait.ge [sflag:s11], $0x2780  }
0x9c: {  	[sflag:s11] =	ssyncset.done $0x0  }
0x9d: {  	[sflag:s11] =	ssyncadd.s32 $0xFFFFD880  }
0x9e: {  	_ =	sfence.sel $0x180000  }
0x9f: {  	[bflag:$0x0] =	sbarrier.arrive $0xFFFF  }
0xa0: {  	p0 =	sne.s32 s0, $0x0;
	_ =	strace $0x9000004A  }
0xa1: {  	s0 =	sadd.s32 @!p0 $0x100000, s1;
	[bflag:$0x2] =	sbarrier.arrive $0xFFFF  }
0xa2: {  	[sflag:s0] =	ssyncadd.tile.s32 @!p0 $0x1;
	_ =	shalt  }
.Lfunc_end2:
_tile_overlayer_lowered:
.L_overlay_start_2:
0xa3: {  	(tag) =	ssettag $0x2  }
0xa4: {  	s0 =	rddreg [dreg:$0x0];
	s2 =	stileid.u32  }
0xa5: {  	s1 =	rddreg [dreg:$0x1];
	p0 =	sne.s32 s2, $0x0  }
0xa6: {  	s3 =	rddreg [dreg:$0x2];
	[bflag:$0x3] =	sbarrier.arrive $0xFFFF;
	s2 =	simm.s32 @!p0 $0x1C01  }
0xa7: {  	[timem:s3], [sflag:s2] =	dma.local @!p0 [hbm:s0], s1  }
0xa8: {  	s0 =	simm.s32 @!p0 $0x1  }
0xa9: {  	_ =	swait.ge @!p0 [sflag:s0], s1  }
0xaa: {  	s1 =	ssub.s32 @!p0 $0x0, s1;
	[sflag:s0] =	ssyncset.done @!p0 $0x0  }
0xab: {  	[sflag:s0] =	ssyncadd.s32 @!p0 s1  }
0xac: {  	[bflag:$0x3] =	sbarrier.arrive $0xFFFF  }
0xad: {  	_ =	shalt  }

// kernel: kernel.15.cloned.1.call-start
scs
__scs_entry_jumppad:
0x0: {  	(pc) =	sbr.rel $0x88, $3  }
0x1: {  	(tag) =	ssettag $0x0;
	lr =	simm.s32 $0x1  }
0x2: {  	[smem:$0x3F9A] =	sst lr;
	_ =	strace $0xD0000000  }
0x3: {  	_ = 	snop  }
0x4: {  	_ = 	snop  }
0x5: {  	_ = 	snop  }
0x6: {  	_ = 	snop  }
0x7: {  	_ = 	snop  }
__scs_overlays_trampoline_lowered:
0x8: {  	[smem:$0x3FA9] =	sst s0  }
0x9: {  	[smem:$0x3FAA] =	sst s1  }
0xa: {  	[smem:$0x3FAB] =	sst s2  }
0xb: {  	[smem:$0x3FAC] =	sst s3  }
0xc: {  	[smem:$0x3FAD] =	sst s4  }
0xd: {  	[smem:$0x3FAE] =	sst s5  }
0xe: {  	[smem:$0x3FAF] =	sst s6  }
0xf: {  	[smem:$0x3FB0] =	sst s7  }
0x10: {  	[smem:$0x3FB1] =	sst s8  }
0x11: {  	[smem:$0x3FB2] =	sst s9;
	s0 =	simm.s32 @!p0 $0x0  }
0x12: {  	s1 =	sld [smem:$0x3F98];
	s0 =	simm.s32 @p0 $0x1  }
0x13: {  	[smem:$0x3FB3] =	sst s0;
	s0 =	simm.s32 @!p1 $0x0  }
0x14: {  	s2 =	sld [smem:$0x3F97];
	s0 =	simm.s32 @p1 $0x1  }
0x15: {  	[smem:$0x3FB4] =	sst s0;
	s0 =	simm.s32 @!p2 $0x0  }
0x16: {  	s3 =	sld [smem:$0x3FDB];
	s0 =	simm.s32 @p2 $0x1  }
0x17: {  	s4 =	simm.s32 $0x1BF5;
	[smem:$0x3FB6] =	sst s0  }
0x18: {  	s0 =	sld [smem:$0x3F99];
	_ =	swait.ge [sflag:s4], $0x0  }
0x19: {  	s7 =	sld [smem:$0x3F9A]  }
0x1a: {  	s8 =	sadd.s32 $0xFFFFE003, lr  }
0x1b: {  	s9 =	sadd.s32 $0xFFFFFEF7, lr;
	s5 =	simm.s32 $0xFFFFFFFF;
	p2 =	slt.u32 s8, $0xFFFFF086  }
0x1c: {  	p1 =	slt.u32 s9, $0xF7A;
	s5 =	simm.s32 @!p2 $0x0  }
0x1d: {  	s5 =	simm.s32 @p1 $0x1;
	p0 =	seq.s32 s7, s2  }
0x1e: {  	s7 =	smul.u32 @!p0 $0xF7A, s2;
	p2 =	seq.s32 @!p0 s5, $0x0  }
0x1f: {  	s9 =	smul.u32 $0xF7A, s1;
	s8 =	simm.s32 @!p0 $0x1BF5;
	p2 =	por !p2, p0  }
0x20: {  	[sflag:s8] =	ssyncset.s32 @!p0 $0xFFFFF086;
	s6 =	sadd.s32 @!p0 s3, s7;
	s7 =	simm.s32 @!p0 $0x108  }
0x21: {  	s3 =	sadd.s32 s3, s9;
	s6 =	sadd.s32 @!p0 $0x88, s6;
	s7 =	simm.s32 @p2 $0x1082  }
0x22: {  	[simem:s7], [sflag:s8] =	dma.local @!p0 [hbm:s6], $0xF7A  }
0x23: {  	s9 =	sor.u32 $0xD0000000, s2;
	s6 =	simm.s32 $0x108;
	_ =	swait.ge @!p0 [sflag:s8], $0x0  }
0x24: {  	s3 =	sadd.s32 $0x88, s3;
	s6 =	simm.s32 @!p1 $0x1082;
	[sflag:s4] =	ssyncset.s32 $0xFFFFF086  }
0x25: {  	[simem:s6], [sflag:s4] =	dma.local [hbm:s3], $0xF7A  }
0x26: {  	[smem:$0x3F9A] =	sst s1;
	(tag) =	ssettag s2;
	_ =	strace s9  }
0x27: {  	s1 =	sld [smem:$0x3FAA]  }
0x28: {  	s2 =	sld [smem:$0x3FAB]  }
0x29: {  	s4 =	sld [smem:$0x3FAD]  }
0x2a: {  	p0 =	seq.s32 s5, $0x0;
	s5 =	sld [smem:$0x3FAE]  }
0x2b: {  	s6 =	sld [smem:$0x3FAF]  }
0x2c: {  	s7 =	sld [smem:$0x3FB0]  }
0x2d: {  	s3 =	simm.s32 $0x108;
	s8 =	sld [smem:$0x3FB1]  }
0x2e: {  	s3 =	simm.s32 @!p0 $0x1082;
	s9 =	sld [smem:$0x3FB2]  }
0x2f: {  	lr =	sadd.s32 s0, s3;
	s0 =	sld [smem:$0x3FA9]  }
0x30: {  	s3 =	sld [smem:$0x3FAC]  }
0x31: {  	[smem:$0x3FB5] =	sst s10  }
0x32: {  	s10 =	sld [smem:$0x3FB3];
	_ =	sdelay $0x3  }
0x33: {  	p0 =	seq.s32 s10, $0x1;
	s10 =	sld [smem:$0x3FB5];
	_ =	sdelay $0x3  }
0x34: {  	[smem:$0x3FB5] =	sst s10  }
0x35: {  	s10 =	sld [smem:$0x3FB4];
	_ =	sdelay $0x3  }
0x36: {  	p1 =	seq.s32 s10, $0x1;
	s10 =	sld [smem:$0x3FB5];
	_ =	sdelay $0x3  }
0x37: {  	[smem:$0x3FB5] =	sst s10  }
0x38: {  	s10 =	sld [smem:$0x3FB6]  }
0x39: {  	_ = 	snop;
	(pc) =	sbr.ind lr, $3  }
0x3a: {  	_ = 	snop  }
0x3b: {  	_ = 	snop  }
0x3c: {  	p2 =	seq.s32 s10, $0x1;
	s10 =	sld [smem:$0x3FB5]  }
0x3d: {  	_ =	shalt  }
0x3e: {  	_ =	shalt  }
0x3f: {  	_ =	shalt  }
0x40: {  	_ =	shalt  }
0x41: {  	_ =	shalt  }
0x42: {  	_ =	shalt  }
0x43: {  	_ =	shalt  }
0x44: {  	_ =	shalt  }
0x45: {  	_ =	shalt  }
0x46: {  	_ =	shalt  }
0x47: {  	_ =	shalt  }
0x48: {  	_ =	shalt  }
0x49: {  	_ =	shalt  }
0x4a: {  	_ =	shalt  }
0x4b: {  	_ =	shalt  }
0x4c: {  	_ =	shalt  }
0x4d: {  	_ =	shalt  }
0x4e: {  	_ =	shalt  }
0x4f: {  	_ =	shalt  }
0x50: {  	_ =	shalt  }
0x51: {  	_ =	shalt  }
0x52: {  	_ =	shalt  }
0x53: {  	_ =	shalt  }
0x54: {  	_ =	shalt  }
0x55: {  	_ =	shalt  }
0x56: {  	_ =	shalt  }
0x57: {  	_ =	shalt  }
0x58: {  	_ =	shalt  }
0x59: {  	_ =	shalt  }
0x5a: {  	_ =	shalt  }
0x5b: {  	_ =	shalt  }
0x5c: {  	_ =	shalt  }
0x5d: {  	_ =	shalt  }
0x5e: {  	_ =	shalt  }
0x5f: {  	_ =	shalt  }
0x60: {  	_ =	shalt  }
0x61: {  	_ =	shalt  }
0x62: {  	_ =	shalt  }
0x63: {  	_ =	shalt  }
0x64: {  	_ =	shalt  }
0x65: {  	_ =	shalt  }
0x66: {  	_ =	shalt  }
0x67: {  	_ =	shalt  }
0x68: {  	_ =	shalt  }
0x69: {  	_ =	shalt  }
0x6a: {  	_ =	shalt  }
0x6b: {  	_ =	shalt  }
0x6c: {  	_ =	shalt  }
0x6d: {  	_ =	shalt  }
0x6e: {  	_ =	shalt  }
0x6f: {  	_ =	shalt  }
0x70: {  	_ =	shalt  }
0x71: {  	_ =	shalt  }
0x72: {  	_ =	shalt  }
0x73: {  	_ =	shalt  }
0x74: {  	_ =	shalt  }
0x75: {  	_ =	shalt  }
0x76: {  	_ =	shalt  }
0x77: {  	_ =	shalt  }
0x78: {  	_ =	shalt  }
0x79: {  	_ =	shalt  }
0x7a: {  	_ =	shalt  }
0x7b: {  	_ =	shalt  }
0x7c: {  	_ =	shalt  }
0x7d: {  	_ =	shalt  }
0x7e: {  	_ =	shalt  }
0x7f: {  	_ =	shalt  }
0x80: {  	_ =	shalt  }
0x81: {  	_ =	shalt  }
0x82: {  	_ =	shalt  }
0x83: {  	_ =	shalt  }
0x84: {  	_ =	shalt  }
0x85: {  	_ =	shalt  }
0x86: {  	_ =	shalt  }
0x87: {  	_ =	shalt  }
.Lfunc_end0:
.L_simem_size_0:
called_computation.2_lowered:
.L_overlay_start_0:
0x88: {  	s2 =	sld [smem:$0x3FD9]  }
0x89: {  	s3 =	sld [smem:$0x3FFE];
	_ =	sdelay $0x1  }
0x8a: {  	s1 =	srdreg.scid  }
0x8b: {  	s0 =	sand.u32 $0x1, s1  }
0x8c: {  	s17 =	sshll.u32 s0, $0xA;
	s2 =	sadd.s32 s3, s2  }
0x8d: {  	s2 =	sadd.s32 s2, s17  }
0x8e: {  	[smem:$0x3FC1] =	sst s2  }
0x8f: {  	_ = 	snop  }
0x90: {  	s18 =	sld [smem:$0x3FD0];
	(tm) =	ssettm $0x1  }
0x91: {  	s19 =	sld [smem:$0x3FFB];
	_ =	sdelay $0x3  }
0x92: {  	_ =	strace s19  }
0x93: {  	s2 =	sld [smem:$0x3FFC];
	_ =	sdelay $0x3  }
0x94: {  	_ =	strace s2  }
0x95: {  	s2 =	sld [smem:$0x3FFD];
	_ =	sdelay $0x3  }
0x96: {  	_ =	strace s2  }
0x97: {  	_ =	strace $0x8FFFFFFF  }
0x98: {  	s20 =	sld [smem:$0x3FDB];
	_ =	sdelay $0x1  }
0x99: {  	s4 =	simm.s32 $_scs_section_size  }
0x9a: {  	s5 =	simm.s32 $_size__tile_overlayer_lowered;
	s6 =	simm.s32 $_tile_overlayer_lowered  }
0x9b: {  	s7 =	simm.s32 $0x1BFF;
	s21 =	sshll.u32 s6, $0x1;
	s4 =	sadd.s32 s4, s20  }
0x9c: {  	s22 =	simm.s32 $0x0;
	s5 =	sshll.u32 s5, $0x1;
	s6 =	sadd.s32 s21, s4  }
0x9d: {  	[timem:s22], [sflag:s7] =	dma.local [hbm:s6], s5  }
0x9e: {  	_ =	swait.ge [sflag:s7], s5  }
0x9f: {  	s5 =	ssub.s32 $0x0, s5;
	[sflag:s7] =	ssyncset.done $0x0  }
0xa0: {  	[sflag:s7] =	ssyncadd.s32 s5;
	_ =	sdelay $0x1  }
0xa1: {  	s23 =	simm.s32 $0x1B8B  }
0xa2: {  	_ =	swait.ge [sflag:s23], $0x1  }
0xa3: {  	[sflag:s23] =	ssyncset.done $0x0  }
0xa4: {  	[sflag:s23] =	ssyncadd.s32 $0xFFFFFFFF  }
0xa5: {  	s5 =	sld [smem:$0x0]  }
0xa6: {  	s6 =	sand.u32 $0xFFFFFFFE, s1  }
0xa7: {  	p0 =	sne.s32 s1, s6  }
0xa8: {  	s6 =	sshll.u32 @p0 s6, $0xE  }
0xa9: {  	s6 =	sadd.s32 @p0 $0x11B8D, s6;
	s7 =	sshll.u32 @p0 s5, $0x11  }
0xaa: {  	s6 =	sor.u32 @p0 s7, s6  }
0xab: {  	[sflag:s6] =	ssyncadd.remote.s32 @p0 $0x1;
	_ =	sdelay $0x1  }
0xac: {  	s6 =	simm.s32 @p0 $0x1B8D  }
0xad: {  	_ =	swait.eq @p0 [sflag:s6], $0x1  }
0xae: {  	[sflag:s6] =	ssyncadd.s32 @p0 $0xFFFFFFFF  }
0xaf: {  	s7 =	sshll.u32 @!p0 s1, $0xE  }
0xb0: {  	s7 =	sor.u32 @!p0 $0x4000, s7;
	s6 =	simm.s32 @!p0 $0x1B8D  }
0xb1: {  	s5 =	sshll.u32 @!p0 s5, $0x11;
	s7 =	sadd.s32 @!p0 $0x11B8D, s7;
	_ =	swait.eq @!p0 [sflag:s6], $0x1  }
0xb2: {  	s5 =	sor.u32 @!p0 s5, s7;
	[sflag:s6] =	ssyncadd.s32 @!p0 $0xFFFFFFFF  }
0xb3: {  	s25 =	simm.s32 $0x1B8E;
	s24 =	sld [smem:$0x3FFE];
	[sflag:s5] =	ssyncadd.remote.s32 @!p0 $0x1  }
0xb4: {  	s26 =	simm.s32 $execute0_lowered;
	[smem:$0x3FD2] =	sst s25  }
0xb5: {  	s6 =	sshll.u32 s26, $0x1;
	_ =	strace $0x8000004C;
	[dreg:$0x1] =	wrdreg $0xFFFFFFFF  }
0xb6: {  	s28 =	simm.s32 $_size_execute0_lowered;
	s4 =	sadd.s32 s4, s6;
	[dreg:$0x0] =	wrdreg $0x0  }
0xb7: {  	s6 =	sshll.u32 s28, $0x1;
	[dreg:$0x2] =	wrdreg s4  }
0xb8: {  	[dreg:$0x3] =	wrdreg s6  }
0xb9: {  	[dreg:$0x4] =	wrdreg $0xC0  }
0xba: {  	_ =	task [dreg:s22], $0x5FFFF  }
0xbb: {  	[dreg:$0x1] =	wrdreg $0xFFFFFFFF  }
0xbc: {  	[dreg:$0x0] =	wrdreg $0x60  }
0xbd: {  	[dreg:$0x2] =	wrdreg s24  }
0xbe: {  	[dreg:$0x3] =	wrdreg s18  }
0xbf: {  	[dreg:$0x4] =	wrdreg $0x94000  }
0xc0: {  	[dreg:$0x5] =	wrdreg $0xA  }
0xc1: {  	_ =	task.clear_ibuf [dreg:s22], $0x6FFFF;
	_ =	strace $0x9000004C  }
0xc2: {  	s29 =	simm.s32 $0xA;
	_ =	strace $0x8000004E  }
0xc3: {  	_ =	swait.ge [sflag:s29], $0x1  }
0xc4: {  	[sflag:s29] =	ssyncadd.s32 $0xFFFFFFFF  }
0xc5: {  	_ =	strace $0x9000004E  }
0xc6: {  	_ =	sfence  }
0xc7: {  	s30 =	sld [smem:$0x0];
	_ =	sdelay $0x2  }
0xc8: {  	s31 =	sshll.u32 s1, $0xD;
	s1 =	sshrl.u32 s1, $0x2  }
0xc9: {  	s4 =	sand.u32 $0x4000, s31;
	s1 =	sadd.s32 s1, s30  }
0xca: {  	s0 =	sor.u32 s4, s0;
	s1 =	sshll.u32 s1, $0x11  }
0xcb: {  	s0 =	sor.u32 s1, s0  }
0xcc: {  	s0 =	sadd.s32 $0x8F2B, s0  }
0xcd: {  	[sflag:s0] =	ssyncadd.remote.s32 $0x1  }
0xce: {  	_ =	sfence.sel $0xFFFF  }
0xcf: {  	[dreg:$0x0] =	wrdreg $0xFFFFFFFF;
	(pc) =	sbr.abs _section_cstart, $3  }
0xd0: {  	[dreg:$0x1] =	wrdreg $0xFFFFFFFF  }
0xd1: {  	_ =	task.clear_ibuf [dreg:s22], $0x2FFFF;
	_ =	strace $0x9FFFFFFF  }
0xd2: {  	(tm) =	ssettm $0x7FFFFFFF  }
0xd3: {  	_ =	shalt  }
tec
execute0_lowered:
.L_overlay_start_1:
0x0: {  	(tag) =	ssettag $0x1  }
0x1: {  	s5 =	rddreg [dreg:$0x0]  }
0x2: {  	s6 =	rddreg [dreg:$0x1]  }
0x3: {  	s0 =	srdreg.scid;
	s2 =	rddreg [dreg:$0x2]  }
0x4: {  	s1 =	rddreg [dreg:$0x3];
	s3 =	simm.s32 $0x0;
	s7 =	sand.u32 $0x1, s0  }
0x5: {  	s13 =	simm.s32 $0x80;
	s0 =	stileid.u32;
	s8 =	smul.u32 $0x28000, s7  }
0x6: {  	s14 =	simm.s32 $0x5000;
	s15 =	simm.s32 $0x1;
	s9 =	smul.u32 $0x2800, s0  }
0x7: {  	[smem:$0x7FF] =	sst s3;
	s4 =	sadd.s32 $0x16F800, s5;
	s10 =	smul.u32 $0x13C000, s7  }
0x8: {  	s11 =	smul.u32 $0x13C00, s0;
	_ =	strace $0x8000004D;
	s7 =	ssub.s32 $0x2, s7  }
0x9: {  	s29 =	smul.u32 $0x4F000, s0;
	s16 =	sshll.u32 s0, $0x6;
	s31 =	sshrl.u32 s7, $0x1  }
0xa: {  	s16 =	sor.u32 $0x1C02, s16;
	s8 =	sadd.s32 s9, s8;
	s28 =	sadd.s32 s11, s10  }
0xb: {  	s10 =	sshrl.u32 s29, $0x2;
	s12 =	ssub.s32 s7, s31;
	s8 =	sshrl.u32 s8, $0x3  }
0xc: {  	s11 =	simm.s32 $0x2;
	s9 =	sshrl.u32 s28, $0x3;
	s30 =	sadd.s32 s8, s5  }
0xd: {  	s9 =	sadd.s32 s9, s5;
	s5 =	sadd.s32 s10, s2;
	s6 =	sadd.s32 s6, s8  }
0xe: {  	s10 =	simm.s32 $0x9000;
	s7 =	sadd.s32 $0x165800, s30;
	s8 =	sadd.s32 $0x197000, s9  }
0xf: {  	v0 =	vimm.f32 $0.0e+00;
	s9 =	smax.u32 s12, $0x1;
	s12 =	simm.s32 $0x2800;
	s17 =	sshrl.u32 s5, $0x3  }
.LBB2_1:
0x10: {  	[tilespmem:$0x9000] =	vst v0  }
0x11: {  	[tilespmem:$0x9010] =	vst v0  }
0x12: {  	[tilespmem:$0x9020] =	vst v0  }
0x13: {  	[tilespmem:$0x9030] =	vst v0  }
0x14: {  	[tilespmem:$0x9040] =	vst v0  }
0x15: {  	[tilespmem:$0x9050] =	vst v0  }
0x16: {  	[tilespmem:$0x9060] =	vst v0  }
0x17: {  	[tilespmem:$0x9070] =	vst v0  }
0x18: {  	[tilespmem:$0x9080] =	vst v0  }
0x19: {  	[tilespmem:$0x9090] =	vst v0  }
0x1a: {  	[tilespmem:$0x90A0] =	vst v0  }
0x1b: {  	[tilespmem:$0x90B0] =	vst v0  }
0x1c: {  	[tilespmem:$0x90C0] =	vst v0  }
0x1d: {  	[tilespmem:$0x90D0] =	vst v0  }
0x1e: {  	[tilespmem:$0x90E0] =	vst v0  }
0x1f: {  	[tilespmem:$0x90F0] =	vst v0  }
0x20: {  	[tilespmem:$0x9100] =	vst v0  }
0x21: {  	[tilespmem:$0x9110] =	vst v0  }
0x22: {  	[tilespmem:$0x9120] =	vst v0  }
0x23: {  	[tilespmem:$0x9130] =	vst v0  }
0x24: {  	[tilespmem:$0x9140] =	vst v0  }
0x25: {  	[tilespmem:$0x9150] =	vst v0  }
0x26: {  	[tilespmem:$0x9160] =	vst v0  }
0x27: {  	[tilespmem:$0x9170] =	vst v0  }
0x28: {  	[tilespmem:$0x9180] =	vst v0  }
0x29: {  	[tilespmem:$0x9190] =	vst v0  }
0x2a: {  	[tilespmem:$0x91A0] =	vst v0  }
0x2b: {  	[tilespmem:$0x91B0] =	vst v0  }
0x2c: {  	[tilespmem:$0x91C0] =	vst v0  }
0x2d: {  	[tilespmem:$0x91D0] =	vst v0  }
0x2e: {  	[tilespmem:$0x91E0] =	vst v0  }
0x2f: {  	[tilespmem:$0x91F0] =	vst v0  }
0x30: {  	[tilespmem:$0x9200] =	vst v0  }
0x31: {  	[tilespmem:$0x9210] =	vst v0  }
0x32: {  	[tilespmem:$0x9220] =	vst v0  }
0x33: {  	[tilespmem:$0x9230] =	vst v0  }
0x34: {  	[tilespmem:$0x9240] =	vst v0  }
0x35: {  	[tilespmem:$0x9250] =	vst v0  }
0x36: {  	[tilespmem:$0x9260] =	vst v0  }
0x37: {  	[tilespmem:$0x9270] =	vst v0  }
0x38: {  	[tilespmem:$0x9280] =	vst v0  }
0x39: {  	[tilespmem:$0x9290] =	vst v0  }
0x3a: {  	[tilespmem:$0x92A0] =	vst v0  }
0x3b: {  	[tilespmem:$0x92B0] =	vst v0  }
0x3c: {  	[tilespmem:$0x92C0] =	vst v0  }
0x3d: {  	[tilespmem:$0x92D0] =	vst v0  }
0x3e: {  	[tilespmem:$0x92E0] =	vst v0  }
0x3f: {  	[tilespmem:$0x92F0] =	vst v0  }
0x40: {  	[tilespmem:$0x9300] =	vst v0  }
0x41: {  	[tilespmem:$0x9310] =	vst v0  }
0x42: {  	[tilespmem:$0x9320] =	vst v0  }
0x43: {  	[tilespmem:$0x9330] =	vst v0  }
0x44: {  	[tilespmem:$0x9340] =	vst v0  }
0x45: {  	[tilespmem:$0x9350] =	vst v0  }
0x46: {  	[tilespmem:$0x9360] =	vst v0  }
0x47: {  	[tilespmem:$0x9370] =	vst v0  }
0x48: {  	[tilespmem:$0x9380] =	vst v0  }
0x49: {  	[tilespmem:$0x9390] =	vst v0  }
0x4a: {  	[tilespmem:$0x93A0] =	vst v0  }
0x4b: {  	[tilespmem:$0x93B0] =	vst v0  }
0x4c: {  	[tilespmem:$0x93C0] =	vst v0  }
0x4d: {  	[tilespmem:$0x93D0] =	vst v0  }
0x4e: {  	[tilespmem:$0x93E0] =	vst v0  }
0x4f: {  	[tilespmem:$0x93F0] =	vst v0;
	s18 =	sadd.s32 $0x0, s5  }
0x50: {  	[spmem:s18] =	stream.linear.scatter [tilespmem:s10], [sflag:$0x2], $0x400, $0x38;
	[tilespmem:$0x1D000] =	vst v63  }
0x51: {  	s18 =	simm.s32 $0x1000;
	_ =	swait.ge [sflag:s11], $0x400  }
.LBB2_2:
0x52: {  	s19 =	sshra.s32 s18, $0x2;
	[sflag:s11] =	ssyncset.done $0x0;
	p0 =	sne.s32 s18, $0x4E000  }
.Ltmp0:
0x53: {  	s19 =	sadd.s32 s19, s5;
	[sflag:s11] =	ssyncadd.s32 $0xFFFFFC00;
	(pc) =	sbr.rel @p0 .LBB2_2-.Ltmp0, $3  }
0x54: {  	[spmem:s19] =	stream.linear.scatter [tilespmem:s10], [sflag:$0x2], $0x400, $0x38;
	[tilespmem:$0x1D000] =	vst v63  }
0x55: {  	s18 =	sadd.s32 $0x1000, s18;
	_ =	sdelay $0x1  }
0x56: {  	_ =	swait.ge [sflag:s11], $0x400  }
0x57: {  	[sflag:s11] =	ssyncset.done $0x0  }
0x58: {  	s18 =	simm.s32 $0x0;
	[sflag:s11] =	ssyncadd.s32 $0xFFFFFC00  }
0x59: {  	[tilespmem:s18], [sflag:$0x2] =	stream.linear.gather [hbm4b:s6+s18], $0x2780, $0x38;
	[tilespmem:$0x1D000] =	vst v63  }
0x5a: {  	_ =	swait.ge [sflag:s11], $0x2780  }
0x5b: {  	[sflag:s11] =	ssyncset.done $0x0  }
0x5c: {  	[sflag:s11] =	ssyncadd.s32 $0xFFFFD880  }
0x5d: {  	[tilespmem:s12], [sflag:$0x2] =	stream.linear.gather [hbm4b:s7+s18], $0x2780, $0x38;
	[tilespmem:$0x1D000] =	vst v63  }
0x5e: {  	_ =	swait.ge [sflag:s11], $0x2780  }
0x5f: {  	[sflag:s11] =	ssyncset.done $0x0  }
0x60: {  	[sflag:s11] =	ssyncadd.s32 $0xFFFFD880  }
0x61: {  	s30 =	simm.s32 $0x0;
	[bflag:$0x0] =	sbarrier.arrive $0xFFFF  }
0x62: {  	[tilespmem:s14], [sflag:$0x1] =	stream.indirect.gather [hbm4b:s4+s13], $0x80, s30, s13, $0xb8;
	[tilespmem:$0x1D000] =	vst v63  }
0x63: {  	_ =	swait.ge [sflag:s15], $0x4000  }
0x64: {  	[sflag:s15] =	ssyncset.done $0x0  }
0x65: {  	s31 =	simm.s32 $0x2800;
	[sflag:s15] =	ssyncadd.s32 $0xFFFFC000  }
0x66: {  	[spmem:s2] =	stream.indirect.scatter.add.f32 [tilespmem:s14], [sflag:$0x2], $0x80, s31, s13, $0xb8;
	[tilespmem:$0x1D000] =	vst v63  }
0x67: {  	_ =	swait.ge [sflag:s11], $0x4000  }
0x68: {  	s19 =	simm.s32 $0x400;
	s18 =	simm.s32 $0x200;
	[sflag:s11] =	ssyncset.done $0x0  }
.LBB2_4:
0x69: {  	s20 =	sshra.s32 s18, $0x2  }
0x6a: {  	[sflag:s11] =	ssyncadd.s32 $0xFFFFC000;
	s18 =	smov.u32 s19;
	s21 =	sadd.s32 $0x200, s19  }
0x6b: {  	[tilespmem:s14], [sflag:$0x1] =	stream.indirect.gather [hbm4b:s4+s13], $0x80, s20, s13, $0xb8;
	[tilespmem:$0x1D000] =	vst v63  }
0x6c: {  	p0 =	sne.s32 s19, $0x9C00;
	_ =	swait.ge [sflag:s15], $0x4000  }
.Ltmp1:
0x6d: {  	[sflag:s15] =	ssyncset.done $0x0;
	(pc) =	sbr.rel @p0 .LBB2_4-.Ltmp1, $4  }
0x6e: {  	s19 =	sadd.s32 $0x2800, s20;
	[sflag:s15] =	ssyncadd.s32 $0xFFFFC000  }
0x6f: {  	[spmem:s2] =	stream.indirect.scatter.add.f32 [tilespmem:s14], [sflag:$0x2], $0x80, s19, s13, $0xb8;
	[tilespmem:$0x1D000] =	vst v63  }
0x70: {  	_ =	swait.ge [sflag:s11], $0x4000  }
0x71: {  	s19 =	smov.u32 s21;
	[sflag:s11] =	ssyncset.done $0x0  }
0x72: {  	s18 =	sshra.s32 s18, $0x2;
	[sflag:s11] =	ssyncadd.s32 $0xFFFFC000  }
0x73: {  	[tilespmem:s14], [sflag:$0x1] =	stream.indirect.gather [hbm4b:s4+s13], $0x80, s18, s13, $0xb8;
	[tilespmem:$0x1D000] =	vst v63  }
0x74: {  	_ =	swait.ge [sflag:s15], $0x4000  }
0x75: {  	[sflag:s15] =	ssyncset.done $0x0  }
0x76: {  	s18 =	sadd.s32 $0x2800, s18;
	[sflag:s15] =	ssyncadd.s32 $0xFFFFC000  }
0x77: {  	[spmem:s2] =	stream.indirect.scatter.add.f32 [tilespmem:s14], [sflag:$0x2], $0x80, s18, s13, $0xb8;
	[tilespmem:$0x1D000] =	vst v63  }
0x78: {  	_ =	swait.ge [sflag:s11], $0x4000  }
0x79: {  	s3 =	sadd.s32 $0x1, s3;
	[sflag:s11] =	ssyncset.done $0x0  }
0x7a: {  	p0 =	sne.s32 s3, s9;
	[sflag:s11] =	ssyncadd.s32 $0xFFFFC000  }
.Ltmp2:
0x7b: {  	[bflag:$0x0] =	sbarrier.arrive $0xFFFF;
	(pc) =	sbr.rel @p0 .LBB2_1-.Ltmp2, $4  }
0x7c: {  	[hbm:s8], [sflag:s16] =	dma.local [spmem:s17], $0x2780  }
0x7d: {  	_ =	swait.ge [sflag:s11], $0x2780  }
0x7e: {  	[sflag:s11] =	ssyncset.done $0x0  }
0x7f: {  	[sflag:s11] =	ssyncadd.s32 $0xFFFFD880  }
0x80: {  	_ =	sfence.sel $0x180000  }
0x81: {  	[bflag:$0x0] =	sbarrier.arrive $0xFFFF  }
0x82: {  	p0 =	sne.s32 s0, $0x0;
	_ =	strace $0x9000004D  }
0x83: {  	s0 =	sadd.s32 @!p0 $0x100000, s1;
	[bflag:$0x2] =	sbarrier.arrive $0xFFFF  }
0x84: {  	[sflag:s0] =	ssyncadd.tile.s32 @!p0 $0x1;
	_ =	shalt  }
.Lfunc_end2:
_tile_overlayer_lowered:
.L_overlay_start_2:
0x85: {  	(tag) =	ssettag $0x2  }
0x86: {  	s0 =	rddreg [dreg:$0x0];
	s2 =	stileid.u32  }
0x87: {  	s1 =	rddreg [dreg:$0x1];
	p0 =	sne.s32 s2, $0x0  }
0x88: {  	s3 =	rddreg [dreg:$0x2];
	[bflag:$0x3] =	sbarrier.arrive $0xFFFF;
	s2 =	simm.s32 @!p0 $0x1C02  }
0x89: {  	[timem:s3], [sflag:s2] =	dma.local @!p0 [hbm:s0], s1  }
0x8a: {  	s0 =	simm.s32 @!p0 $0x2  }
0x8b: {  	_ =	swait.ge @!p0 [sflag:s0], s1  }
0x8c: {  	s1 =	ssub.s32 @!p0 $0x0, s1;
	[sflag:s0] =	ssyncset.done @!p0 $0x0  }
0x8d: {  	[sflag:s0] =	ssyncadd.s32 @!p0 s1  }
0x8e: {  	[bflag:$0x3] =	sbarrier.arrive $0xFFFF  }
0x8f: {  	_ =	shalt  }

// kernel: kernel.18.cloned.1.call-start
scs
__scs_entry_jumppad:
0x0: {  	(pc) =	sbr.rel $0x88, $3  }
0x1: {  	(tag) =	ssettag $0x0;
	lr =	simm.s32 $0x1  }
0x2: {  	[smem:$0x3F9A] =	sst lr;
	_ =	strace $0xD0000000  }
0x3: {  	_ = 	snop  }
0x4: {  	_ = 	snop  }
0x5: {  	_ = 	snop  }
0x6: {  	_ = 	snop  }
0x7: {  	_ = 	snop  }
__scs_overlays_trampoline_lowered:
0x8: {  	[smem:$0x3FA9] =	sst s0  }
0x9: {  	[smem:$0x3FAA] =	sst s1  }
0xa: {  	[smem:$0x3FAB] =	sst s2  }
0xb: {  	[smem:$0x3FAC] =	sst s3  }
0xc: {  	[smem:$0x3FAD] =	sst s4  }
0xd: {  	[smem:$0x3FAE] =	sst s5  }
0xe: {  	[smem:$0x3FAF] =	sst s6  }
0xf: {  	[smem:$0x3FB0] =	sst s7  }
0x10: {  	[smem:$0x3FB1] =	sst s8  }
0x11: {  	[smem:$0x3FB2] =	sst s9;
	s0 =	simm.s32 @!p0 $0x0  }
0x12: {  	s1 =	sld [smem:$0x3F98];
	s0 =	simm.s32 @p0 $0x1  }
0x13: {  	[smem:$0x3FB3] =	sst s0;
	s0 =	simm.s32 @!p1 $0x0  }
0x14: {  	s2 =	sld [smem:$0x3F97];
	s0 =	simm.s32 @p1 $0x1  }
0x15: {  	[smem:$0x3FB4] =	sst s0;
	s0 =	simm.s32 @!p2 $0x0  }
0x16: {  	s3 =	sld [smem:$0x3FDB];
	s0 =	simm.s32 @p2 $0x1  }
0x17: {  	s4 =	simm.s32 $0x1BF5;
	[smem:$0x3FB6] =	sst s0  }
0x18: {  	s0 =	sld [smem:$0x3F99];
	_ =	swait.ge [sflag:s4], $0x0  }
0x19: {  	s7 =	sld [smem:$0x3F9A]  }
0x1a: {  	s8 =	sadd.s32 $0xFFFFE003, lr  }
0x1b: {  	s9 =	sadd.s32 $0xFFFFFEF7, lr;
	s5 =	simm.s32 $0xFFFFFFFF;
	p2 =	slt.u32 s8, $0xFFFFF086  }
0x1c: {  	p1 =	slt.u32 s9, $0xF7A;
	s5 =	simm.s32 @!p2 $0x0  }
0x1d: {  	s5 =	simm.s32 @p1 $0x1;
	p0 =	seq.s32 s7, s2  }
0x1e: {  	s7 =	smul.u32 @!p0 $0xF7A, s2;
	p2 =	seq.s32 @!p0 s5, $0x0  }
0x1f: {  	s9 =	smul.u32 $0xF7A, s1;
	s8 =	simm.s32 @!p0 $0x1BF5;
	p2 =	por !p2, p0  }
0x20: {  	[sflag:s8] =	ssyncset.s32 @!p0 $0xFFFFF086;
	s6 =	sadd.s32 @!p0 s3, s7;
	s7 =	simm.s32 @!p0 $0x108  }
0x21: {  	s3 =	sadd.s32 s3, s9;
	s6 =	sadd.s32 @!p0 $0x88, s6;
	s7 =	simm.s32 @p2 $0x1082  }
0x22: {  	[simem:s7], [sflag:s8] =	dma.local @!p0 [hbm:s6], $0xF7A  }
0x23: {  	s9 =	sor.u32 $0xD0000000, s2;
	s6 =	simm.s32 $0x108;
	_ =	swait.ge @!p0 [sflag:s8], $0x0  }
0x24: {  	s3 =	sadd.s32 $0x88, s3;
	s6 =	simm.s32 @!p1 $0x1082;
	[sflag:s4] =	ssyncset.s32 $0xFFFFF086  }
0x25: {  	[simem:s6], [sflag:s4] =	dma.local [hbm:s3], $0xF7A  }
0x26: {  	[smem:$0x3F9A] =	sst s1;
	(tag) =	ssettag s2;
	_ =	strace s9  }
0x27: {  	s1 =	sld [smem:$0x3FAA]  }
0x28: {  	s2 =	sld [smem:$0x3FAB]  }
0x29: {  	s4 =	sld [smem:$0x3FAD]  }
0x2a: {  	p0 =	seq.s32 s5, $0x0;
	s5 =	sld [smem:$0x3FAE]  }
0x2b: {  	s6 =	sld [smem:$0x3FAF]  }
0x2c: {  	s7 =	sld [smem:$0x3FB0]  }
0x2d: {  	s3 =	simm.s32 $0x108;
	s8 =	sld [smem:$0x3FB1]  }
0x2e: {  	s3 =	simm.s32 @!p0 $0x1082;
	s9 =	sld [smem:$0x3FB2]  }
0x2f: {  	lr =	sadd.s32 s0, s3;
	s0 =	sld [smem:$0x3FA9]  }
0x30: {  	s3 =	sld [smem:$0x3FAC]  }
0x31: {  	[smem:$0x3FB5] =	sst s10  }
0x32: {  	s10 =	sld [smem:$0x3FB3];
	_ =	sdelay $0x3  }
0x33: {  	p0 =	seq.s32 s10, $0x1;
	s10 =	sld [smem:$0x3FB5];
	_ =	sdelay $0x3  }
0x34: {  	[smem:$0x3FB5] =	sst s10  }
0x35: {  	s10 =	sld [smem:$0x3FB4];
	_ =	sdelay $0x3  }
0x36: {  	p1 =	seq.s32 s10, $0x1;
	s10 =	sld [smem:$0x3FB5];
	_ =	sdelay $0x3  }
0x37: {  	[smem:$0x3FB5] =	sst s10  }
0x38: {  	s10 =	sld [smem:$0x3FB6]  }
0x39: {  	_ = 	snop;
	(pc) =	sbr.ind lr, $3  }
0x3a: {  	_ = 	snop  }
0x3b: {  	_ = 	snop  }
0x3c: {  	p2 =	seq.s32 s10, $0x1;
	s10 =	sld [smem:$0x3FB5]  }
0x3d: {  	_ =	shalt  }
0x3e: {  	_ =	shalt  }
0x3f: {  	_ =	shalt  }
0x40: {  	_ =	shalt  }
0x41: {  	_ =	shalt  }
0x42: {  	_ =	shalt  }
0x43: {  	_ =	shalt  }
0x44: {  	_ =	shalt  }
0x45: {  	_ =	shalt  }
0x46: {  	_ =	shalt  }
0x47: {  	_ =	shalt  }
0x48: {  	_ =	shalt  }
0x49: {  	_ =	shalt  }
0x4a: {  	_ =	shalt  }
0x4b: {  	_ =	shalt  }
0x4c: {  	_ =	shalt  }
0x4d: {  	_ =	shalt  }
0x4e: {  	_ =	shalt  }
0x4f: {  	_ =	shalt  }
0x50: {  	_ =	shalt  }
0x51: {  	_ =	shalt  }
0x52: {  	_ =	shalt  }
0x53: {  	_ =	shalt  }
0x54: {  	_ =	shalt  }
0x55: {  	_ =	shalt  }
0x56: {  	_ =	shalt  }
0x57: {  	_ =	shalt  }
0x58: {  	_ =	shalt  }
0x59: {  	_ =	shalt  }
0x5a: {  	_ =	shalt  }
0x5b: {  	_ =	shalt  }
0x5c: {  	_ =	shalt  }
0x5d: {  	_ =	shalt  }
0x5e: {  	_ =	shalt  }
0x5f: {  	_ =	shalt  }
0x60: {  	_ =	shalt  }
0x61: {  	_ =	shalt  }
0x62: {  	_ =	shalt  }
0x63: {  	_ =	shalt  }
0x64: {  	_ =	shalt  }
0x65: {  	_ =	shalt  }
0x66: {  	_ =	shalt  }
0x67: {  	_ =	shalt  }
0x68: {  	_ =	shalt  }
0x69: {  	_ =	shalt  }
0x6a: {  	_ =	shalt  }
0x6b: {  	_ =	shalt  }
0x6c: {  	_ =	shalt  }
0x6d: {  	_ =	shalt  }
0x6e: {  	_ =	shalt  }
0x6f: {  	_ =	shalt  }
0x70: {  	_ =	shalt  }
0x71: {  	_ =	shalt  }
0x72: {  	_ =	shalt  }
0x73: {  	_ =	shalt  }
0x74: {  	_ =	shalt  }
0x75: {  	_ =	shalt  }
0x76: {  	_ =	shalt  }
0x77: {  	_ =	shalt  }
0x78: {  	_ =	shalt  }
0x79: {  	_ =	shalt  }
0x7a: {  	_ =	shalt  }
0x7b: {  	_ =	shalt  }
0x7c: {  	_ =	shalt  }
0x7d: {  	_ =	shalt  }
0x7e: {  	_ =	shalt  }
0x7f: {  	_ =	shalt  }
0x80: {  	_ =	shalt  }
0x81: {  	_ =	shalt  }
0x82: {  	_ =	shalt  }
0x83: {  	_ =	shalt  }
0x84: {  	_ =	shalt  }
0x85: {  	_ =	shalt  }
0x86: {  	_ =	shalt  }
0x87: {  	_ =	shalt  }
.Lfunc_end0:
.L_simem_size_0:
called_computation.3_lowered:
.L_overlay_start_0:
0x88: {  	s2 =	sld [smem:$0x3FD9]  }
0x89: {  	s3 =	sld [smem:$0x3FFE];
	_ =	sdelay $0x1  }
0x8a: {  	s1 =	srdreg.scid  }
0x8b: {  	s0 =	sand.u32 $0x1, s1  }
0x8c: {  	s16 =	sshll.u32 s0, $0xA;
	s2 =	sadd.s32 s3, s2  }
0x8d: {  	s2 =	sadd.s32 s2, s16  }
0x8e: {  	[smem:$0x3FC1] =	sst s2  }
0x8f: {  	_ = 	snop  }
0x90: {  	(tm) =	ssettm $0x1  }
0x91: {  	s17 =	sld [smem:$0x3FFB];
	_ =	sdelay $0x3  }
0x92: {  	_ =	strace s17  }
0x93: {  	s2 =	sld [smem:$0x3FFC];
	_ =	sdelay $0x3  }
0x94: {  	_ =	strace s2  }
0x95: {  	s2 =	sld [smem:$0x3FFD];
	_ =	sdelay $0x3  }
0x96: {  	_ =	strace s2  }
0x97: {  	_ =	strace $0x8FFFFFFF  }
0x98: {  	s18 =	sld [smem:$0x3FDB];
	_ =	sdelay $0x1  }
0x99: {  	s19 =	simm.s32 $_scs_section_size  }
0x9a: {  	s4 =	simm.s32 $_size__tile_overlayer_lowered;
	s5 =	simm.s32 $_tile_overlayer_lowered  }
0x9b: {  	s22 =	simm.s32 $0x1BFF;
	s21 =	sshll.u32 s5, $0x1;
	s2 =	sadd.s32 s19, s18  }
0x9c: {  	s6 =	simm.s32 $0x0;
	s20 =	sshll.u32 s4, $0x1;
	s4 =	sadd.s32 s21, s2  }
0x9d: {  	[timem:s6], [sflag:s22] =	dma.local [hbm:s4], s20  }
0x9e: {  	_ =	swait.ge [sflag:s22], s20  }
0x9f: {  	s3 =	ssub.s32 $0x0, s20;
	[sflag:s22] =	ssyncset.done $0x0  }
0xa0: {  	[sflag:s22] =	ssyncadd.s32 s3;
	_ =	sdelay $0x1  }
0xa1: {  	s23 =	simm.s32 $0x1B8B  }
0xa2: {  	_ =	swait.ge [sflag:s23], $0x1  }
0xa3: {  	[sflag:s23] =	ssyncset.done $0x0  }
0xa4: {  	s25 =	simm.s32 $0x1B8E;
	s24 =	sld [smem:$0x3FFE];
	[sflag:s23] =	ssyncadd.s32 $0xFFFFFFFF  }
0xa5: {  	s26 =	simm.s32 $execute0_lowered;
	[smem:$0x3FD2] =	sst s25  }
0xa6: {  	s4 =	sshll.u32 s26, $0x1;
	_ =	strace $0x8000004F;
	[dreg:$0x1] =	wrdreg $0xFFFFFFFF  }
0xa7: {  	s28 =	simm.s32 $_size_execute0_lowered;
	s2 =	sadd.s32 s2, s4;
	[dreg:$0x0] =	wrdreg $0x0  }
0xa8: {  	s4 =	sshll.u32 s28, $0x1;
	[dreg:$0x2] =	wrdreg s2  }
0xa9: {  	[dreg:$0x3] =	wrdreg s4  }
0xaa: {  	[dreg:$0x4] =	wrdreg $0xC0  }
0xab: {  	_ =	task [dreg:s6], $0x5FFFF  }
0xac: {  	[dreg:$0x1] =	wrdreg $0xFFFFFFFF  }
0xad: {  	[dreg:$0x0] =	wrdreg $0x60  }
0xae: {  	[dreg:$0x2] =	wrdreg s24  }
0xaf: {  	[dreg:$0x3] =	wrdreg $0x94000  }
0xb0: {  	[dreg:$0x4] =	wrdreg $0x9  }
0xb1: {  	_ =	task.clear_ibuf [dreg:s6], $0x5FFFF;
	_ =	strace $0x9000004F  }
0xb2: {  	s29 =	simm.s32 $0x9;
	_ =	strace $0x80000051  }
0xb3: {  	_ =	swait.ge [sflag:s29], $0x1  }
0xb4: {  	[sflag:s29] =	ssyncadd.s32 $0xFFFFFFFF  }
0xb5: {  	_ =	strace $0x90000051  }
0xb6: {  	_ =	sfence  }
0xb7: {  	s30 =	sld [smem:$0x0];
	_ =	sdelay $0x2  }
0xb8: {  	s31 =	sshll.u32 s1, $0xD;
	s1 =	sshrl.u32 s1, $0x2  }
0xb9: {  	s3 =	sand.u32 $0x4000, s31;
	s1 =	sadd.s32 s1, s30  }
0xba: {  	s0 =	sor.u32 s3, s0;
	s1 =	sshll.u32 s1, $0x11  }
0xbb: {  	s0 =	sor.u32 s1, s0  }
0xbc: {  	s0 =	sadd.s32 $0x8F2B, s0  }
0xbd: {  	[sflag:s0] =	ssyncadd.remote.s32 $0x1  }
0xbe: {  	_ =	sfence.sel $0xFFFF  }
0xbf: {  	[dreg:$0x0] =	wrdreg $0xFFFFFFFF;
	(pc) =	sbr.abs _section_cstart, $3  }
0xc0: {  	[dreg:$0x1] =	wrdreg $0xFFFFFFFF  }
0xc1: {  	_ =	task.clear_ibuf [dreg:s6], $0x2FFFF;
	_ =	strace $0x9FFFFFFF  }
0xc2: {  	(tm) =	ssettm $0x7FFFFFFF  }
0xc3: {  	_ =	shalt  }
tec
execute0_lowered:
.L_overlay_start_1:
0x0: {  	(tag) =	ssettag $0x1  }
0x1: {  	s5 =	rddreg [dreg:$0x0]  }
0x2: {  	s0 =	srdreg.scid;
	s2 =	rddreg [dreg:$0x1]  }
0x3: {  	s1 =	rddreg [dreg:$0x2];
	s3 =	simm.s32 $0x0;
	s6 =	sand.u32 $0x1, s0  }
0x4: {  	s11 =	simm.s32 $0x2;
	s0 =	stileid.u32;
	s7 =	smul.u32 $0x28000, s6  }
0x5: {  	s12 =	simm.s32 $0x2800;
	s13 =	simm.s32 $0x80;
	s8 =	smul.u32 $0x2800, s0  }
0x6: {  	s14 =	simm.s32 $0x5000;
	s15 =	simm.s32 $0x1;
	s9 =	smul.u32 $0x13C000, s6  }
0x7: {  	[smem:$0x7FF] =	sst s3;
	s4 =	sadd.s32 $0x15800, s5;
	s10 =	smul.u32 $0x13C00, s0  }
0x8: {  	s29 =	smul.u32 $0x4F000, s0;
	s6 =	ssub.s32 $0x2, s6;
	s16 =	sshll.u32 s0, $0x6  }
0x9: {  	_ =	strace $0x80000050;
	s30 =	sshrl.u32 s6, $0x1;
	s16 =	sor.u32 $0x1C02, s16  }
0xa: {  	s7 =	sadd.s32 s8, s7;
	s28 =	sadd.s32 s10, s9;
	s9 =	sshrl.u32 s29, $0x2  }
0xb: {  	s31 =	ssub.s32 s6, s30;
	s7 =	sshrl.u32 s7, $0x3;
	s8 =	sshrl.u32 s28, $0x3  }
0xc: {  	s10 =	simm.s32 $0x9000;
	s7 =	sadd.s32 s7, s5;
	s8 =	sadd.s32 s8, s5  }
0xd: {  	s5 =	sadd.s32 s9, s2;
	s9 =	smax.u32 s31, $0x1;
	s6 =	sadd.s32 $0x1800, s7  }
0xe: {  	v0 =	vimm.f32 $0.0e+00;
	s7 =	sadd.s32 $0xB800, s7;
	s8 =	sadd.s32 $0x3D000, s8;
	s17 =	sshrl.u32 s5, $0x3  }
.LBB2_1:
0xf: {  	[tilespmem:$0x9000] =	vst v0  }
0x10: {  	[tilespmem:$0x9010] =	vst v0  }
0x11: {  	[tilespmem:$0x9020] =	vst v0  }
0x12: {  	[tilespmem:$0x9030] =	vst v0  }
0x13: {  	[tilespmem:$0x9040] =	vst v0  }
0x14: {  	[tilespmem:$0x9050] =	vst v0  }
0x15: {  	[tilespmem:$0x9060] =	vst v0  }
0x16: {  	[tilespmem:$0x9070] =	vst v0  }
0x17: {  	[tilespmem:$0x9080] =	vst v0  }
0x18: {  	[tilespmem:$0x9090] =	vst v0  }
0x19: {  	[tilespmem:$0x90A0] =	vst v0  }
0x1a: {  	[tilespmem:$0x90B0] =	vst v0  }
0x1b: {  	[tilespmem:$0x90C0] =	vst v0  }
0x1c: {  	[tilespmem:$0x90D0] =	vst v0  }
0x1d: {  	[tilespmem:$0x90E0] =	vst v0  }
0x1e: {  	[tilespmem:$0x90F0] =	vst v0  }
0x1f: {  	[tilespmem:$0x9100] =	vst v0  }
0x20: {  	[tilespmem:$0x9110] =	vst v0  }
0x21: {  	[tilespmem:$0x9120] =	vst v0  }
0x22: {  	[tilespmem:$0x9130] =	vst v0  }
0x23: {  	[tilespmem:$0x9140] =	vst v0  }
0x24: {  	[tilespmem:$0x9150] =	vst v0  }
0x25: {  	[tilespmem:$0x9160] =	vst v0  }
0x26: {  	[tilespmem:$0x9170] =	vst v0  }
0x27: {  	[tilespmem:$0x9180] =	vst v0  }
0x28: {  	[tilespmem:$0x9190] =	vst v0  }
0x29: {  	[tilespmem:$0x91A0] =	vst v0  }
0x2a: {  	[tilespmem:$0x91B0] =	vst v0  }
0x2b: {  	[tilespmem:$0x91C0] =	vst v0  }
0x2c: {  	[tilespmem:$0x91D0] =	vst v0  }
0x2d: {  	[tilespmem:$0x91E0] =	vst v0  }
0x2e: {  	[tilespmem:$0x91F0] =	vst v0  }
0x2f: {  	[tilespmem:$0x9200] =	vst v0  }
0x30: {  	[tilespmem:$0x9210] =	vst v0  }
0x31: {  	[tilespmem:$0x9220] =	vst v0  }
0x32: {  	[tilespmem:$0x9230] =	vst v0  }
0x33: {  	[tilespmem:$0x9240] =	vst v0  }
0x34: {  	[tilespmem:$0x9250] =	vst v0  }
0x35: {  	[tilespmem:$0x9260] =	vst v0  }
0x36: {  	[tilespmem:$0x9270] =	vst v0  }
0x37: {  	[tilespmem:$0x9280] =	vst v0  }
0x38: {  	[tilespmem:$0x9290] =	vst v0  }
0x39: {  	[tilespmem:$0x92A0] =	vst v0  }
0x3a: {  	[tilespmem:$0x92B0] =	vst v0  }
0x3b: {  	[tilespmem:$0x92C0] =	vst v0  }
0x3c: {  	[tilespmem:$0x92D0] =	vst v0  }
0x3d: {  	[tilespmem:$0x92E0] =	vst v0  }
0x3e: {  	[tilespmem:$0x92F0] =	vst v0  }
0x3f: {  	[tilespmem:$0x9300] =	vst v0  }
0x40: {  	[tilespmem:$0x9310] =	vst v0  }
0x41: {  	[tilespmem:$0x9320] =	vst v0  }
0x42: {  	[tilespmem:$0x9330] =	vst v0  }
0x43: {  	[tilespmem:$0x9340] =	vst v0  }
0x44: {  	[tilespmem:$0x9350] =	vst v0  }
0x45: {  	[tilespmem:$0x9360] =	vst v0  }
0x46: {  	[tilespmem:$0x9370] =	vst v0  }
0x47: {  	[tilespmem:$0x9380] =	vst v0  }
0x48: {  	[tilespmem:$0x9390] =	vst v0  }
0x49: {  	[tilespmem:$0x93A0] =	vst v0  }
0x4a: {  	[tilespmem:$0x93B0] =	vst v0  }
0x4b: {  	[tilespmem:$0x93C0] =	vst v0  }
0x4c: {  	[tilespmem:$0x93D0] =	vst v0  }
0x4d: {  	[tilespmem:$0x93E0] =	vst v0  }
0x4e: {  	[tilespmem:$0x93F0] =	vst v0;
	s18 =	sadd.s32 $0x0, s5  }
0x4f: {  	[spmem:s18] =	stream.linear.scatter [tilespmem:s10], [sflag:$0x2], $0x400, $0x38;
	[tilespmem:$0x1D000] =	vst v63  }
0x50: {  	s18 =	simm.s32 $0x1000;
	_ =	swait.ge [sflag:s11], $0x400  }
.LBB2_2:
0x51: {  	s19 =	sshra.s32 s18, $0x2;
	[sflag:s11] =	ssyncset.done $0x0;
	p0 =	sne.s32 s18, $0x4E000  }
.Ltmp0:
0x52: {  	s19 =	sadd.s32 s19, s5;
	[sflag:s11] =	ssyncadd.s32 $0xFFFFFC00;
	(pc) =	sbr.rel @p0 .LBB2_2-.Ltmp0, $3  }
0x53: {  	[spmem:s19] =	stream.linear.scatter [tilespmem:s10], [sflag:$0x2], $0x400, $0x38;
	[tilespmem:$0x1D000] =	vst v63  }
0x54: {  	s18 =	sadd.s32 $0x1000, s18;
	_ =	sdelay $0x1  }
0x55: {  	_ =	swait.ge [sflag:s11], $0x400  }
0x56: {  	[sflag:s11] =	ssyncset.done $0x0  }
0x57: {  	s18 =	simm.s32 $0x0;
	[sflag:s11] =	ssyncadd.s32 $0xFFFFFC00  }
0x58: {  	[tilespmem:s18], [sflag:$0x2] =	stream.linear.gather [hbm4b:s6+s18], $0x2780, $0x38;
	[tilespmem:$0x1D000] =	vst v63  }
0x59: {  	_ =	swait.ge [sflag:s11], $0x2780  }
0x5a: {  	[sflag:s11] =	ssyncset.done $0x0  }
0x5b: {  	[sflag:s11] =	ssyncadd.s32 $0xFFFFD880  }
0x5c: {  	[tilespmem:s12], [sflag:$0x2] =	stream.linear.gather [hbm4b:s7+s18], $0x2780, $0x38;
	[tilespmem:$0x1D000] =	vst v63  }
0x5d: {  	_ =	swait.ge [sflag:s11], $0x2780  }
0x5e: {  	[sflag:s11] =	ssyncset.done $0x0  }
0x5f: {  	[sflag:s11] =	ssyncadd.s32 $0xFFFFD880  }
0x60: {  	s30 =	simm.s32 $0x0;
	[bflag:$0x0] =	sbarrier.arrive $0xFFFF  }
0x61: {  	[tilespmem:s14], [sflag:$0x1] =	stream.indirect.gather [hbm4b:s4+s13], $0x80, s30, s13, $0xb8;
	[tilespmem:$0x1D000] =	vst v63  }
0x62: {  	_ =	swait.ge [sflag:s15], $0x4000  }
0x63: {  	[sflag:s15] =	ssyncset.done $0x0  }
0x64: {  	s31 =	simm.s32 $0x2800;
	[sflag:s15] =	ssyncadd.s32 $0xFFFFC000  }
0x65: {  	[spmem:s2] =	stream.indirect.scatter.add.f32 [tilespmem:s14], [sflag:$0x2], $0x80, s31, s13, $0xb8;
	[tilespmem:$0x1D000] =	vst v63  }
0x66: {  	_ =	swait.ge [sflag:s11], $0x4000  }
0x67: {  	s19 =	simm.s32 $0x400;
	s18 =	simm.s32 $0x200;
	[sflag:s11] =	ssyncset.done $0x0  }
.LBB2_4:
0x68: {  	s20 =	sshra.s32 s18, $0x2  }
0x69: {  	[sflag:s11] =	ssyncadd.s32 $0xFFFFC000;
	s18 =	smov.u32 s19;
	s21 =	sadd.s32 $0x200, s19  }
0x6a: {  	[tilespmem:s14], [sflag:$0x1] =	stream.indirect.gather [hbm4b:s4+s13], $0x80, s20, s13, $0xb8;
	[tilespmem:$0x1D000] =	vst v63  }
0x6b: {  	p0 =	sne.s32 s19, $0x9C00;
	_ =	swait.ge [sflag:s15], $0x4000  }
.Ltmp1:
0x6c: {  	[sflag:s15] =	ssyncset.done $0x0;
	(pc) =	sbr.rel @p0 .LBB2_4-.Ltmp1, $4  }
0x6d: {  	s19 =	sadd.s32 $0x2800, s20;
	[sflag:s15] =	ssyncadd.s32 $0xFFFFC000  }
0x6e: {  	[spmem:s2] =	stream.indirect.scatter.add.f32 [tilespmem:s14], [sflag:$0x2], $0x80, s19, s13, $0xb8;
	[tilespmem:$0x1D000] =	vst v63  }
0x6f: {  	_ =	swait.ge [sflag:s11], $0x4000  }
0x70: {  	s19 =	smov.u32 s21;
	[sflag:s11] =	ssyncset.done $0x0  }
0x71: {  	s18 =	sshra.s32 s18, $0x2;
	[sflag:s11] =	ssyncadd.s32 $0xFFFFC000  }
0x72: {  	[tilespmem:s14], [sflag:$0x1] =	stream.indirect.gather [hbm4b:s4+s13], $0x80, s18, s13, $0xb8;
	[tilespmem:$0x1D000] =	vst v63  }
0x73: {  	_ =	swait.ge [sflag:s15], $0x4000  }
0x74: {  	[sflag:s15] =	ssyncset.done $0x0  }
0x75: {  	s18 =	sadd.s32 $0x2800, s18;
	[sflag:s15] =	ssyncadd.s32 $0xFFFFC000  }
0x76: {  	[spmem:s2] =	stream.indirect.scatter.add.f32 [tilespmem:s14], [sflag:$0x2], $0x80, s18, s13, $0xb8;
	[tilespmem:$0x1D000] =	vst v63  }
0x77: {  	_ =	swait.ge [sflag:s11], $0x4000  }
0x78: {  	s3 =	sadd.s32 $0x1, s3;
	[sflag:s11] =	ssyncset.done $0x0  }
0x79: {  	p0 =	sne.s32 s3, s9;
	[sflag:s11] =	ssyncadd.s32 $0xFFFFC000  }
.Ltmp2:
0x7a: {  	[bflag:$0x0] =	sbarrier.arrive $0xFFFF;
	(pc) =	sbr.rel @p0 .LBB2_1-.Ltmp2, $4  }
0x7b: {  	[hbm:s8], [sflag:s16] =	dma.local [spmem:s17], $0x2780  }
0x7c: {  	_ =	swait.ge [sflag:s11], $0x2780  }
0x7d: {  	[sflag:s11] =	ssyncset.done $0x0  }
0x7e: {  	[sflag:s11] =	ssyncadd.s32 $0xFFFFD880  }
0x7f: {  	_ =	sfence.sel $0x180000  }
0x80: {  	[bflag:$0x0] =	sbarrier.arrive $0xFFFF  }
0x81: {  	p0 =	sne.s32 s0, $0x0;
	_ =	strace $0x90000050  }
0x82: {  	s0 =	sadd.s32 @!p0 $0x100000, s1;
	[bflag:$0x2] =	sbarrier.arrive $0xFFFF  }
0x83: {  	[sflag:s0] =	ssyncadd.tile.s32 @!p0 $0x1;
	_ =	shalt  }
.Lfunc_end2:
_tile_overlayer_lowered:
.L_overlay_start_2:
0x84: {  	(tag) =	ssettag $0x2  }
0x85: {  	s0 =	rddreg [dreg:$0x0];
	s2 =	stileid.u32  }
0x86: {  	s1 =	rddreg [dreg:$0x1];
	p0 =	sne.s32 s2, $0x0  }
0x87: {  	s3 =	rddreg [dreg:$0x2];
	[bflag:$0x3] =	sbarrier.arrive $0xFFFF;
	s2 =	simm.s32 @!p0 $0x1C02  }
0x88: {  	[timem:s3], [sflag:s2] =	dma.local @!p0 [hbm:s0], s1  }
0x89: {  	s0 =	simm.s32 @!p0 $0x2  }
0x8a: {  	_ =	swait.ge @!p0 [sflag:s0], s1  }
0x8b: {  	s1 =	ssub.s32 @!p0 $0x0, s1;
	[sflag:s0] =	ssyncset.done @!p0 $0x0  }
0x8c: {  	[sflag:s0] =	ssyncadd.s32 @!p0 s1  }
0x8d: {  	[bflag:$0x3] =	sbarrier.arrive $0xFFFF  }
0x8e: {  	_ =	shalt  }

// kernel: kernel.9.cloned.1.call-start
scs
__scs_entry_jumppad:
0x0: {  	(pc) =	sbr.rel $0x88, $3  }
0x1: {  	(tag) =	ssettag $0x0;
	lr =	simm.s32 $0x1  }
0x2: {  	[smem:$0x3F9A] =	sst lr;
	_ =	strace $0xD0000000  }
0x3: {  	_ = 	snop  }
0x4: {  	_ = 	snop  }
0x5: {  	_ = 	snop  }
0x6: {  	_ = 	snop  }
0x7: {  	_ = 	snop  }
__scs_overlays_trampoline_lowered:
0x8: {  	[smem:$0x3FA9] =	sst s0  }
0x9: {  	[smem:$0x3FAA] =	sst s1  }
0xa: {  	[smem:$0x3FAB] =	sst s2  }
0xb: {  	[smem:$0x3FAC] =	sst s3  }
0xc: {  	[smem:$0x3FAD] =	sst s4  }
0xd: {  	[smem:$0x3FAE] =	sst s5  }
0xe: {  	[smem:$0x3FAF] =	sst s6  }
0xf: {  	[smem:$0x3FB0] =	sst s7  }
0x10: {  	[smem:$0x3FB1] =	sst s8  }
0x11: {  	[smem:$0x3FB2] =	sst s9;
	s0 =	simm.s32 @!p0 $0x0  }
0x12: {  	s1 =	sld [smem:$0x3F98];
	s0 =	simm.s32 @p0 $0x1  }
0x13: {  	[smem:$0x3FB3] =	sst s0;
	s0 =	simm.s32 @!p1 $0x0  }
0x14: {  	s2 =	sld [smem:$0x3F97];
	s0 =	simm.s32 @p1 $0x1  }
0x15: {  	[smem:$0x3FB4] =	sst s0;
	s0 =	simm.s32 @!p2 $0x0  }
0x16: {  	s3 =	sld [smem:$0x3FDB];
	s0 =	simm.s32 @p2 $0x1  }
0x17: {  	s4 =	simm.s32 $0x1BF5;
	[smem:$0x3FB6] =	sst s0  }
0x18: {  	s0 =	sld [smem:$0x3F99];
	_ =	swait.ge [sflag:s4], $0x0  }
0x19: {  	s7 =	sld [smem:$0x3F9A]  }
0x1a: {  	s8 =	sadd.s32 $0xFFFFE003, lr  }
0x1b: {  	s9 =	sadd.s32 $0xFFFFFEF7, lr;
	s5 =	simm.s32 $0xFFFFFFFF;
	p2 =	slt.u32 s8, $0xFFFFF086  }
0x1c: {  	p1 =	slt.u32 s9, $0xF7A;
	s5 =	simm.s32 @!p2 $0x0  }
0x1d: {  	s5 =	simm.s32 @p1 $0x1;
	p0 =	seq.s32 s7, s2  }
0x1e: {  	s7 =	smul.u32 @!p0 $0xF7A, s2;
	p2 =	seq.s32 @!p0 s5, $0x0  }
0x1f: {  	s9 =	smul.u32 $0xF7A, s1;
	s8 =	simm.s32 @!p0 $0x1BF5;
	p2 =	por !p2, p0  }
0x20: {  	[sflag:s8] =	ssyncset.s32 @!p0 $0xFFFFF086;
	s6 =	sadd.s32 @!p0 s3, s7;
	s7 =	simm.s32 @!p0 $0x108  }
0x21: {  	s3 =	sadd.s32 s3, s9;
	s6 =	sadd.s32 @!p0 $0x88, s6;
	s7 =	simm.s32 @p2 $0x1082  }
0x22: {  	[simem:s7], [sflag:s8] =	dma.local @!p0 [hbm:s6], $0xF7A  }
0x23: {  	s9 =	sor.u32 $0xD0000000, s2;
	s6 =	simm.s32 $0x108;
	_ =	swait.ge @!p0 [sflag:s8], $0x0  }
0x24: {  	s3 =	sadd.s32 $0x88, s3;
	s6 =	simm.s32 @!p1 $0x1082;
	[sflag:s4] =	ssyncset.s32 $0xFFFFF086  }
0x25: {  	[simem:s6], [sflag:s4] =	dma.local [hbm:s3], $0xF7A  }
0x26: {  	[smem:$0x3F9A] =	sst s1;
	(tag) =	ssettag s2;
	_ =	strace s9  }
0x27: {  	s1 =	sld [smem:$0x3FAA]  }
0x28: {  	s2 =	sld [smem:$0x3FAB]  }
0x29: {  	s4 =	sld [smem:$0x3FAD]  }
0x2a: {  	p0 =	seq.s32 s5, $0x0;
	s5 =	sld [smem:$0x3FAE]  }
0x2b: {  	s6 =	sld [smem:$0x3FAF]  }
0x2c: {  	s7 =	sld [smem:$0x3FB0]  }
0x2d: {  	s3 =	simm.s32 $0x108;
	s8 =	sld [smem:$0x3FB1]  }
0x2e: {  	s3 =	simm.s32 @!p0 $0x1082;
	s9 =	sld [smem:$0x3FB2]  }
0x2f: {  	lr =	sadd.s32 s0, s3;
	s0 =	sld [smem:$0x3FA9]  }
0x30: {  	s3 =	sld [smem:$0x3FAC]  }
0x31: {  	[smem:$0x3FB5] =	sst s10  }
0x32: {  	s10 =	sld [smem:$0x3FB3];
	_ =	sdelay $0x3  }
0x33: {  	p0 =	seq.s32 s10, $0x1;
	s10 =	sld [smem:$0x3FB5];
	_ =	sdelay $0x3  }
0x34: {  	[smem:$0x3FB5] =	sst s10  }
0x35: {  	s10 =	sld [smem:$0x3FB4];
	_ =	sdelay $0x3  }
0x36: {  	p1 =	seq.s32 s10, $0x1;
	s10 =	sld [smem:$0x3FB5];
	_ =	sdelay $0x3  }
0x37: {  	[smem:$0x3FB5] =	sst s10  }
0x38: {  	s10 =	sld [smem:$0x3FB6]  }
0x39: {  	_ = 	snop;
	(pc) =	sbr.ind lr, $3  }
0x3a: {  	_ = 	snop  }
0x3b: {  	_ = 	snop  }
0x3c: {  	p2 =	seq.s32 s10, $0x1;
	s10 =	sld [smem:$0x3FB5]  }
0x3d: {  	_ =	shalt  }
0x3e: {  	_ =	shalt  }
0x3f: {  	_ =	shalt  }
0x40: {  	_ =	shalt  }
0x41: {  	_ =	shalt  }
0x42: {  	_ =	shalt  }
0x43: {  	_ =	shalt  }
0x44: {  	_ =	shalt  }
0x45: {  	_ =	shalt  }
0x46: {  	_ =	shalt  }
0x47: {  	_ =	shalt  }
0x48: {  	_ =	shalt  }
0x49: {  	_ =	shalt  }
0x4a: {  	_ =	shalt  }
0x4b: {  	_ =	shalt  }
0x4c: {  	_ =	shalt  }
0x4d: {  	_ =	shalt  }
0x4e: {  	_ =	shalt  }
0x4f: {  	_ =	shalt  }
0x50: {  	_ =	shalt  }
0x51: {  	_ =	shalt  }
0x52: {  	_ =	shalt  }
0x53: {  	_ =	shalt  }
0x54: {  	_ =	shalt  }
0x55: {  	_ =	shalt  }
0x56: {  	_ =	shalt  }
0x57: {  	_ =	shalt  }
0x58: {  	_ =	shalt  }
0x59: {  	_ =	shalt  }
0x5a: {  	_ =	shalt  }
0x5b: {  	_ =	shalt  }
0x5c: {  	_ =	shalt  }
0x5d: {  	_ =	shalt  }
0x5e: {  	_ =	shalt  }
0x5f: {  	_ =	shalt  }
0x60: {  	_ =	shalt  }
0x61: {  	_ =	shalt  }
0x62: {  	_ =	shalt  }
0x63: {  	_ =	shalt  }
0x64: {  	_ =	shalt  }
0x65: {  	_ =	shalt  }
0x66: {  	_ =	shalt  }
0x67: {  	_ =	shalt  }
0x68: {  	_ =	shalt  }
0x69: {  	_ =	shalt  }
0x6a: {  	_ =	shalt  }
0x6b: {  	_ =	shalt  }
0x6c: {  	_ =	shalt  }
0x6d: {  	_ =	shalt  }
0x6e: {  	_ =	shalt  }
0x6f: {  	_ =	shalt  }
0x70: {  	_ =	shalt  }
0x71: {  	_ =	shalt  }
0x72: {  	_ =	shalt  }
0x73: {  	_ =	shalt  }
0x74: {  	_ =	shalt  }
0x75: {  	_ =	shalt  }
0x76: {  	_ =	shalt  }
0x77: {  	_ =	shalt  }
0x78: {  	_ =	shalt  }
0x79: {  	_ =	shalt  }
0x7a: {  	_ =	shalt  }
0x7b: {  	_ =	shalt  }
0x7c: {  	_ =	shalt  }
0x7d: {  	_ =	shalt  }
0x7e: {  	_ =	shalt  }
0x7f: {  	_ =	shalt  }
0x80: {  	_ =	shalt  }
0x81: {  	_ =	shalt  }
0x82: {  	_ =	shalt  }
0x83: {  	_ =	shalt  }
0x84: {  	_ =	shalt  }
0x85: {  	_ =	shalt  }
0x86: {  	_ =	shalt  }
0x87: {  	_ =	shalt  }
.Lfunc_end0:
.L_simem_size_0:
called_computation_lowered:
.L_overlay_start_0:
0x88: {  	s2 =	sld [smem:$0x3FD9]  }
0x89: {  	s3 =	sld [smem:$0x3FFE];
	_ =	sdelay $0x1  }
0x8a: {  	s1 =	srdreg.scid  }
0x8b: {  	s0 =	sand.u32 $0x1, s1  }
0x8c: {  	s16 =	sshll.u32 s0, $0xA;
	s2 =	sadd.s32 s3, s2  }
0x8d: {  	s2 =	sadd.s32 s2, s16  }
0x8e: {  	[smem:$0x3FC1] =	sst s2  }
0x8f: {  	_ = 	snop  }
0x90: {  	(tm) =	ssettm $0x1  }
0x91: {  	s17 =	sld [smem:$0x3FFB];
	_ =	sdelay $0x3  }
0x92: {  	_ =	strace s17  }
0x93: {  	s2 =	sld [smem:$0x3FFC];
	_ =	sdelay $0x3  }
0x94: {  	_ =	strace s2  }
0x95: {  	s2 =	sld [smem:$0x3FFD];
	_ =	sdelay $0x3  }
0x96: {  	_ =	strace s2  }
0x97: {  	_ =	strace $0x8FFFFFFF  }
0x98: {  	s18 =	sld [smem:$0x3FDB];
	_ =	sdelay $0x1  }
0x99: {  	s19 =	simm.s32 $_scs_section_size  }
0x9a: {  	s4 =	simm.s32 $_size__tile_overlayer_lowered;
	s5 =	simm.s32 $_tile_overlayer_lowered  }
0x9b: {  	s22 =	simm.s32 $0x1BFF;
	s21 =	sshll.u32 s5, $0x1;
	s2 =	sadd.s32 s19, s18  }
0x9c: {  	s6 =	simm.s32 $0x0;
	s20 =	sshll.u32 s4, $0x1;
	s4 =	sadd.s32 s21, s2  }
0x9d: {  	[timem:s6], [sflag:s22] =	dma.local [hbm:s4], s20  }
0x9e: {  	_ =	swait.ge [sflag:s22], s20  }
0x9f: {  	s3 =	ssub.s32 $0x0, s20;
	[sflag:s22] =	ssyncset.done $0x0  }
0xa0: {  	[sflag:s22] =	ssyncadd.s32 s3;
	_ =	sdelay $0x1  }
0xa1: {  	s23 =	simm.s32 $0x1B8B  }
0xa2: {  	_ =	swait.ge [sflag:s23], $0x1  }
0xa3: {  	[sflag:s23] =	ssyncset.done $0x0  }
0xa4: {  	s25 =	simm.s32 $0x1B8E;
	s24 =	sld [smem:$0x3FFE];
	[sflag:s23] =	ssyncadd.s32 $0xFFFFFFFF  }
0xa5: {  	s26 =	simm.s32 $execute0_lowered;
	[smem:$0x3FD2] =	sst s25  }
0xa6: {  	s4 =	sshll.u32 s26, $0x1;
	_ =	strace $0x80000046;
	[dreg:$0x1] =	wrdreg $0xFFFFFFFF  }
0xa7: {  	s28 =	simm.s32 $_size_execute0_lowered;
	s2 =	sadd.s32 s2, s4;
	[dreg:$0x0] =	wrdreg $0x0  }
0xa8: {  	s4 =	sshll.u32 s28, $0x1;
	[dreg:$0x2] =	wrdreg s2  }
0xa9: {  	[dreg:$0x3] =	wrdreg s4  }
0xaa: {  	[dreg:$0x4] =	wrdreg $0xC0  }
0xab: {  	_ =	task [dreg:s6], $0x5FFFF  }
0xac: {  	[dreg:$0x1] =	wrdreg $0xFFFFFFFF  }
0xad: {  	[dreg:$0x0] =	wrdreg $0x60  }
0xae: {  	[dreg:$0x2] =	wrdreg s24  }
0xaf: {  	[dreg:$0x3] =	wrdreg $0x6C000  }
0xb0: {  	[dreg:$0x4] =	wrdreg $0xA  }
0xb1: {  	_ =	task.clear_ibuf [dreg:s6], $0x5FFFF;
	_ =	strace $0x90000046  }
0xb2: {  	s29 =	simm.s32 $0xA;
	_ =	strace $0x80000048  }
0xb3: {  	_ =	swait.ge [sflag:s29], $0x1  }
0xb4: {  	[sflag:s29] =	ssyncadd.s32 $0xFFFFFFFF  }
0xb5: {  	_ =	strace $0x90000048  }
0xb6: {  	_ =	sfence  }
0xb7: {  	s30 =	sld [smem:$0x0];
	_ =	sdelay $0x2  }
0xb8: {  	s31 =	sshll.u32 s1, $0xD;
	s1 =	sshrl.u32 s1, $0x2  }
0xb9: {  	s3 =	sand.u32 $0x4000, s31;
	s1 =	sadd.s32 s1, s30  }
0xba: {  	s0 =	sor.u32 s3, s0;
	s1 =	sshll.u32 s1, $0x11  }
0xbb: {  	s0 =	sor.u32 s1, s0  }
0xbc: {  	s0 =	sadd.s32 $0x8F2B, s0  }
0xbd: {  	[sflag:s0] =	ssyncadd.remote.s32 $0x1  }
0xbe: {  	_ =	sfence.sel $0xFFFF  }
0xbf: {  	[dreg:$0x0] =	wrdreg $0xFFFFFFFF;
	(pc) =	sbr.abs _section_cstart, $3  }
0xc0: {  	[dreg:$0x1] =	wrdreg $0xFFFFFFFF  }
0xc1: {  	_ =	task.clear_ibuf [dreg:s6], $0x2FFFF;
	_ =	strace $0x9FFFFFFF  }
0xc2: {  	(tm) =	ssettm $0x7FFFFFFF  }
0xc3: {  	_ =	shalt  }
tec
execute0_lowered:
.L_overlay_start_1:
0x0: {  	(tag) =	ssettag $0x1  }
0x1: {  	s4 =	rddreg [dreg:$0x0]  }
0x2: {  	s0 =	srdreg.scid;
	s2 =	rddreg [dreg:$0x1]  }
0x3: {  	s1 =	rddreg [dreg:$0x2];
	s5 =	sand.u32 $0x1, s0  }
0x4: {  	s0 =	stileid.u32;
	s6 =	smul.u32 $0x28000, s5  }
0x5: {  	s3 =	simm.s32 $0x0;
	s12 =	simm.s32 $0x80;
	s7 =	smul.u32 $0x2800, s0  }
0x6: {  	s13 =	simm.s32 $0x2800;
	[smem:$0x7FF] =	sst s3;
	s8 =	smul.u32 $0x278000, s5  }
0x7: {  	s26 =	smul.u32 $0x13C00, s0;
	_ =	strace $0x80000047;
	s5 =	ssub.s32 $0x2, s5  }
0x8: {  	s9 =	smul.u32 $0x4F000, s0;
	s14 =	sshll.u32 s0, $0x6;
	s29 =	sshrl.u32 s5, $0x1  }
0x9: {  	s14 =	sor.u32 $0x1C01, s14;
	s6 =	sadd.s32 s7, s6;
	s28 =	sadd.s32 s26, s8  }
0xa: {  	s30 =	sshrl.u32 s9, $0x2;
	s11 =	ssub.s32 s5, s29;
	s6 =	sshrl.u32 s6, $0x3  }
0xb: {  	s9 =	smax.u32 s11, $0x1;
	s10 =	sadd.s32 s6, s4;
	s6 =	sshrl.u32 s28, $0x3  }
0xc: {  	s11 =	simm.s32 $0x1;
	s31 =	sadd.s32 s6, s4;
	s4 =	sadd.s32 s30, s2  }
0xd: {  	s5 =	sadd.s32 $0x1800, s10;
	s7 =	sadd.s32 $0xB800, s10;
	s10 =	simm.s32 $0x6800  }
0xe: {  	v0 =	vimm.f32 $1.000000000e+00;
	v1 =	vimm.f32 $0.0e+00;
	s6 =	sadd.s32 $0x15800, s31;
	s8 =	sadd.s32 $0x3D000, s31;
	s15 =	sshrl.u32 s4, $0x3  }
.LBB2_1:
0xf: {  	s16 =	simm.s32 $0x0;
	s17 =	simm.s32 $0x200  }
.LBB2_2:
0x10: {  	p0 =	sne.s32 s17, $0xFE00;
	[tilespmem:s16+$0x2870] =	vst v0  }
0x11: {  	[tilespmem:s16+$0x2800] =	vst v0  }
0x12: {  	[tilespmem:s16+$0x2810] =	vst v0  }
.Ltmp0:
0x13: {  	[tilespmem:s16+$0x2820] =	vst v0;
	(pc) =	sbr.rel @p0 .LBB2_2-.Ltmp0, $4  }
0x14: {  	[tilespmem:s16+$0x2830] =	vst v0  }
0x15: {  	[tilespmem:s16+$0x2840] =	vst v0  }
0x16: {  	[tilespmem:s16+$0x2850] =	vst v0  }
0x17: {  	[tilespmem:s16+$0x2860] =	vst v0;
	s16 =	sshra.s32 s17, $0x2;
	s17 =	sadd.s32 $0x200, s17  }
0x18: {  	[tilespmem:s16+$0x2870] =	vst v0  }
0x19: {  	[tilespmem:s16+$0x2800] =	vst v0  }
0x1a: {  	[tilespmem:s16+$0x2810] =	vst v0  }
0x1b: {  	[tilespmem:s16+$0x2820] =	vst v0  }
0x1c: {  	[tilespmem:s16+$0x2830] =	vst v0  }
0x1d: {  	[tilespmem:s16+$0x2840] =	vst v0  }
0x1e: {  	[tilespmem:s16+$0x2850] =	vst v0  }
0x1f: {  	[tilespmem:s16+$0x2860] =	vst v0  }
0x20: {  	[tilespmem:$0x6800] =	vst v1  }
0x21: {  	[tilespmem:$0x6810] =	vst v1  }
0x22: {  	[tilespmem:$0x6820] =	vst v1  }
0x23: {  	[tilespmem:$0x6830] =	vst v1  }
0x24: {  	[tilespmem:$0x6840] =	vst v1  }
0x25: {  	[tilespmem:$0x6850] =	vst v1  }
0x26: {  	[tilespmem:$0x6860] =	vst v1  }
0x27: {  	[tilespmem:$0x6870] =	vst v1  }
0x28: {  	[tilespmem:$0x6880] =	vst v1  }
0x29: {  	[tilespmem:$0x6890] =	vst v1  }
0x2a: {  	[tilespmem:$0x68A0] =	vst v1  }
0x2b: {  	[tilespmem:$0x68B0] =	vst v1  }
0x2c: {  	[tilespmem:$0x68C0] =	vst v1  }
0x2d: {  	[tilespmem:$0x68D0] =	vst v1  }
0x2e: {  	[tilespmem:$0x68E0] =	vst v1  }
0x2f: {  	[tilespmem:$0x68F0] =	vst v1  }
0x30: {  	[tilespmem:$0x6900] =	vst v1  }
0x31: {  	[tilespmem:$0x6910] =	vst v1  }
0x32: {  	[tilespmem:$0x6920] =	vst v1  }
0x33: {  	[tilespmem:$0x6930] =	vst v1  }
0x34: {  	[tilespmem:$0x6940] =	vst v1  }
0x35: {  	[tilespmem:$0x6950] =	vst v1  }
0x36: {  	[tilespmem:$0x6960] =	vst v1  }
0x37: {  	[tilespmem:$0x6970] =	vst v1  }
0x38: {  	[tilespmem:$0x6980] =	vst v1  }
0x39: {  	[tilespmem:$0x6990] =	vst v1  }
0x3a: {  	[tilespmem:$0x69A0] =	vst v1  }
0x3b: {  	[tilespmem:$0x69B0] =	vst v1  }
0x3c: {  	[tilespmem:$0x69C0] =	vst v1  }
0x3d: {  	[tilespmem:$0x69D0] =	vst v1  }
0x3e: {  	[tilespmem:$0x69E0] =	vst v1  }
0x3f: {  	[tilespmem:$0x69F0] =	vst v1  }
0x40: {  	[tilespmem:$0x6A00] =	vst v1  }
0x41: {  	[tilespmem:$0x6A10] =	vst v1  }
0x42: {  	[tilespmem:$0x6A20] =	vst v1  }
0x43: {  	[tilespmem:$0x6A30] =	vst v1  }
0x44: {  	[tilespmem:$0x6A40] =	vst v1  }
0x45: {  	[tilespmem:$0x6A50] =	vst v1  }
0x46: {  	[tilespmem:$0x6A60] =	vst v1  }
0x47: {  	[tilespmem:$0x6A70] =	vst v1  }
0x48: {  	[tilespmem:$0x6A80] =	vst v1  }
0x49: {  	[tilespmem:$0x6A90] =	vst v1  }
0x4a: {  	[tilespmem:$0x6AA0] =	vst v1  }
0x4b: {  	[tilespmem:$0x6AB0] =	vst v1  }
0x4c: {  	[tilespmem:$0x6AC0] =	vst v1  }
0x4d: {  	[tilespmem:$0x6AD0] =	vst v1  }
0x4e: {  	[tilespmem:$0x6AE0] =	vst v1  }
0x4f: {  	[tilespmem:$0x6AF0] =	vst v1  }
0x50: {  	[tilespmem:$0x6B00] =	vst v1  }
0x51: {  	[tilespmem:$0x6B10] =	vst v1  }
0x52: {  	[tilespmem:$0x6B20] =	vst v1  }
0x53: {  	[tilespmem:$0x6B30] =	vst v1  }
0x54: {  	[tilespmem:$0x6B40] =	vst v1  }
0x55: {  	[tilespmem:$0x6B50] =	vst v1  }
0x56: {  	[tilespmem:$0x6B60] =	vst v1  }
0x57: {  	[tilespmem:$0x6B70] =	vst v1  }
0x58: {  	[tilespmem:$0x6B80] =	vst v1  }
0x59: {  	[tilespmem:$0x6B90] =	vst v1  }
0x5a: {  	[tilespmem:$0x6BA0] =	vst v1  }
0x5b: {  	[tilespmem:$0x6BB0] =	vst v1  }
0x5c: {  	[tilespmem:$0x6BC0] =	vst v1  }
0x5d: {  	[tilespmem:$0x6BD0] =	vst v1  }
0x5e: {  	[tilespmem:$0x6BE0] =	vst v1  }
0x5f: {  	s31 =	sadd.s32 $0x0, s4;
	[tilespmem:$0x6BF0] =	vst v1  }
0x60: {  	[spmem:s31] =	stream.linear.scatter [tilespmem:s10], [sflag:$0x1], $0x400, $0x38;
	[tilespmem:$0x1A800] =	vst v63  }
0x61: {  	s16 =	simm.s32 $0x1000;
	_ =	swait.ge [sflag:s11], $0x400  }
.LBB2_4:
0x62: {  	s17 =	sshra.s32 s16, $0x2;
	[sflag:s11] =	ssyncset.done $0x0;
	p0 =	sne.s32 s16, $0x4E000  }
.Ltmp1:
0x63: {  	s17 =	sadd.s32 s17, s4;
	[sflag:s11] =	ssyncadd.s32 $0xFFFFFC00;
	(pc) =	sbr.rel @p0 .LBB2_4-.Ltmp1, $3  }
0x64: {  	[spmem:s17] =	stream.linear.scatter [tilespmem:s10], [sflag:$0x1], $0x400, $0x38;
	[tilespmem:$0x1A800] =	vst v63  }
0x65: {  	s16 =	sadd.s32 $0x1000, s16;
	_ =	sdelay $0x1  }
0x66: {  	_ =	swait.ge [sflag:s11], $0x400  }
0x67: {  	[sflag:s11] =	ssyncset.done $0x0  }
0x68: {  	s16 =	simm.s32 $0x0;
	[sflag:s11] =	ssyncadd.s32 $0xFFFFFC00  }
0x69: {  	[tilespmem:s16], [sflag:$0x1] =	stream.linear.gather [hbm4b:s5+s16], $0x2780, $0x38;
	[tilespmem:$0x1A800] =	vst v63  }
0x6a: {  	_ =	swait.ge [sflag:s11], $0x2780  }
0x6b: {  	[sflag:s11] =	ssyncset.done $0x0  }
0x6c: {  	[sflag:s11] =	ssyncadd.s32 $0xFFFFD880  }
0x6d: {  	s31 =	simm.s32 $0x0;
	[bflag:$0x0] =	sbarrier.arrive $0xFFFF  }
0x6e: {  	[spmem:s2] =	stream.indirect.scatter.add.f32 [tilespmem:s13], [sflag:$0x1], $0x80, s31, s12, $0xb8;
	[tilespmem:$0x1A800] =	vst v63  }
0x6f: {  	_ =	swait.ge [sflag:s11], $0x4000  }
0x70: {  	s16 =	simm.s32 $0x200;
	[sflag:s11] =	ssyncset.done $0x0  }
.LBB2_6:
0x71: {  	s17 =	sshra.s32 s16, $0x2;
	[sflag:s11] =	ssyncadd.s32 $0xFFFFC000;
	p0 =	sne.s32 s16, $0x9C00  }
0x72: {  	[spmem:s2] =	stream.indirect.scatter.add.f32 [tilespmem:s13], [sflag:$0x1], $0x80, s17, s12, $0xb8;
	[tilespmem:$0x1A800] =	vst v63  }
.Ltmp2:
0x73: {  	_ = 	snop;
	(pc) =	sbr.rel @p0 .LBB2_6-.Ltmp2, $4  }
0x74: {  	_ = 	snop  }
0x75: {  	s16 =	sadd.s32 $0x200, s16  }
0x76: {  	_ =	swait.ge [sflag:s11], $0x4000  }
0x77: {  	[sflag:s11] =	ssyncset.done $0x0  }
0x78: {  	[sflag:s11] =	ssyncadd.s32 $0xFFFFC000  }
0x79: {  	[bflag:$0x0] =	sbarrier.arrive $0xFFFF  }
0x7a: {  	[hbm:s6], [sflag:s14] =	dma.local [spmem:s15], $0x2780  }
0x7b: {  	_ =	swait.ge [sflag:s11], $0x2780  }
0x7c: {  	[sflag:s11] =	ssyncset.done $0x0  }
0x7d: {  	s16 =	sadd.s32 $0x0, s4;
	[sflag:s11] =	ssyncadd.s32 $0xFFFFD880  }
0x7e: {  	[spmem:s16] =	stream.linear.scatter [tilespmem:s10], [sflag:$0x1], $0x400, $0x38;
	[tilespmem:$0x1A800] =	vst v63  }
0x7f: {  	s16 =	simm.s32 $0x1000;
	_ =	swait.ge [sflag:s11], $0x400  }
.LBB2_8:
0x80: {  	s17 =	sshra.s32 s16, $0x2;
	[sflag:s11] =	ssyncset.done $0x0;
	p0 =	sne.s32 s16, $0x4E000  }
.Ltmp3:
0x81: {  	s17 =	sadd.s32 s17, s4;
	[sflag:s11] =	ssyncadd.s32 $0xFFFFFC00;
	(pc) =	sbr.rel @p0 .LBB2_8-.Ltmp3, $3  }
0x82: {  	[spmem:s17] =	stream.linear.scatter [tilespmem:s10], [sflag:$0x1], $0x400, $0x38;
	[tilespmem:$0x1A800] =	vst v63  }
0x83: {  	s16 =	sadd.s32 $0x1000, s16;
	_ =	sdelay $0x1  }
0x84: {  	_ =	swait.ge [sflag:s11], $0x400  }
0x85: {  	[sflag:s11] =	ssyncset.done $0x0  }
0x86: {  	[sflag:s11] =	ssyncadd.s32 $0xFFFFFC00  }
0x87: {  	s16 =	simm.s32 $0x0;
	[bflag:$0x0] =	sbarrier.arrive $0xFFFF  }
0x88: {  	[tilespmem:s16], [sflag:$0x1] =	stream.linear.gather [hbm4b:s7+s16], $0x2780, $0x38;
	[tilespmem:$0x1A800] =	vst v63  }
0x89: {  	_ =	swait.ge [sflag:s11], $0x2780  }
0x8a: {  	[sflag:s11] =	ssyncset.done $0x0  }
0x8b: {  	[sflag:s11] =	ssyncadd.s32 $0xFFFFD880  }
0x8c: {  	s31 =	simm.s32 $0x0;
	[bflag:$0x0] =	sbarrier.arrive $0xFFFF  }
0x8d: {  	[spmem:s2] =	stream.indirect.scatter.add.f32 [tilespmem:s13], [sflag:$0x1], $0x80, s31, s12, $0xb8;
	[tilespmem:$0x1A800] =	vst v63  }
0x8e: {  	_ =	swait.ge [sflag:s11], $0x4000  }
0x8f: {  	s16 =	simm.s32 $0x200;
	[sflag:s11] =	ssyncset.done $0x0  }
.LBB2_10:
0x90: {  	s17 =	sshra.s32 s16, $0x2;
	[sflag:s11] =	ssyncadd.s32 $0xFFFFC000;
	p0 =	sne.s32 s16, $0x9C00  }
0x91: {  	[spmem:s2] =	stream.indirect.scatter.add.f32 [tilespmem:s13], [sflag:$0x1], $0x80, s17, s12, $0xb8;
	[tilespmem:$0x1A800] =	vst v63  }
.Ltmp4:
0x92: {  	_ = 	snop;
	(pc) =	sbr.rel @p0 .LBB2_10-.Ltmp4, $4  }
0x93: {  	_ = 	snop  }
0x94: {  	s16 =	sadd.s32 $0x200, s16  }
0x95: {  	_ =	swait.ge [sflag:s11], $0x4000  }
0x96: {  	[sflag:s11] =	ssyncset.done $0x0  }
0x97: {  	s3 =	sadd.s32 $0x1, s3  }
0x98: {  	[sflag:s11] =	ssyncadd.s32 $0xFFFFC000;
	p0 =	sne.s32 s3, s9  }
.Ltmp5:
0x99: {  	[bflag:$0x0] =	sbarrier.arrive $0xFFFF;
	(pc) =	sbr.rel @p0 .LBB2_1-.Ltmp5, $4  }
0x9a: {  	[hbm:s8], [sflag:s14] =	dma.local [spmem:s15], $0x2780  }
0x9b: {  	_ =	swait.ge [sflag:s11], $0x2780  }
0x9c: {  	[sflag:s11] =	ssyncset.done $0x0  }
0x9d: {  	[sflag:s11] =	ssyncadd.s32 $0xFFFFD880  }
0x9e: {  	_ =	sfence.sel $0x180000  }
0x9f: {  	[bflag:$0x0] =	sbarrier.arrive $0xFFFF  }
0xa0: {  	p0 =	sne.s32 s0, $0x0;
	_ =	strace $0x90000047  }
0xa1: {  	s0 =	sadd.s32 @!p0 $0x100000, s1;
	[bflag:$0x2] =	sbarrier.arrive $0xFFFF  }
0xa2: {  	[sflag:s0] =	ssyncadd.tile.s32 @!p0 $0x1;
	_ =	shalt  }
.Lfunc_end2:
_tile_overlayer_lowered:
.L_overlay_start_2:
0xa3: {  	(tag) =	ssettag $0x2  }
0xa4: {  	s0 =	rddreg [dreg:$0x0];
	s2 =	stileid.u32  }
0xa5: {  	s1 =	rddreg [dreg:$0x1];
	p0 =	sne.s32 s2, $0x0  }
0xa6: {  	s3 =	rddreg [dreg:$0x2];
	[bflag:$0x3] =	sbarrier.arrive $0xFFFF;
	s2 =	simm.s32 @!p0 $0x1C01  }
0xa7: {  	[timem:s3], [sflag:s2] =	dma.local @!p0 [hbm:s0], s1  }
0xa8: {  	s0 =	simm.s32 @!p0 $0x1  }
0xa9: {  	_ =	swait.ge @!p0 [sflag:s0], s1  }
0xaa: {  	s1 =	ssub.s32 @!p0 $0x0, s1;
	[sflag:s0] =	ssyncset.done @!p0 $0x0  }
0xab: {  	[sflag:s0] =	ssyncadd.s32 @!p0 s1  }
0xac: {  	[bflag:$0x3] =	sbarrier.arrive $0xFFFF  }
0xad: {  	_ =	shalt  }

</sc_bundles>
